<compile_context>
chip_gen: v7x
topology: tpu7x:2x2x1
jax: 0.10.2.dev20260603
libtpu: 0.0.44.dev20260713+nightly
codegen_flags: <defaults>
</compile_context>

<pallas_src>
import functools

import jax
import jax.numpy as jnp
from jax import lax
from jax.experimental import pallas as pl
from jax.experimental.pallas import tpu as pltpu
from jax.experimental.pallas import tpu_sc as plsc

D_MODEL = 64
BATCH = 4096
N_MOTIFS = 200
NUM_WORKERS = 32
BC = 512
CPM = BATCH // BC
N_BLOCKS = N_MOTIFS * CPM
BPW = N_BLOCKS // NUM_WORKERS
LANES = 16
V_PER_BLK = BC // LANES


def _sc_encode(sT, e0b_in, db_in):
    mesh = plsc.VectorSubcoreMesh(core_axis_name="c", subcore_axis_name="s")

    @functools.partial(
        pl.kernel,
        mesh=mesh,
        out_type=jax.ShapeDtypeStruct((N_MOTIFS, D_MODEL, BATCH), jnp.float32),
        scratch_types=[
            pltpu.VMEM((2, BC), jnp.int32),
            pltpu.VMEM((BC,), jnp.float32),
            pltpu.VMEM((2, D_MODEL, BC), jnp.float32),
            pltpu.VMEM((D_MODEL, LANES), jnp.float32),
            pltpu.VMEM((D_MODEL, LANES), jnp.float32),
            pltpu.SemaphoreType.DMA,
            pltpu.SemaphoreType.DMA,
        ],
    )
    def k(sT_hbm, e0b_hbm, db_hbm, out_hbm, s_v, sf_v, buf, e0b, db, sem_s,
          sem_w):
        wid = lax.axis_index("s") * 2 + lax.axis_index("c")
        base = wid * BPW
        full16 = pl.ds(0, LANES)

        pltpu.sync_copy(e0b_hbm, e0b)
        pltpu.sync_copy(db_hbm, db)

        def blk_mc(k_):
            blk = base + k_
            return blk // CPM, (blk % CPM) * BC

        def s_load(k_, b):
            m, c = blk_mc(k_)
            pltpu.async_copy(sT_hbm.at[m, pl.ds(c, BC)], s_v.at[b], sem_s)

        def s_wait(k_, b):
            m, c = blk_mc(k_)
            pltpu.make_async_copy(sT_hbm.at[m, pl.ds(c, BC)], s_v.at[b],
                                  sem_s).wait()

        def writeout(k_, b):
            m, c = blk_mc(k_)
            pltpu.async_copy(buf.at[b], out_hbm.at[m, :, pl.ds(c, BC)], sem_w)

        def writeout_wait(k_, b):
            m, c = blk_mc(k_)
            pltpu.make_async_copy(buf.at[b], out_hbm.at[m, :, pl.ds(c, BC)],
                                  sem_w).wait()

        def compute(b):
            @plsc.parallel_loop(0, V_PER_BLK, unroll=8)
            def conv(v):
                sl = pl.ds(v * LANES, LANES)
                sf_v[sl] = s_v.at[b][sl].astype(jnp.float32)

            @plsc.parallel_loop(0, D_MODEL, unroll=8)
            def e_loop(e):
                e0s = e0b.at[e][full16]
                des = db.at[e][full16]
                row = buf.at[b].at[e]
                for v in range(V_PER_BLK):
                    sl = pl.ds(v * LANES, LANES)
                    row[sl] = e0s + des * sf_v[sl]

        s_load(0, 0)

        def body(t, carry):
            for b in (0, 1):
                k_ = 2 * t + b
                nb = 1 - b
                s_wait(k_, b)
                if b == 0:
                    s_load(k_ + 1, nb)
                else:
                    pl.when(t < BPW // 2 - 1)(lambda: s_load(k_ + 1, nb))
                pl.when(t > 0)(lambda: writeout_wait(k_ - 2, b))
                compute(b)
                writeout(k_, b)
            return carry

        lax.fori_loop(0, BPW // 2, body, 0)

        writeout_wait(BPW - 2, 0)
        writeout_wait(BPW - 1, 1)

    return k(sT, e0b_in, db_in)


def kernel(strands, strand_embed):
    sT = strands.T.astype(jnp.int32)
    e0b = jnp.broadcast_to(strand_embed[0][:, None], (D_MODEL, LANES))
    db = jnp.broadcast_to((strand_embed[1] - strand_embed[0])[:, None],
                          (D_MODEL, LANES))
    out = _sc_encode(sT, e0b, db)
    return jnp.transpose(out, (2, 0, 1))

# --- scband reference (transcript-rebuilt; emitter-appended) ---
"""Pipeline reference for scband-strand-encoding-24885040513452 (READ-ONLY COPY).

The authoritative reference and input builder live on the scoring server;
editing this copy changes nothing except your own understanding.
"""

import jax, jax.numpy as jnp
import numpy as np

D_MODEL = 64
BATCH = 4096
N_MOTIFS = 200

def setup_inputs(seed: int = 0) -> dict:
    key = jax.random.key(seed)
    k1, k2 = jax.random.split(key)
    strands = jax.random.randint(k1, (BATCH, N_MOTIFS), 0, 2, dtype=jnp.int64 if jax.config.read('jax_enable_x64') else jnp.int32)
    # embedding table: nn.Embedding(2, d_model) default init ~ N(0,1)
    strand_embed = jax.random.normal(k2, (2, D_MODEL), dtype=jnp.float32)
    return {"strands": strands, "strand_embed": strand_embed}

def reference(strands, strand_embed):
    # embedding lookup: (batch, n_motifs) -> (batch, n_motifs, d_model)
    return jnp.take(strand_embed, strands, axis=0)

if __name__ == "__main__":
    import jax
    _d = setup_inputs()
    print(jax.jit(kernel)(*tuple(_d.values())))

</pallas_src>

<mosaic_0001>
#map = affine_map<(d0, d1) -> (0, 0)>
#map1 = affine_map<(d0, d1) -> (0, 0, 0)>
module attributes {stable_mosaic.version = 14 : i64} {
  func.func @k(%arg0: i32, %arg1: i32, %arg2: memref<200x4096xi32, #tpu.memory_space<hbm>>, %arg3: memref<64x16xf32, #tpu.memory_space<hbm>>, %arg4: memref<64x16xf32, #tpu.memory_space<hbm>>, %arg5: memref<200x64x4096xf32, #tpu.memory_space<hbm>>, %arg6: memref<2x512xi32, #tpu.memory_space<vmem>>, %arg7: memref<512xf32, #tpu.memory_space<vmem>>, %arg8: memref<2x64x512xf32, #tpu.memory_space<vmem>>, %arg9: memref<64x16xf32, #tpu.memory_space<vmem>>, %arg10: memref<64x16xf32, #tpu.memory_space<vmem>>, %arg11: memref<!tpu.dma_semaphore, #tpu.memory_space<semaphore_mem>>, %arg12: memref<!tpu.dma_semaphore, #tpu.memory_space<semaphore_mem>>) attributes {dimension_semantics = [#tpu.dimension_semantics<core_parallel>, #tpu.dimension_semantics<subcore_parallel>], iteration_bounds = array<i64: 2, 16>, scalar_prefetch = 0 : i64, scratch_operands = 7 : i64, tpu.core_type = #tpu.core_type<sc_vector_subcore>, window_params = [{transform_indices = #map}, {transform_indices = #map}, {transform_indices = #map}, {transform_indices = #map1}]} {
    %mul3A = arith.constant 2 : i32
    %mul3A_0 = arith.muli %arg1, %mul3A : i32
    %add3A = arith.addi %mul3A_0, %arg0 : i32
    %mul3A_1 = arith.constant 50 : i32
    %mul3A_2 = arith.muli %add3A, %mul3A_1 : i32
    "tpu.region"() ({
      %run_scoped3A = tpu.sem_alloc : memref<!tpu.dma_semaphore, #tpu.memory_space<semaphore_mem>>
      tpu.enqueue_dma source(%arg3 : memref<64x16xf32, #tpu.memory_space<hbm>>) target(%arg9 : memref<64x16xf32, #tpu.memory_space<vmem>>) target_semaphore(%run_scoped3A : memref<!tpu.dma_semaphore, #tpu.memory_space<semaphore_mem>>)
      tpu.wait_dma2 semaphore(%run_scoped3A : memref<!tpu.dma_semaphore, #tpu.memory_space<semaphore_mem>>) src(%arg3 : memref<64x16xf32, #tpu.memory_space<hbm>>) dst(%arg9 : memref<64x16xf32, #tpu.memory_space<vmem>>)
      tpu.yield
    }) : () -> ()
    "tpu.region"() ({
      %run_scoped3A = tpu.sem_alloc : memref<!tpu.dma_semaphore, #tpu.memory_space<semaphore_mem>>
      tpu.enqueue_dma source(%arg4 : memref<64x16xf32, #tpu.memory_space<hbm>>) target(%arg10 : memref<64x16xf32, #tpu.memory_space<vmem>>) target_semaphore(%run_scoped3A : memref<!tpu.dma_semaphore, #tpu.memory_space<semaphore_mem>>)
      tpu.wait_dma2 semaphore(%run_scoped3A : memref<!tpu.dma_semaphore, #tpu.memory_space<semaphore_mem>>) src(%arg4 : memref<64x16xf32, #tpu.memory_space<hbm>>) dst(%arg10 : memref<64x16xf32, #tpu.memory_space<vmem>>)
      tpu.yield
    }) : () -> ()
    %add3A_3 = arith.constant 0 : i32
    %add3A_4 = arith.addi %mul3A_2, %add3A_3 : i32
    %jit3A = arith.constant 8 : i32
    %div3A = arith.divsi %add3A_4, %jit3A : i32
    %sign3A = arith.constant 0 : i32
    %sign3A_5 = arith.cmpi sgt, %add3A_4, %sign3A : i32
    %sign3A_6 = arith.extui %sign3A_5 : i1 to i32
    %sign3A_7 = arith.constant 0 : i32
    %sign3A_8 = arith.cmpi slt, %add3A_4, %sign3A_7 : i32
    %sign3A_9 = arith.extui %sign3A_8 : i1 to i32
    %sign3A_10 = arith.subi %sign3A_6, %sign3A_9 : i32
    %sign3A_11 = arith.constant 0 : i32
    %sign3A_12 = arith.cmpi sgt, %jit3A, %sign3A_11 : i32
    %sign3A_13 = arith.extui %sign3A_12 : i1 to i32
    %sign3A_14 = arith.constant 0 : i32
    %sign3A_15 = arith.cmpi slt, %jit3A, %sign3A_14 : i32
    %sign3A_16 = arith.extui %sign3A_15 : i1 to i32
    %sign3A_17 = arith.subi %sign3A_13, %sign3A_16 : i32
    %ne3A = arith.cmpi ne, %sign3A_10, %sign3A_17 : i32
    %rem3A = arith.remsi %add3A_4, %jit3A : i32
    %ne3A_18 = arith.constant 0 : i32
    %ne3A_19 = arith.cmpi ne, %rem3A, %ne3A_18 : i32
    %and3A = arith.andi %ne3A, %ne3A_19 : i1
    %sub3A = arith.constant 1 : i32
    %sub3A_20 = arith.subi %div3A, %sub3A : i32
    %select_n3A = arith.select %and3A, %sub3A_20, %div3A : i32
    %jit3A_21 = arith.constant 8 : i32
    %eq3A = arith.constant 0 : i32
    %eq3A_22 = arith.cmpi eq, %jit3A_21, %eq3A : i32
    %jit3A_23 = arith.constant 1 : i32
    %select_n3A_24 = arith.select %eq3A_22, %jit3A_23, %jit3A_21 : i32
    %rem3A_25 = arith.remsi %add3A_4, %select_n3A_24 : i32
    %ne3A_26 = arith.constant 0 : i32
    %ne3A_27 = arith.cmpi ne, %rem3A_25, %ne3A_26 : i32
    %lt3A = arith.constant 0 : i32
    %lt3A_28 = arith.cmpi slt, %rem3A_25, %lt3A : i32
    %lt3A_29 = arith.constant 0 : i32
    %lt3A_30 = arith.cmpi slt, %select_n3A_24, %lt3A_29 : i32
    %ne3A_31 = arith.xori %lt3A_28, %lt3A_30 : i1
    %and3A_32 = arith.andi %ne3A_31, %ne3A_27 : i1
    %add3A_33 = arith.addi %rem3A_25, %select_n3A_24 : i32
    %select_n3A_34 = arith.select %and3A_32, %add3A_33, %rem3A_25 : i32
    %mul3A_35 = arith.constant 512 : i32
    %mul3A_36 = arith.muli %select_n3A_34, %mul3A_35 : i32
    %dma_start3A = arith.constant 0 : i32
    %dma_start3A_37 = arith.constant 0 : i32
    %dma_start3A_38 = tpu.memref_slice %arg6[%dma_start3A, %dma_start3A_37] : memref<2x512xi32, #tpu.memory_space<vmem>> -> memref<1x512xi32, #tpu.memory_space<vmem>>
    %dma_start3A_39 = tpu.memref_squeeze %dma_start3A_38 : memref<1x512xi32, #tpu.memory_space<vmem>> -> memref<512xi32, #tpu.memory_space<vmem>>
    %dma_start3A_40 = tpu.memref_slice %arg2[%select_n3A, %mul3A_36] : memref<200x4096xi32, #tpu.memory_space<hbm>> -> memref<1x512xi32, #tpu.memory_space<hbm>>
    %dma_start3A_41 = tpu.memref_squeeze %dma_start3A_40 : memref<1x512xi32, #tpu.memory_space<hbm>> -> memref<512xi32, #tpu.memory_space<hbm>>
    %dma_start3A_42 = arith.constant 0 : i32
    %dma_start3A_43 = tpu.memref_slice %arg6[%dma_start3A, %dma_start3A_42] : memref<2x512xi32, #tpu.memory_space<vmem>> -> memref<1x512xi32, #tpu.memory_space<vmem>>
    %dma_start3A_44 = tpu.memref_squeeze %dma_start3A_43 : memref<1x512xi32, #tpu.memory_space<vmem>> -> memref<512xi32, #tpu.memory_space<vmem>>
    %dma_start3A_45 = tpu.memref_slice %arg2[%select_n3A, %mul3A_36] : memref<200x4096xi32, #tpu.memory_space<hbm>> -> memref<1x512xi32, #tpu.memory_space<hbm>>
    %dma_start3A_46 = tpu.memref_squeeze %dma_start3A_45 : memref<1x512xi32, #tpu.memory_space<hbm>> -> memref<512xi32, #tpu.memory_space<hbm>>
    tpu.enqueue_dma source(%dma_start3A_46 : memref<512xi32, #tpu.memory_space<hbm>>) target(%dma_start3A_44 : memref<512xi32, #tpu.memory_space<vmem>>) target_semaphore(%arg11 : memref<!tpu.dma_semaphore, #tpu.memory_space<semaphore_mem>>)
    %scan3A = arith.constant 0 : i32
    %scan3A_47 = arith.constant 0 : i32
    %scan3A_48 = arith.constant 25 : i32
    %scan3A_49 = arith.addi %scan3A_47, %scan3A_48 : i32
    %scan3A_50 = arith.constant 1 : i32
    scf.for %scan3A_169 = %scan3A_47 to %scan3A_49 step %scan3A_50  : i32 {
      %mul3A_170 = arith.constant 2 : i32
      %mul3A_171 = arith.muli %mul3A_170, %scan3A_169 : i32
      %add3A_172 = arith.constant 0 : i32
      %add3A_173 = arith.addi %mul3A_171, %add3A_172 : i32
      %add3A_174 = arith.addi %mul3A_2, %add3A_173 : i32
      %jit3A_175 = arith.constant 8 : i32
      %div3A_176 = arith.divsi %add3A_174, %jit3A_175 : i32
      %sign3A_177 = arith.constant 0 : i32
      %sign3A_178 = arith.cmpi sgt, %add3A_174, %sign3A_177 : i32
      %sign3A_179 = arith.extui %sign3A_178 : i1 to i32
      %sign3A_180 = arith.constant 0 : i32
      %sign3A_181 = arith.cmpi slt, %add3A_174, %sign3A_180 : i32
      %sign3A_182 = arith.extui %sign3A_181 : i1 to i32
      %sign3A_183 = arith.subi %sign3A_179, %sign3A_182 : i32
      %sign3A_184 = arith.constant 0 : i32
      %sign3A_185 = arith.cmpi sgt, %jit3A_175, %sign3A_184 : i32
      %sign3A_186 = arith.extui %sign3A_185 : i1 to i32
      %sign3A_187 = arith.constant 0 : i32
      %sign3A_188 = arith.cmpi slt, %jit3A_175, %sign3A_187 : i32
      %sign3A_189 = arith.extui %sign3A_188 : i1 to i32
      %sign3A_190 = arith.subi %sign3A_186, %sign3A_189 : i32
      %ne3A_191 = arith.cmpi ne, %sign3A_183, %sign3A_190 : i32
      %rem3A_192 = arith.remsi %add3A_174, %jit3A_175 : i32
      %ne3A_193 = arith.constant 0 : i32
      %ne3A_194 = arith.cmpi ne, %rem3A_192, %ne3A_193 : i32
      %and3A_195 = arith.andi %ne3A_191, %ne3A_194 : i1
      %sub3A_196 = arith.constant 1 : i32
      %sub3A_197 = arith.subi %div3A_176, %sub3A_196 : i32
      %select_n3A_198 = arith.select %and3A_195, %sub3A_197, %div3A_176 : i32
      %jit3A_199 = arith.constant 8 : i32
      %eq3A_200 = arith.constant 0 : i32
      %eq3A_201 = arith.cmpi eq, %jit3A_199, %eq3A_200 : i32
      %jit3A_202 = arith.constant 1 : i32
      %select_n3A_203 = arith.select %eq3A_201, %jit3A_202, %jit3A_199 : i32
      %rem3A_204 = arith.remsi %add3A_174, %select_n3A_203 : i32
      %ne3A_205 = arith.constant 0 : i32
      %ne3A_206 = arith.cmpi ne, %rem3A_204, %ne3A_205 : i32
      %lt3A_207 = arith.constant 0 : i32
      %lt3A_208 = arith.cmpi slt, %rem3A_204, %lt3A_207 : i32
      %lt3A_209 = arith.constant 0 : i32
      %lt3A_210 = arith.cmpi slt, %select_n3A_203, %lt3A_209 : i32
      %ne3A_211 = arith.xori %lt3A_208, %lt3A_210 : i1
      %and3A_212 = arith.andi %ne3A_211, %ne3A_206 : i1
      %add3A_213 = arith.addi %rem3A_204, %select_n3A_203 : i32
      %select_n3A_214 = arith.select %and3A_212, %add3A_213, %rem3A_204 : i32
      %mul3A_215 = arith.constant 512 : i32
      %mul3A_216 = arith.muli %select_n3A_214, %mul3A_215 : i32
      %dma_wait3A_217 = arith.constant 0 : i32
      %dma_wait3A_218 = arith.constant 0 : i32
      %dma_wait3A_219 = tpu.memref_slice %arg6[%dma_wait3A_217, %dma_wait3A_218] : memref<2x512xi32, #tpu.memory_space<vmem>> -> memref<1x512xi32, #tpu.memory_space<vmem>>
      %dma_wait3A_220 = tpu.memref_squeeze %dma_wait3A_219 : memref<1x512xi32, #tpu.memory_space<vmem>> -> memref<512xi32, #tpu.memory_space<vmem>>
      %dma_wait3A_221 = tpu.memref_slice %arg2[%select_n3A_198, %mul3A_216] : memref<200x4096xi32, #tpu.memory_space<hbm>> -> memref<1x512xi32, #tpu.memory_space<hbm>>
      %dma_wait3A_222 = tpu.memref_squeeze %dma_wait3A_221 : memref<1x512xi32, #tpu.memory_space<hbm>> -> memref<512xi32, #tpu.memory_space<hbm>>
      %dma_wait3A_223 = arith.constant 0 : i32
      %dma_wait3A_224 = tpu.memref_slice %arg6[%dma_wait3A_217, %dma_wait3A_223] : memref<2x512xi32, #tpu.memory_space<vmem>> -> memref<1x512xi32, #tpu.memory_space<vmem>>
      %dma_wait3A_225 = tpu.memref_squeeze %dma_wait3A_224 : memref<1x512xi32, #tpu.memory_space<vmem>> -> memref<512xi32, #tpu.memory_space<vmem>>
      %dma_wait3A_226 = tpu.memref_slice %arg2[%select_n3A_198, %mul3A_216] : memref<200x4096xi32, #tpu.memory_space<hbm>> -> memref<1x512xi32, #tpu.memory_space<hbm>>
      %dma_wait3A_227 = tpu.memref_squeeze %dma_wait3A_226 : memref<1x512xi32, #tpu.memory_space<hbm>> -> memref<512xi32, #tpu.memory_space<hbm>>
      tpu.wait_dma2 semaphore(%arg11 : memref<!tpu.dma_semaphore, #tpu.memory_space<semaphore_mem>>) src(%dma_wait3A_227 : memref<512xi32, #tpu.memory_space<hbm>>) dst(%dma_wait3A_225 : memref<512xi32, #tpu.memory_space<vmem>>)
      %add3A_228 = arith.constant 1 : i32
      %add3A_229 = arith.addi %add3A_173, %add3A_228 : i32
      %add3A_230 = arith.addi %mul3A_2, %add3A_229 : i32
      %jit3A_231 = arith.constant 8 : i32
      %div3A_232 = arith.divsi %add3A_230, %jit3A_231 : i32
      %sign3A_233 = arith.constant 0 : i32
      %sign3A_234 = arith.cmpi sgt, %add3A_230, %sign3A_233 : i32
      %sign3A_235 = arith.extui %sign3A_234 : i1 to i32
      %sign3A_236 = arith.constant 0 : i32
      %sign3A_237 = arith.cmpi slt, %add3A_230, %sign3A_236 : i32
      %sign3A_238 = arith.extui %sign3A_237 : i1 to i32
      %sign3A_239 = arith.subi %sign3A_235, %sign3A_238 : i32
      %sign3A_240 = arith.constant 0 : i32
      %sign3A_241 = arith.cmpi sgt, %jit3A_231, %sign3A_240 : i32
      %sign3A_242 = arith.extui %sign3A_241 : i1 to i32
      %sign3A_243 = arith.constant 0 : i32
      %sign3A_244 = arith.cmpi slt, %jit3A_231, %sign3A_243 : i32
      %sign3A_245 = arith.extui %sign3A_244 : i1 to i32
      %sign3A_246 = arith.subi %sign3A_242, %sign3A_245 : i32
      %ne3A_247 = arith.cmpi ne, %sign3A_239, %sign3A_246 : i32
      %rem3A_248 = arith.remsi %add3A_230, %jit3A_231 : i32
      %ne3A_249 = arith.constant 0 : i32
      %ne3A_250 = arith.cmpi ne, %rem3A_248, %ne3A_249 : i32
      %and3A_251 = arith.andi %ne3A_247, %ne3A_250 : i1
      %sub3A_252 = arith.constant 1 : i32
      %sub3A_253 = arith.subi %div3A_232, %sub3A_252 : i32
      %select_n3A_254 = arith.select %and3A_251, %sub3A_253, %div3A_232 : i32
      %jit3A_255 = arith.constant 8 : i32
      %eq3A_256 = arith.constant 0 : i32
      %eq3A_257 = arith.cmpi eq, %jit3A_255, %eq3A_256 : i32
      %jit3A_258 = arith.constant 1 : i32
      %select_n3A_259 = arith.select %eq3A_257, %jit3A_258, %jit3A_255 : i32
      %rem3A_260 = arith.remsi %add3A_230, %select_n3A_259 : i32
      %ne3A_261 = arith.constant 0 : i32
      %ne3A_262 = arith.cmpi ne, %rem3A_260, %ne3A_261 : i32
      %lt3A_263 = arith.constant 0 : i32
      %lt3A_264 = arith.cmpi slt, %rem3A_260, %lt3A_263 : i32
      %lt3A_265 = arith.constant 0 : i32
      %lt3A_266 = arith.cmpi slt, %select_n3A_259, %lt3A_265 : i32
      %ne3A_267 = arith.xori %lt3A_264, %lt3A_266 : i1
      %and3A_268 = arith.andi %ne3A_267, %ne3A_262 : i1
      %add3A_269 = arith.addi %rem3A_260, %select_n3A_259 : i32
      %select_n3A_270 = arith.select %and3A_268, %add3A_269, %rem3A_260 : i32
      %mul3A_271 = arith.constant 512 : i32
      %mul3A_272 = arith.muli %select_n3A_270, %mul3A_271 : i32
      %dma_start3A_273 = arith.constant 1 : i32
      %dma_start3A_274 = arith.constant 0 : i32
      %dma_start3A_275 = tpu.memref_slice %arg6[%dma_start3A_273, %dma_start3A_274] : memref<2x512xi32, #tpu.memory_space<vmem>> -> memref<1x512xi32, #tpu.memory_space<vmem>>
      %dma_start3A_276 = tpu.memref_squeeze %dma_start3A_275 : memref<1x512xi32, #tpu.memory_space<vmem>> -> memref<512xi32, #tpu.memory_space<vmem>>
      %dma_start3A_277 = tpu.memref_slice %arg2[%select_n3A_254, %mul3A_272] : memref<200x4096xi32, #tpu.memory_space<hbm>> -> memref<1x512xi32, #tpu.memory_space<hbm>>
      %dma_start3A_278 = tpu.memref_squeeze %dma_start3A_277 : memref<1x512xi32, #tpu.memory_space<hbm>> -> memref<512xi32, #tpu.memory_space<hbm>>
      %dma_start3A_279 = arith.constant 0 : i32
      %dma_start3A_280 = tpu.memref_slice %arg6[%dma_start3A_273, %dma_start3A_279] : memref<2x512xi32, #tpu.memory_space<vmem>> -> memref<1x512xi32, #tpu.memory_space<vmem>>
      %dma_start3A_281 = tpu.memref_squeeze %dma_start3A_280 : memref<1x512xi32, #tpu.memory_space<vmem>> -> memref<512xi32, #tpu.memory_space<vmem>>
      %dma_start3A_282 = tpu.memref_slice %arg2[%select_n3A_254, %mul3A_272] : memref<200x4096xi32, #tpu.memory_space<hbm>> -> memref<1x512xi32, #tpu.memory_space<hbm>>
      %dma_start3A_283 = tpu.memref_squeeze %dma_start3A_282 : memref<1x512xi32, #tpu.memory_space<hbm>> -> memref<512xi32, #tpu.memory_space<hbm>>
      tpu.enqueue_dma source(%dma_start3A_283 : memref<512xi32, #tpu.memory_space<hbm>>) target(%dma_start3A_281 : memref<512xi32, #tpu.memory_space<vmem>>) target_semaphore(%arg11 : memref<!tpu.dma_semaphore, #tpu.memory_space<semaphore_mem>>)
      %gt3A = arith.constant 0 : i32
      %gt3A_284 = arith.cmpi sgt, %scan3A_169, %gt3A : i32
      %convert_element_type3A = arith.extui %gt3A_284 : i1 to i32
      %cond3A = arith.constant 0 : i32
      %cond3A_285 = arith.cmpi ne, %convert_element_type3A, %cond3A : i32
      scf.if %cond3A_285 {
        %sub3A_481 = arith.constant 2 : i32
        %sub3A_482 = arith.subi %add3A_173, %sub3A_481 : i32
        %add3A_483 = arith.addi %mul3A_2, %sub3A_482 : i32
        %jit3A_484 = arith.constant 8 : i32
        %div3A_485 = arith.divsi %add3A_483, %jit3A_484 : i32
        %sign3A_486 = arith.constant 0 : i32
        %sign3A_487 = arith.cmpi sgt, %add3A_483, %sign3A_486 : i32
        %sign3A_488 = arith.extui %sign3A_487 : i1 to i32
        %sign3A_489 = arith.constant 0 : i32
        %sign3A_490 = arith.cmpi slt, %add3A_483, %sign3A_489 : i32
        %sign3A_491 = arith.extui %sign3A_490 : i1 to i32
        %sign3A_492 = arith.subi %sign3A_488, %sign3A_491 : i32
        %sign3A_493 = arith.constant 0 : i32
        %sign3A_494 = arith.cmpi sgt, %jit3A_484, %sign3A_493 : i32
        %sign3A_495 = arith.extui %sign3A_494 : i1 to i32
        %sign3A_496 = arith.constant 0 : i32
        %sign3A_497 = arith.cmpi slt, %jit3A_484, %sign3A_496 : i32
        %sign3A_498 = arith.extui %sign3A_497 : i1 to i32
        %sign3A_499 = arith.subi %sign3A_495, %sign3A_498 : i32
        %ne3A_500 = arith.cmpi ne, %sign3A_492, %sign3A_499 : i32
        %rem3A_501 = arith.remsi %add3A_483, %jit3A_484 : i32
        %ne3A_502 = arith.constant 0 : i32
        %ne3A_503 = arith.cmpi ne, %rem3A_501, %ne3A_502 : i32
        %and3A_504 = arith.andi %ne3A_500, %ne3A_503 : i1
        %sub3A_505 = arith.constant 1 : i32
        %sub3A_506 = arith.subi %div3A_485, %sub3A_505 : i32
        %select_n3A_507 = arith.select %and3A_504, %sub3A_506, %div3A_485 : i32
        %jit3A_508 = arith.constant 8 : i32
        %eq3A_509 = arith.constant 0 : i32
        %eq3A_510 = arith.cmpi eq, %jit3A_508, %eq3A_509 : i32
        %jit3A_511 = arith.constant 1 : i32
        %select_n3A_512 = arith.select %eq3A_510, %jit3A_511, %jit3A_508 : i32
        %rem3A_513 = arith.remsi %add3A_483, %select_n3A_512 : i32
        %ne3A_514 = arith.constant 0 : i32
        %ne3A_515 = arith.cmpi ne, %rem3A_513, %ne3A_514 : i32
        %lt3A_516 = arith.constant 0 : i32
        %lt3A_517 = arith.cmpi slt, %rem3A_513, %lt3A_516 : i32
        %lt3A_518 = arith.constant 0 : i32
        %lt3A_519 = arith.cmpi slt, %select_n3A_512, %lt3A_518 : i32
        %ne3A_520 = arith.xori %lt3A_517, %lt3A_519 : i1
        %and3A_521 = arith.andi %ne3A_520, %ne3A_515 : i1
        %add3A_522 = arith.addi %rem3A_513, %select_n3A_512 : i32
        %select_n3A_523 = arith.select %and3A_521, %add3A_522, %rem3A_513 : i32
        %mul3A_524 = arith.constant 512 : i32
        %mul3A_525 = arith.muli %select_n3A_523, %mul3A_524 : i32
        %dma_wait3A_526 = arith.constant 0 : i32
        %dma_wait3A_527 = arith.constant 0 : i32
        %dma_wait3A_528 = arith.constant 0 : i32
        %dma_wait3A_529 = tpu.memref_slice %arg8[%dma_wait3A_526, %dma_wait3A_527, %dma_wait3A_528] : memref<2x64x512xf32, #tpu.memory_space<vmem>> -> memref<1x64x512xf32, #tpu.memory_space<vmem>>
        %dma_wait3A_530 = tpu.memref_squeeze %dma_wait3A_529 : memref<1x64x512xf32, #tpu.memory_space<vmem>> -> memref<64x512xf32, #tpu.memory_space<vmem>>
        %dma_wait3A_531 = arith.constant 0 : i32
        %dma_wait3A_532 = tpu.memref_slice %arg5[%select_n3A_507, %dma_wait3A_531, %mul3A_525] : memref<200x64x4096xf32, #tpu.memory_space<hbm>> -> memref<1x64x512xf32, #tpu.memory_space<hbm>>
        %dma_wait3A_533 = tpu.memref_squeeze %dma_wait3A_532 : memref<1x64x512xf32, #tpu.memory_space<hbm>> -> memref<64x512xf32, #tpu.memory_space<hbm>>
        %dma_wait3A_534 = arith.constant 0 : i32
        %dma_wait3A_535 = tpu.memref_slice %arg5[%select_n3A_507, %dma_wait3A_534, %mul3A_525] : memref<200x64x4096xf32, #tpu.memory_space<hbm>> -> memref<1x64x512xf32, #tpu.memory_space<hbm>>
        %dma_wait3A_536 = tpu.memref_squeeze %dma_wait3A_535 : memref<1x64x512xf32, #tpu.memory_space<hbm>> -> memref<64x512xf32, #tpu.memory_space<hbm>>
        %dma_wait3A_537 = arith.constant 0 : i32
        %dma_wait3A_538 = arith.constant 0 : i32
        %dma_wait3A_539 = tpu.memref_slice %arg8[%dma_wait3A_526, %dma_wait3A_537, %dma_wait3A_538] : memref<2x64x512xf32, #tpu.memory_space<vmem>> -> memref<1x64x512xf32, #tpu.memory_space<vmem>>
        %dma_wait3A_540 = tpu.memref_squeeze %dma_wait3A_539 : memref<1x64x512xf32, #tpu.memory_space<vmem>> -> memref<64x512xf32, #tpu.memory_space<vmem>>
        tpu.wait_dma2 semaphore(%arg12 : memref<!tpu.dma_semaphore, #tpu.memory_space<semaphore_mem>>) src(%dma_wait3A_540 : memref<64x512xf32, #tpu.memory_space<vmem>>) dst(%dma_wait3A_536 : memref<64x512xf32, #tpu.memory_space<hbm>>)
      } else {
      }
      %parallel_loop3A = arith.constant 0 : i32
      %parallel_loop3A_286 = arith.constant 32 : i32
      %parallel_loop3A_287 = arith.constant 1 : i32
      scf.for %parallel_loop3A_481 = %parallel_loop3A to %parallel_loop3A_286 step %parallel_loop3A_287  : i32 {
        %parallel_loop3A_482 = arith.constant 16 : i32
        %parallel_loop3A_483 = arith.muli %parallel_loop3A_481, %parallel_loop3A_482 : i32
        %parallel_loop3A_484 = arith.constant 0 : i32
        %parallel_loop3A_485 = arith.constant 0 : i32
        %parallel_loop3A_486 = tpu.memref_slice %arg6[%parallel_loop3A_484, %parallel_loop3A_485] : memref<2x512xi32, #tpu.memory_space<vmem>> -> memref<1x512xi32, #tpu.memory_space<vmem>>
        %parallel_loop3A_487 = tpu.memref_squeeze %parallel_loop3A_486 : memref<1x512xi32, #tpu.memory_space<vmem>> -> memref<512xi32, #tpu.memory_space<vmem>>
        %parallel_loop3A_488 = arith.index_cast %parallel_loop3A_483 : i32 to index
        %parallel_loop3A_489 = tpu.vector_load %parallel_loop3A_487[%parallel_loop3A_488] {strides = array<i32>} : memref<512xi32, #tpu.memory_space<vmem>>, vector<16xi32>,
        %parallel_loop3A_490 = vector.shape_cast %parallel_loop3A_489 : vector<16xi32> to vector<16xi32>
        %parallel_loop3A_491 = arith.sitofp %parallel_loop3A_490 : vector<16xi32> to vector<16xf32>
        %parallel_loop3A_492 = arith.index_cast %parallel_loop3A_483 : i32 to index
        %parallel_loop3A_493 = tpu.vector_load %arg7[%parallel_loop3A_492] {strides = array<i32>} : memref<512xf32, #tpu.memory_space<vmem>>, vector<16xf32>,
        %parallel_loop3A_494 = vector.shape_cast %parallel_loop3A_493 : vector<16xf32> to vector<16xf32>
        %parallel_loop3A_495 = vector.shape_cast %parallel_loop3A_491 : vector<16xf32> to vector<16xf32>
        tpu.vector_store %arg7[%parallel_loop3A_492], %parallel_loop3A_495 {strides = array<i32>} : memref<512xf32, #tpu.memory_space<vmem>>, vector<16xf32>,
      } {sc.loop_unroll_factor = 8 : i64, sc.parallel_access}
      %parallel_loop3A_288 = arith.constant 0 : i32
      %parallel_loop3A_289 = arith.constant 64 : i32
      %parallel_loop3A_290 = arith.constant 1 : i32
      scf.for %parallel_loop3A_481 = %parallel_loop3A_288 to %parallel_loop3A_289 step %parallel_loop3A_290  : i32 {
        %parallel_loop3A_482 = arith.constant 0 : i32
        %parallel_loop3A_483 = tpu.memref_slice %arg9[%parallel_loop3A_481, %parallel_loop3A_482] : memref<64x16xf32, #tpu.memory_space<vmem>> -> memref<1x16xf32, #tpu.memory_space<vmem>>
        %parallel_loop3A_484 = tpu.memref_squeeze %parallel_loop3A_483 : memref<1x16xf32, #tpu.memory_space<vmem>> -> memref<16xf32, #tpu.memory_space<vmem>>
        %parallel_loop3A_485 = arith.constant 0 : index
        %parallel_loop3A_486 = tpu.vector_load %parallel_loop3A_484[%parallel_loop3A_485] {strides = array<i32>} : memref<16xf32, #tpu.memory_space<vmem>>, vector<16xf32>,
        %parallel_loop3A_487 = vector.shape_cast %parallel_loop3A_486 : vector<16xf32> to vector<16xf32>
        %parallel_loop3A_488 = arith.constant 0 : i32
        %parallel_loop3A_489 = tpu.memref_slice %arg10[%parallel_loop3A_481, %parallel_loop3A_488] : memref<64x16xf32, #tpu.memory_space<vmem>> -> memref<1x16xf32, #tpu.memory_space<vmem>>
        %parallel_loop3A_490 = tpu.memref_squeeze %parallel_loop3A_489 : memref<1x16xf32, #tpu.memory_space<vmem>> -> memref<16xf32, #tpu.memory_space<vmem>>
        %parallel_loop3A_491 = arith.constant 0 : index
        %parallel_loop3A_492 = tpu.vector_load %parallel_loop3A_490[%parallel_loop3A_491] {strides = array<i32>} : memref<16xf32, #tpu.memory_space<vmem>>, vector<16xf32>,
        %parallel_loop3A_493 = vector.shape_cast %parallel_loop3A_492 : vector<16xf32> to vector<16xf32>
        %parallel_loop3A_494 = arith.constant 0 : index
        %parallel_loop3A_495 = tpu.vector_load %arg7[%parallel_loop3A_494] {strides = array<i32>} : memref<512xf32, #tpu.memory_space<vmem>>, vector<16xf32>,
        %parallel_loop3A_496 = vector.shape_cast %parallel_loop3A_495 : vector<16xf32> to vector<16xf32>
        %parallel_loop3A_497 = arith.mulf %parallel_loop3A_493, %parallel_loop3A_496 : vector<16xf32>
        %parallel_loop3A_498 = arith.addf %parallel_loop3A_487, %parallel_loop3A_497 : vector<16xf32>
        %parallel_loop3A_499 = arith.constant 0 : i32
        %parallel_loop3A_500 = arith.constant 0 : i32
        %parallel_loop3A_501 = arith.constant 0 : i32
        %parallel_loop3A_502 = tpu.memref_slice %arg8[%parallel_loop3A_499, %parallel_loop3A_500, %parallel_loop3A_501] : memref<2x64x512xf32, #tpu.memory_space<vmem>> -> memref<1x64x512xf32, #tpu.memory_space<vmem>>
        %parallel_loop3A_503 = tpu.memref_squeeze %parallel_loop3A_502 : memref<1x64x512xf32, #tpu.memory_space<vmem>> -> memref<64x512xf32, #tpu.memory_space<vmem>>
        %parallel_loop3A_504 = arith.constant 0 : i32
        %parallel_loop3A_505 = tpu.memref_slice %parallel_loop3A_503[%parallel_loop3A_481, %parallel_loop3A_504] : memref<64x512xf32, #tpu.memory_space<vmem>> -> memref<1x512xf32, #tpu.memory_space<vmem>>
        %parallel_loop3A_506 = tpu.memref_squeeze %parallel_loop3A_505 : memref<1x512xf32, #tpu.memory_space<vmem>> -> memref<512xf32, #tpu.memory_space<vmem>>
        %parallel_loop3A_507 = arith.constant 0 : index
        %parallel_loop3A_508 = tpu.vector_load %parallel_loop3A_506[%parallel_loop3A_507] {strides = array<i32>} : memref<512xf32, #tpu.memory_space<vmem>>, vector<16xf32>,
        %parallel_loop3A_509 = vector.shape_cast %parallel_loop3A_508 : vector<16xf32> to vector<16xf32>
        %parallel_loop3A_510 = vector.shape_cast %parallel_loop3A_498 : vector<16xf32> to vector<16xf32>
        tpu.vector_store %parallel_loop3A_506[%parallel_loop3A_507], %parallel_loop3A_510 {strides = array<i32>} : memref<512xf32, #tpu.memory_space<vmem>>, vector<16xf32>,
        %parallel_loop3A_511 = arith.constant 16 : index
        %parallel_loop3A_512 = tpu.vector_load %arg7[%parallel_loop3A_511] {strides = array<i32>} : memref<512xf32, #tpu.memory_space<vmem>>, vector<16xf32>,
        %parallel_loop3A_513 = vector.shape_cast %parallel_loop3A_512 : vector<16xf32> to vector<16xf32>
        %parallel_loop3A_514 = arith.mulf %parallel_loop3A_493, %parallel_loop3A_513 : vector<16xf32>
        %parallel_loop3A_515 = arith.addf %parallel_loop3A_487, %parallel_loop3A_514 : vector<16xf32>
        %parallel_loop3A_516 = arith.constant 0 : i32
        %parallel_loop3A_517 = arith.constant 0 : i32
        %parallel_loop3A_518 = arith.constant 0 : i32
        %parallel_loop3A_519 = tpu.memref_slice %arg8[%parallel_loop3A_516, %parallel_loop3A_517, %parallel_loop3A_518] : memref<2x64x512xf32, #tpu.memory_space<vmem>> -> memref<1x64x512xf32, #tpu.memory_space<vmem>>
        %parallel_loop3A_520 = tpu.memref_squeeze %parallel_loop3A_519 : memref<1x64x512xf32, #tpu.memory_space<vmem>> -> memref<64x512xf32, #tpu.memory_space<vmem>>
        %parallel_loop3A_521 = arith.constant 0 : i32
        %parallel_loop3A_522 = tpu.memref_slice %parallel_loop3A_520[%parallel_loop3A_481, %parallel_loop3A_521] : memref<64x512xf32, #tpu.memory_space<vmem>> -> memref<1x512xf32, #tpu.memory_space<vmem>>
        %parallel_loop3A_523 = tpu.memref_squeeze %parallel_loop3A_522 : memref<1x512xf32, #tpu.memory_space<vmem>> -> memref<512xf32, #tpu.memory_space<vmem>>
        %parallel_loop3A_524 = arith.constant 16 : index
        %parallel_loop3A_525 = tpu.vector_load %parallel_loop3A_523[%parallel_loop3A_524] {strides = array<i32>} : memref<512xf32, #tpu.memory_space<vmem>>, vector<16xf32>,
        %parallel_loop3A_526 = vector.shape_cast %parallel_loop3A_525 : vector<16xf32> to vector<16xf32>
        %parallel_loop3A_527 = vector.shape_cast %parallel_loop3A_515 : vector<16xf32> to vector<16xf32>
        tpu.vector_store %parallel_loop3A_523[%parallel_loop3A_524], %parallel_loop3A_527 {strides = array<i32>} : memref<512xf32, #tpu.memory_space<vmem>>, vector<16xf32>,
        %parallel_loop3A_528 = arith.constant 32 : index
        %parallel_loop3A_529 = tpu.vector_load %arg7[%parallel_loop3A_528] {strides = array<i32>} : memref<512xf32, #tpu.memory_space<vmem>>, vector<16xf32>,
        %parallel_loop3A_530 = vector.shape_cast %parallel_loop3A_529 : vector<16xf32> to vector<16xf32>
        %parallel_loop3A_531 = arith.mulf %parallel_loop3A_493, %parallel_loop3A_530 : vector<16xf32>
        %parallel_loop3A_532 = arith.addf %parallel_loop3A_487, %parallel_loop3A_531 : vector<16xf32>
        %parallel_loop3A_533 = arith.constant 0 : i32
        %parallel_loop3A_534 = arith.constant 0 : i32
        %parallel_loop3A_535 = arith.constant 0 : i32
        %parallel_loop3A_536 = tpu.memref_slice %arg8[%parallel_loop3A_533, %parallel_loop3A_534, %parallel_loop3A_535] : memref<2x64x512xf32, #tpu.memory_space<vmem>> -> memref<1x64x512xf32, #tpu.memory_space<vmem>>
        %parallel_loop3A_537 = tpu.memref_squeeze %parallel_loop3A_536 : memref<1x64x512xf32, #tpu.memory_space<vmem>> -> memref<64x512xf32, #tpu.memory_space<vmem>>
        %parallel_loop3A_538 = arith.constant 0 : i32
        %parallel_loop3A_539 = tpu.memref_slice %parallel_loop3A_537[%parallel_loop3A_481, %parallel_loop3A_538] : memref<64x512xf32, #tpu.memory_space<vmem>> -> memref<1x512xf32, #tpu.memory_space<vmem>>
        %parallel_loop3A_540 = tpu.memref_squeeze %parallel_loop3A_539 : memref<1x512xf32, #tpu.memory_space<vmem>> -> memref<512xf32, #tpu.memory_space<vmem>>
        %parallel_loop3A_541 = arith.constant 32 : index
        %parallel_loop3A_542 = tpu.vector_load %parallel_loop3A_540[%parallel_loop3A_541] {strides = array<i32>} : memref<512xf32, #tpu.memory_space<vmem>>, vector<16xf32>,
        %parallel_loop3A_543 = vector.shape_cast %parallel_loop3A_542 : vector<16xf32> to vector<16xf32>
        %parallel_loop3A_544 = vector.shape_cast %parallel_loop3A_532 : vector<16xf32> to vector<16xf32>
        tpu.vector_store %parallel_loop3A_540[%parallel_loop3A_541], %parallel_loop3A_544 {strides = array<i32>} : memref<512xf32, #tpu.memory_space<vmem>>, vector<16xf32>,
        %parallel_loop3A_545 = arith.constant 48 : index
        %parallel_loop3A_546 = tpu.vector_load %arg7[%parallel_loop3A_545] {strides = array<i32>} : memref<512xf32, #tpu.memory_space<vmem>>, vector<16xf32>,
        %parallel_loop3A_547 = vector.shape_cast %parallel_loop3A_546 : vector<16xf32> to vector<16xf32>
        %parallel_loop3A_548 = arith.mulf %parallel_loop3A_493, %parallel_loop3A_547 : vector<16xf32>
        %parallel_loop3A_549 = arith.addf %parallel_loop3A_487, %parallel_loop3A_548 : vector<16xf32>
        %parallel_loop3A_550 = arith.constant 0 : i32
        %parallel_loop3A_551 = arith.constant 0 : i32
        %parallel_loop3A_552 = arith.constant 0 : i32
        %parallel_loop3A_553 = tpu.memref_slice %arg8[%parallel_loop3A_550, %parallel_loop3A_551, %parallel_loop3A_552] : memref<2x64x512xf32, #tpu.memory_space<vmem>> -> memref<1x64x512xf32, #tpu.memory_space<vmem>>
        %parallel_loop3A_554 = tpu.memref_squeeze %parallel_loop3A_553 : memref<1x64x512xf32, #tpu.memory_space<vmem>> -> memref<64x512xf32, #tpu.memory_space<vmem>>
        %parallel_loop3A_555 = arith.constant 0 : i32
        %parallel_loop3A_556 = tpu.memref_slice %parallel_loop3A_554[%parallel_loop3A_481, %parallel_loop3A_555] : memref<64x512xf32, #tpu.memory_space<vmem>> -> memref<1x512xf32, #tpu.memory_space<vmem>>
        %parallel_loop3A_557 = tpu.memref_squeeze %parallel_loop3A_556 : memref<1x512xf32, #tpu.memory_space<vmem>> -> memref<512xf32, #tpu.memory_space<vmem>>
        %parallel_loop3A_558 = arith.constant 48 : index
        %parallel_loop3A_559 = tpu.vector_load %parallel_loop3A_557[%parallel_loop3A_558] {strides = array<i32>} : memref<512xf32, #tpu.memory_space<vmem>>, vector<16xf32>,
        %parallel_loop3A_560 = vector.shape_cast %parallel_loop3A_559 : vector<16xf32> to vector<16xf32>
        %parallel_loop3A_561 = vector.shape_cast %parallel_loop3A_549 : vector<16xf32> to vector<16xf32>
        tpu.vector_store %parallel_loop3A_557[%parallel_loop3A_558], %parallel_loop3A_561 {strides = array<i32>} : memref<512xf32, #tpu.memory_space<vmem>>, vector<16xf32>,
        %parallel_loop3A_562 = arith.constant 64 : index
        %parallel_loop3A_563 = tpu.vector_load %arg7[%parallel_loop3A_562] {strides = array<i32>} : memref<512xf32, #tpu.memory_space<vmem>>, vector<16xf32>,
        %parallel_loop3A_564 = vector.shape_cast %parallel_loop3A_563 : vector<16xf32> to vector<16xf32>
        %parallel_loop3A_565 = arith.mulf %parallel_loop3A_493, %parallel_loop3A_564 : vector<16xf32>
        %parallel_loop3A_566 = arith.addf %parallel_loop3A_487, %parallel_loop3A_565 : vector<16xf32>
        %parallel_loop3A_567 = arith.constant 0 : i32
        %parallel_loop3A_568 = arith.constant 0 : i32
        %parallel_loop3A_569 = arith.constant 0 : i32
        %parallel_loop3A_570 = tpu.memref_slice %arg8[%parallel_loop3A_567, %parallel_loop3A_568, %parallel_loop3A_569] : memref<2x64x512xf32, #tpu.memory_space<vmem>> -> memref<1x64x512xf32, #tpu.memory_space<vmem>>
        %parallel_loop3A_571 = tpu.memref_squeeze %parallel_loop3A_570 : memref<1x64x512xf32, #tpu.memory_space<vmem>> -> memref<64x512xf32, #tpu.memory_space<vmem>>
        %parallel_loop3A_572 = arith.constant 0 : i32
        %parallel_loop3A_573 = tpu.memref_slice %parallel_loop3A_571[%parallel_loop3A_481, %parallel_loop3A_572] : memref<64x512xf32, #tpu.memory_space<vmem>> -> memref<1x512xf32, #tpu.memory_space<vmem>>
        %parallel_loop3A_574 = tpu.memref_squeeze %parallel_loop3A_573 : memref<1x512xf32, #tpu.memory_space<vmem>> -> memref<512xf32, #tpu.memory_space<vmem>>
        %parallel_loop3A_575 = arith.constant 64 : index
        %parallel_loop3A_576 = tpu.vector_load %parallel_loop3A_574[%parallel_loop3A_575] {strides = array<i32>} : memref<512xf32, #tpu.memory_space<vmem>>, vector<16xf32>,
        %parallel_loop3A_577 = vector.shape_cast %parallel_loop3A_576 : vector<16xf32> to vector<16xf32>
        %parallel_loop3A_578 = vector.shape_cast %parallel_loop3A_566 : vector<16xf32> to vector<16xf32>
        tpu.vector_store %parallel_loop3A_574[%parallel_loop3A_575], %parallel_loop3A_578 {strides = array<i32>} : memref<512xf32, #tpu.memory_space<vmem>>, vector<16xf32>,
        %parallel_loop3A_579 = arith.constant 80 : index
        %parallel_loop3A_580 = tpu.vector_load %arg7[%parallel_loop3A_579] {strides = array<i32>} : memref<512xf32, #tpu.memory_space<vmem>>, vector<16xf32>,
        %parallel_loop3A_581 = vector.shape_cast %parallel_loop3A_580 : vector<16xf32> to vector<16xf32>
        %parallel_loop3A_582 = arith.mulf %parallel_loop3A_493, %parallel_loop3A_581 : vector<16xf32>
        %parallel_loop3A_583 = arith.addf %parallel_loop3A_487, %parallel_loop3A_582 : vector<16xf32>
        %parallel_loop3A_584 = arith.constant 0 : i32
        %parallel_loop3A_585 = arith.constant 0 : i32
        %parallel_loop3A_586 = arith.constant 0 : i32
        %parallel_loop3A_587 = tpu.memref_slice %arg8[%parallel_loop3A_584, %parallel_loop3A_585, %parallel_loop3A_586] : memref<2x64x512xf32, #tpu.memory_space<vmem>> -> memref<1x64x512xf32, #tpu.memory_space<vmem>>
        %parallel_loop3A_588 = tpu.memref_squeeze %parallel_loop3A_587 : memref<1x64x512xf32, #tpu.memory_space<vmem>> -> memref<64x512xf32, #tpu.memory_space<vmem>>
        %parallel_loop3A_589 = arith.constant 0 : i32
        %parallel_loop3A_590 = tpu.memref_slice %parallel_loop3A_588[%parallel_loop3A_481, %parallel_loop3A_589] : memref<64x512xf32, #tpu.memory_space<vmem>> -> memref<1x512xf32, #tpu.memory_space<vmem>>
        %parallel_loop3A_591 = tpu.memref_squeeze %parallel_loop3A_590 : memref<1x512xf32, #tpu.memory_space<vmem>> -> memref<512xf32, #tpu.memory_space<vmem>>
        %parallel_loop3A_592 = arith.constant 80 : index
        %parallel_loop3A_593 = tpu.vector_load %parallel_loop3A_591[%parallel_loop3A_592] {strides = array<i32>} : memref<512xf32, #tpu.memory_space<vmem>>, vector<16xf32>,
        %parallel_loop3A_594 = vector.shape_cast %parallel_loop3A_593 : vector<16xf32> to vector<16xf32>
        %parallel_loop3A_595 = vector.shape_cast %parallel_loop3A_583 : vector<16xf32> to vector<16xf32>
        tpu.vector_store %parallel_loop3A_591[%parallel_loop3A_592], %parallel_loop3A_595 {strides = array<i32>} : memref<512xf32, #tpu.memory_space<vmem>>, vector<16xf32>,
        %parallel_loop3A_596 = arith.constant 96 : index
        %parallel_loop3A_597 = tpu.vector_load %arg7[%parallel_loop3A_596] {strides = array<i32>} : memref<512xf32, #tpu.memory_space<vmem>>, vector<16xf32>,
        %parallel_loop3A_598 = vector.shape_cast %parallel_loop3A_597 : vector<16xf32> to vector<16xf32>
        %parallel_loop3A_599 = arith.mulf %parallel_loop3A_493, %parallel_loop3A_598 : vector<16xf32>
        %parallel_loop3A_600 = arith.addf %parallel_loop3A_487, %parallel_loop3A_599 : vector<16xf32>
        %parallel_loop3A_601 = arith.constant 0 : i32
        %parallel_loop3A_602 = arith.constant 0 : i32
        %parallel_loop3A_603 = arith.constant 0 : i32
        %parallel_loop3A_604 = tpu.memref_slice %arg8[%parallel_loop3A_601, %parallel_loop3A_602, %parallel_loop3A_603] : memref<2x64x512xf32, #tpu.memory_space<vmem>> -> memref<1x64x512xf32, #tpu.memory_space<vmem>>
        %parallel_loop3A_605 = tpu.memref_squeeze %parallel_loop3A_604 : memref<1x64x512xf32, #tpu.memory_space<vmem>> -> memref<64x512xf32, #tpu.memory_space<vmem>>
        %parallel_loop3A_606 = arith.constant 0 : i32
        %parallel_loop3A_607 = tpu.memref_slice %parallel_loop3A_605[%parallel_loop3A_481, %parallel_loop3A_606] : memref<64x512xf32, #tpu.memory_space<vmem>> -> memref<1x512xf32, #tpu.memory_space<vmem>>
        %parallel_loop3A_608 = tpu.memref_squeeze %parallel_loop3A_607 : memref<1x512xf32, #tpu.memory_space<vmem>> -> memref<512xf32, #tpu.memory_space<vmem>>
        %parallel_loop3A_609 = arith.constant 96 : index
        %parallel_loop3A_610 = tpu.vector_load %parallel_loop3A_608[%parallel_loop3A_609] {strides = array<i32>} : memref<512xf32, #tpu.memory_space<vmem>>, vector<16xf32>,
        %parallel_loop3A_611 = vector.shape_cast %parallel_loop3A_610 : vector<16xf32> to vector<16xf32>
        %parallel_loop3A_612 = vector.shape_cast %parallel_loop3A_600 : vector<16xf32> to vector<16xf32>
        tpu.vector_store %parallel_loop3A_608[%parallel_loop3A_609], %parallel_loop3A_612 {strides = array<i32>} : memref<512xf32, #tpu.memory_space<vmem>>, vector<16xf32>,
        %parallel_loop3A_613 = arith.constant 112 : index
        %parallel_loop3A_614 = tpu.vector_load %arg7[%parallel_loop3A_613] {strides = array<i32>} : memref<512xf32, #tpu.memory_space<vmem>>, vector<16xf32>,
        %parallel_loop3A_615 = vector.shape_cast %parallel_loop3A_614 : vector<16xf32> to vector<16xf32>
        %parallel_loop3A_616 = arith.mulf %parallel_loop3A_493, %parallel_loop3A_615 : vector<16xf32>
        %parallel_loop3A_617 = arith.addf %parallel_loop3A_487, %parallel_loop3A_616 : vector<16xf32>
        %parallel_loop3A_618 = arith.constant 0 : i32
        %parallel_loop3A_619 = arith.constant 0 : i32
        %parallel_loop3A_620 = arith.constant 0 : i32
        %parallel_loop3A_621 = tpu.memref_slice %arg8[%parallel_loop3A_618, %parallel_loop3A_619, %parallel_loop3A_620] : memref<2x64x512xf32, #tpu.memory_space<vmem>> -> memref<1x64x512xf32, #tpu.memory_space<vmem>>
        %parallel_loop3A_622 = tpu.memref_squeeze %parallel_loop3A_621 : memref<1x64x512xf32, #tpu.memory_space<vmem>> -> memref<64x512xf32, #tpu.memory_space<vmem>>
        %parallel_loop3A_623 = arith.constant 0 : i32
        %parallel_loop3A_624 = tpu.memref_slice %parallel_loop3A_622[%parallel_loop3A_481, %parallel_loop3A_623] : memref<64x512xf32, #tpu.memory_space<vmem>> -> memref<1x512xf32, #tpu.memory_space<vmem>>
        %parallel_loop3A_625 = tpu.memref_squeeze %parallel_loop3A_624 : memref<1x512xf32, #tpu.memory_space<vmem>> -> memref<512xf32, #tpu.memory_space<vmem>>
        %parallel_loop3A_626 = arith.constant 112 : index
        %parallel_loop3A_627 = tpu.vector_load %parallel_loop3A_625[%parallel_loop3A_626] {strides = array<i32>} : memref<512xf32, #tpu.memory_space<vmem>>, vector<16xf32>,
        %parallel_loop3A_628 = vector.shape_cast %parallel_loop3A_627 : vector<16xf32> to vector<16xf32>
        %parallel_loop3A_629 = vector.shape_cast %parallel_loop3A_617 : vector<16xf32> to vector<16xf32>
        tpu.vector_store %parallel_loop3A_625[%parallel_loop3A_626], %parallel_loop3A_629 {strides = array<i32>} : memref<512xf32, #tpu.memory_space<vmem>>, vector<16xf32>,
        %parallel_loop3A_630 = arith.constant 128 : index
        %parallel_loop3A_631 = tpu.vector_load %arg7[%parallel_loop3A_630] {strides = array<i32>} : memref<512xf32, #tpu.memory_space<vmem>>, vector<16xf32>,
        %parallel_loop3A_632 = vector.shape_cast %parallel_loop3A_631 : vector<16xf32> to vector<16xf32>
        %parallel_loop3A_633 = arith.mulf %parallel_loop3A_493, %parallel_loop3A_632 : vector<16xf32>
        %parallel_loop3A_634 = arith.addf %parallel_loop3A_487, %parallel_loop3A_633 : vector<16xf32>
        %parallel_loop3A_635 = arith.constant 0 : i32
        %parallel_loop3A_636 = arith.constant 0 : i32
        %parallel_loop3A_637 = arith.constant 0 : i32
        %parallel_loop3A_638 = tpu.memref_slice %arg8[%parallel_loop3A_635, %parallel_loop3A_636, %parallel_loop3A_637] : memref<2x64x512xf32, #tpu.memory_space<vmem>> -> memref<1x64x512xf32, #tpu.memory_space<vmem>>
        %parallel_loop3A_639 = tpu.memref_squeeze %parallel_loop3A_638 : memref<1x64x512xf32, #tpu.memory_space<vmem>> -> memref<64x512xf32, #tpu.memory_space<vmem>>
        %parallel_loop3A_640 = arith.constant 0 : i32
        %parallel_loop3A_641 = tpu.memref_slice %parallel_loop3A_639[%parallel_loop3A_481, %parallel_loop3A_640] : memref<64x512xf32, #tpu.memory_space<vmem>> -> memref<1x512xf32, #tpu.memory_space<vmem>>
        %parallel_loop3A_642 = tpu.memref_squeeze %parallel_loop3A_641 : memref<1x512xf32, #tpu.memory_space<vmem>> -> memref<512xf32, #tpu.memory_space<vmem>>
        %parallel_loop3A_643 = arith.constant 128 : index
        %parallel_loop3A_644 = tpu.vector_load %parallel_loop3A_642[%parallel_loop3A_643] {strides = array<i32>} : memref<512xf32, #tpu.memory_space<vmem>>, vector<16xf32>,
        %parallel_loop3A_645 = vector.shape_cast %parallel_loop3A_644 : vector<16xf32> to vector<16xf32>
        %parallel_loop3A_646 = vector.shape_cast %parallel_loop3A_634 : vector<16xf32> to vector<16xf32>
        tpu.vector_store %parallel_loop3A_642[%parallel_loop3A_643], %parallel_loop3A_646 {strides = array<i32>} : memref<512xf32, #tpu.memory_space<vmem>>, vector<16xf32>,
        %parallel_loop3A_647 = arith.constant 144 : index
        %parallel_loop3A_648 = tpu.vector_load %arg7[%parallel_loop3A_647] {strides = array<i32>} : memref<512xf32, #tpu.memory_space<vmem>>, vector<16xf32>,
        %parallel_loop3A_649 = vector.shape_cast %parallel_loop3A_648 : vector<16xf32> to vector<16xf32>
        %parallel_loop3A_650 = arith.mulf %parallel_loop3A_493, %parallel_loop3A_649 : vector<16xf32>
        %parallel_loop3A_651 = arith.addf %parallel_loop3A_487, %parallel_loop3A_650 : vector<16xf32>
        %parallel_loop3A_652 = arith.constant 0 : i32
        %parallel_loop3A_653 = arith.constant 0 : i32
        %parallel_loop3A_654 = arith.constant 0 : i32
        %parallel_loop3A_655 = tpu.memref_slice %arg8[%parallel_loop3A_652, %parallel_loop3A_653, %parallel_loop3A_654] : memref<2x64x512xf32, #tpu.memory_space<vmem>> -> memref<1x64x512xf32, #tpu.memory_space<vmem>>
        %parallel_loop3A_656 = tpu.memref_squeeze %parallel_loop3A_655 : memref<1x64x512xf32, #tpu.memory_space<vmem>> -> memref<64x512xf32, #tpu.memory_space<vmem>>
        %parallel_loop3A_657 = arith.constant 0 : i32
        %parallel_loop3A_658 = tpu.memref_slice %parallel_loop3A_656[%parallel_loop3A_481, %parallel_loop3A_657] : memref<64x512xf32, #tpu.memory_space<vmem>> -> memref<1x512xf32, #tpu.memory_space<vmem>>
        %parallel_loop3A_659 = tpu.memref_squeeze %parallel_loop3A_658 : memref<1x512xf32, #tpu.memory_space<vmem>> -> memref<512xf32, #tpu.memory_space<vmem>>
        %parallel_loop3A_660 = arith.constant 144 : index
        %parallel_loop3A_661 = tpu.vector_load %parallel_loop3A_659[%parallel_loop3A_660] {strides = array<i32>} : memref<512xf32, #tpu.memory_space<vmem>>, vector<16xf32>,
        %parallel_loop3A_662 = vector.shape_cast %parallel_loop3A_661 : vector<16xf32> to vector<16xf32>
        %parallel_loop3A_663 = vector.shape_cast %parallel_loop3A_651 : vector<16xf32> to vector<16xf32>
        tpu.vector_store %parallel_loop3A_659[%parallel_loop3A_660], %parallel_loop3A_663 {strides = array<i32>} : memref<512xf32, #tpu.memory_space<vmem>>, vector<16xf32>,
        %parallel_loop3A_664 = arith.constant 160 : index
        %parallel_loop3A_665 = tpu.vector_load %arg7[%parallel_loop3A_664] {strides = array<i32>} : memref<512xf32, #tpu.memory_space<vmem>>, vector<16xf32>,
        %parallel_loop3A_666 = vector.shape_cast %parallel_loop3A_665 : vector<16xf32> to vector<16xf32>
        %parallel_loop3A_667 = arith.mulf %parallel_loop3A_493, %parallel_loop3A_666 : vector<16xf32>
        %parallel_loop3A_668 = arith.addf %parallel_loop3A_487, %parallel_loop3A_667 : vector<16xf32>
        %parallel_loop3A_669 = arith.constant 0 : i32
        %parallel_loop3A_670 = arith.constant 0 : i32
        %parallel_loop3A_671 = arith.constant 0 : i32
        %parallel_loop3A_672 = tpu.memref_slice %arg8[%parallel_loop3A_669, %parallel_loop3A_670, %parallel_loop3A_671] : memref<2x64x512xf32, #tpu.memory_space<vmem>> -> memref<1x64x512xf32, #tpu.memory_space<vmem>>
        %parallel_loop3A_673 = tpu.memref_squeeze %parallel_loop3A_672 : memref<1x64x512xf32, #tpu.memory_space<vmem>> -> memref<64x512xf32, #tpu.memory_space<vmem>>
        %parallel_loop3A_674 = arith.constant 0 : i32
        %parallel_loop3A_675 = tpu.memref_slice %parallel_loop3A_673[%parallel_loop3A_481, %parallel_loop3A_674] : memref<64x512xf32, #tpu.memory_space<vmem>> -> memref<1x512xf32, #tpu.memory_space<vmem>>
        %parallel_loop3A_676 = tpu.memref_squeeze %parallel_loop3A_675 : memref<1x512xf32, #tpu.memory_space<vmem>> -> memref<512xf32, #tpu.memory_space<vmem>>
        %parallel_loop3A_677 = arith.constant 160 : index
        %parallel_loop3A_678 = tpu.vector_load %parallel_loop3A_676[%parallel_loop3A_677] {strides = array<i32>} : memref<512xf32, #tpu.memory_space<vmem>>, vector<16xf32>,
        %parallel_loop3A_679 = vector.shape_cast %parallel_loop3A_678 : vector<16xf32> to vector<16xf32>
        %parallel_loop3A_680 = vector.shape_cast %parallel_loop3A_668 : vector<16xf32> to vector<16xf32>
        tpu.vector_store %parallel_loop3A_676[%parallel_loop3A_677], %parallel_loop3A_680 {strides = array<i32>} : memref<512xf32, #tpu.memory_space<vmem>>, vector<16xf32>,
        %parallel_loop3A_681 = arith.constant 176 : index
        %parallel_loop3A_682 = tpu.vector_load %arg7[%parallel_loop3A_681] {strides = array<i32>} : memref<512xf32, #tpu.memory_space<vmem>>, vector<16xf32>,
        %parallel_loop3A_683 = vector.shape_cast %parallel_loop3A_682 : vector<16xf32> to vector<16xf32>
        %parallel_loop3A_684 = arith.mulf %parallel_loop3A_493, %parallel_loop3A_683 : vector<16xf32>
        %parallel_loop3A_685 = arith.addf %parallel_loop3A_487, %parallel_loop3A_684 : vector<16xf32>
        %parallel_loop3A_686 = arith.constant 0 : i32
        %parallel_loop3A_687 = arith.constant 0 : i32
        %parallel_loop3A_688 = arith.constant 0 : i32
        %parallel_loop3A_689 = tpu.memref_slice %arg8[%parallel_loop3A_686, %parallel_loop3A_687, %parallel_loop3A_688] : memref<2x64x512xf32, #tpu.memory_space<vmem>> -> memref<1x64x512xf32, #tpu.memory_space<vmem>>
        %parallel_loop3A_690 = tpu.memref_squeeze %parallel_loop3A_689 : memref<1x64x512xf32, #tpu.memory_space<vmem>> -> memref<64x512xf32, #tpu.memory_space<vmem>>
        %parallel_loop3A_691 = arith.constant 0 : i32
        %parallel_loop3A_692 = tpu.memref_slice %parallel_loop3A_690[%parallel_loop3A_481, %parallel_loop3A_691] : memref<64x512xf32, #tpu.memory_space<vmem>> -> memref<1x512xf32, #tpu.memory_space<vmem>>
        %parallel_loop3A_693 = tpu.memref_squeeze %parallel_loop3A_692 : memref<1x512xf32, #tpu.memory_space<vmem>> -> memref<512xf32, #tpu.memory_space<vmem>>
        %parallel_loop3A_694 = arith.constant 176 : index
        %parallel_loop3A_695 = tpu.vector_load %parallel_loop3A_693[%parallel_loop3A_694] {strides = array<i32>} : memref<512xf32, #tpu.memory_space<vmem>>, vector<16xf32>,
        %parallel_loop3A_696 = vector.shape_cast %parallel_loop3A_695 : vector<16xf32> to vector<16xf32>
        %parallel_loop3A_697 = vector.shape_cast %parallel_loop3A_685 : vector<16xf32> to vector<16xf32>
        tpu.vector_store %parallel_loop3A_693[%parallel_loop3A_694], %parallel_loop3A_697 {strides = array<i32>} : memref<512xf32, #tpu.memory_space<vmem>>, vector<16xf32>,
        %parallel_loop3A_698 = arith.constant 192 : index
        %parallel_loop3A_699 = tpu.vector_load %arg7[%parallel_loop3A_698] {strides = array<i32>} : memref<512xf32, #tpu.memory_space<vmem>>, vector<16xf32>,
        %parallel_loop3A_700 = vector.shape_cast %parallel_loop3A_699 : vector<16xf32> to vector<16xf32>
        %parallel_loop3A_701 = arith.mulf %parallel_loop3A_493, %parallel_loop3A_700 : vector<16xf32>
        %parallel_loop3A_702 = arith.addf %parallel_loop3A_487, %parallel_loop3A_701 : vector<16xf32>
        %parallel_loop3A_703 = arith.constant 0 : i32
        %parallel_loop3A_704 = arith.constant 0 : i32
        %parallel_loop3A_705 = arith.constant 0 : i32
        %parallel_loop3A_706 = tpu.memref_slice %arg8[%parallel_loop3A_703, %parallel_loop3A_704, %parallel_loop3A_705] : memref<2x64x512xf32, #tpu.memory_space<vmem>> -> memref<1x64x512xf32, #tpu.memory_space<vmem>>
        %parallel_loop3A_707 = tpu.memref_squeeze %parallel_loop3A_706 : memref<1x64x512xf32, #tpu.memory_space<vmem>> -> memref<64x512xf32, #tpu.memory_space<vmem>>
        %parallel_loop3A_708 = arith.constant 0 : i32
        %parallel_loop3A_709 = tpu.memref_slice %parallel_loop3A_707[%parallel_loop3A_481, %parallel_loop3A_708] : memref<64x512xf32, #tpu.memory_space<vmem>> -> memref<1x512xf32, #tpu.memory_space<vmem>>
        %parallel_loop3A_710 = tpu.memref_squeeze %parallel_loop3A_709 : memref<1x512xf32, #tpu.memory_space<vmem>> -> memref<512xf32, #tpu.memory_space<vmem>>
        %parallel_loop3A_711 = arith.constant 192 : index
        %parallel_loop3A_712 = tpu.vector_load %parallel_loop3A_710[%parallel_loop3A_711] {strides = array<i32>} : memref<512xf32, #tpu.memory_space<vmem>>, vector<16xf32>,
        %parallel_loop3A_713 = vector.shape_cast %parallel_loop3A_712 : vector<16xf32> to vector<16xf32>
        %parallel_loop3A_714 = vector.shape_cast %parallel_loop3A_702 : vector<16xf32> to vector<16xf32>
        tpu.vector_store %parallel_loop3A_710[%parallel_loop3A_711], %parallel_loop3A_714 {strides = array<i32>} : memref<512xf32, #tpu.memory_space<vmem>>, vector<16xf32>,
        %parallel_loop3A_715 = arith.constant 208 : index
        %parallel_loop3A_716 = tpu.vector_load %arg7[%parallel_loop3A_715] {strides = array<i32>} : memref<512xf32, #tpu.memory_space<vmem>>, vector<16xf32>,
        %parallel_loop3A_717 = vector.shape_cast %parallel_loop3A_716 : vector<16xf32> to vector<16xf32>
        %parallel_loop3A_718 = arith.mulf %parallel_loop3A_493, %parallel_loop3A_717 : vector<16xf32>
        %parallel_loop3A_719 = arith.addf %parallel_loop3A_487, %parallel_loop3A_718 : vector<16xf32>
        %parallel_loop3A_720 = arith.constant 0 : i32
        %parallel_loop3A_721 = arith.constant 0 : i32
        %parallel_loop3A_722 = arith.constant 0 : i32
        %parallel_loop3A_723 = tpu.memref_slice %arg8[%parallel_loop3A_720, %parallel_loop3A_721, %parallel_loop3A_722] : memref<2x64x512xf32, #tpu.memory_space<vmem>> -> memref<1x64x512xf32, #tpu.memory_space<vmem>>
        %parallel_loop3A_724 = tpu.memref_squeeze %parallel_loop3A_723 : memref<1x64x512xf32, #tpu.memory_space<vmem>> -> memref<64x512xf32, #tpu.memory_space<vmem>>
        %parallel_loop3A_725 = arith.constant 0 : i32
        %parallel_loop3A_726 = tpu.memref_slice %parallel_loop3A_724[%parallel_loop3A_481, %parallel_loop3A_725] : memref<64x512xf32, #tpu.memory_space<vmem>> -> memref<1x512xf32, #tpu.memory_space<vmem>>
        %parallel_loop3A_727 = tpu.memref_squeeze %parallel_loop3A_726 : memref<1x512xf32, #tpu.memory_space<vmem>> -> memref<512xf32, #tpu.memory_space<vmem>>
        %parallel_loop3A_728 = arith.constant 208 : index
        %parallel_loop3A_729 = tpu.vector_load %parallel_loop3A_727[%parallel_loop3A_728] {strides = array<i32>} : memref<512xf32, #tpu.memory_space<vmem>>, vector<16xf32>,
        %parallel_loop3A_730 = vector.shape_cast %parallel_loop3A_729 : vector<16xf32> to vector<16xf32>
        %parallel_loop3A_731 = vector.shape_cast %parallel_loop3A_719 : vector<16xf32> to vector<16xf32>
        tpu.vector_store %parallel_loop3A_727[%parallel_loop3A_728], %parallel_loop3A_731 {strides = array<i32>} : memref<512xf32, #tpu.memory_space<vmem>>, vector<16xf32>,
        %parallel_loop3A_732 = arith.constant 224 : index
        %parallel_loop3A_733 = tpu.vector_load %arg7[%parallel_loop3A_732] {strides = array<i32>} : memref<512xf32, #tpu.memory_space<vmem>>, vector<16xf32>,
        %parallel_loop3A_734 = vector.shape_cast %parallel_loop3A_733 : vector<16xf32> to vector<16xf32>
        %parallel_loop3A_735 = arith.mulf %parallel_loop3A_493, %parallel_loop3A_734 : vector<16xf32>
        %parallel_loop3A_736 = arith.addf %parallel_loop3A_487, %parallel_loop3A_735 : vector<16xf32>
        %parallel_loop3A_737 = arith.constant 0 : i32
        %parallel_loop3A_738 = arith.constant 0 : i32
        %parallel_loop3A_739 = arith.constant 0 : i32
        %parallel_loop3A_740 = tpu.memref_slice %arg8[%parallel_loop3A_737, %parallel_loop3A_738, %parallel_loop3A_739] : memref<2x64x512xf32, #tpu.memory_space<vmem>> -> memref<1x64x512xf32, #tpu.memory_space<vmem>>
        %parallel_loop3A_741 = tpu.memref_squeeze %parallel_loop3A_740 : memref<1x64x512xf32, #tpu.memory_space<vmem>> -> memref<64x512xf32, #tpu.memory_space<vmem>>
        %parallel_loop3A_742 = arith.constant 0 : i32
        %parallel_loop3A_743 = tpu.memref_slice %parallel_loop3A_741[%parallel_loop3A_481, %parallel_loop3A_742] : memref<64x512xf32, #tpu.memory_space<vmem>> -> memref<1x512xf32, #tpu.memory_space<vmem>>
        %parallel_loop3A_744 = tpu.memref_squeeze %parallel_loop3A_743 : memref<1x512xf32, #tpu.memory_space<vmem>> -> memref<512xf32, #tpu.memory_space<vmem>>
        %parallel_loop3A_745 = arith.constant 224 : index
        %parallel_loop3A_746 = tpu.vector_load %parallel_loop3A_744[%parallel_loop3A_745] {strides = array<i32>} : memref<512xf32, #tpu.memory_space<vmem>>, vector<16xf32>,
        %parallel_loop3A_747 = vector.shape_cast %parallel_loop3A_746 : vector<16xf32> to vector<16xf32>
        %parallel_loop3A_748 = vector.shape_cast %parallel_loop3A_736 : vector<16xf32> to vector<16xf32>
        tpu.vector_store %parallel_loop3A_744[%parallel_loop3A_745], %parallel_loop3A_748 {strides = array<i32>} : memref<512xf32, #tpu.memory_space<vmem>>, vector<16xf32>,
        %parallel_loop3A_749 = arith.constant 240 : index
        %parallel_loop3A_750 = tpu.vector_load %arg7[%parallel_loop3A_749] {strides = array<i32>} : memref<512xf32, #tpu.memory_space<vmem>>, vector<16xf32>,
        %parallel_loop3A_751 = vector.shape_cast %parallel_loop3A_750 : vector<16xf32> to vector<16xf32>
        %parallel_loop3A_752 = arith.mulf %parallel_loop3A_493, %parallel_loop3A_751 : vector<16xf32>
        %parallel_loop3A_753 = arith.addf %parallel_loop3A_487, %parallel_loop3A_752 : vector<16xf32>
        %parallel_loop3A_754 = arith.constant 0 : i32
        %parallel_loop3A_755 = arith.constant 0 : i32
        %parallel_loop3A_756 = arith.constant 0 : i32
        %parallel_loop3A_757 = tpu.memref_slice %arg8[%parallel_loop3A_754, %parallel_loop3A_755, %parallel_loop3A_756] : memref<2x64x512xf32, #tpu.memory_space<vmem>> -> memref<1x64x512xf32, #tpu.memory_space<vmem>>
        %parallel_loop3A_758 = tpu.memref_squeeze %parallel_loop3A_757 : memref<1x64x512xf32, #tpu.memory_space<vmem>> -> memref<64x512xf32, #tpu.memory_space<vmem>>
        %parallel_loop3A_759 = arith.constant 0 : i32
        %parallel_loop3A_760 = tpu.memref_slice %parallel_loop3A_758[%parallel_loop3A_481, %parallel_loop3A_759] : memref<64x512xf32, #tpu.memory_space<vmem>> -> memref<1x512xf32, #tpu.memory_space<vmem>>
        %parallel_loop3A_761 = tpu.memref_squeeze %parallel_loop3A_760 : memref<1x512xf32, #tpu.memory_space<vmem>> -> memref<512xf32, #tpu.memory_space<vmem>>
        %parallel_loop3A_762 = arith.constant 240 : index
        %parallel_loop3A_763 = tpu.vector_load %parallel_loop3A_761[%parallel_loop3A_762] {strides = array<i32>} : memref<512xf32, #tpu.memory_space<vmem>>, vector<16xf32>,
        %parallel_loop3A_764 = vector.shape_cast %parallel_loop3A_763 : vector<16xf32> to vector<16xf32>
        %parallel_loop3A_765 = vector.shape_cast %parallel_loop3A_753 : vector<16xf32> to vector<16xf32>
        tpu.vector_store %parallel_loop3A_761[%parallel_loop3A_762], %parallel_loop3A_765 {strides = array<i32>} : memref<512xf32, #tpu.memory_space<vmem>>, vector<16xf32>,
        %parallel_loop3A_766 = arith.constant 256 : index
        %parallel_loop3A_767 = tpu.vector_load %arg7[%parallel_loop3A_766] {strides = array<i32>} : memref<512xf32, #tpu.memory_space<vmem>>, vector<16xf32>,
        %parallel_loop3A_768 = vector.shape_cast %parallel_loop3A_767 : vector<16xf32> to vector<16xf32>
        %parallel_loop3A_769 = arith.mulf %parallel_loop3A_493, %parallel_loop3A_768 : vector<16xf32>
        %parallel_loop3A_770 = arith.addf %parallel_loop3A_487, %parallel_loop3A_769 : vector<16xf32>
        %parallel_loop3A_771 = arith.constant 0 : i32
        %parallel_loop3A_772 = arith.constant 0 : i32
        %parallel_loop3A_773 = arith.constant 0 : i32
        %parallel_loop3A_774 = tpu.memref_slice %arg8[%parallel_loop3A_771, %parallel_loop3A_772, %parallel_loop3A_773] : memref<2x64x512xf32, #tpu.memory_space<vmem>> -> memref<1x64x512xf32, #tpu.memory_space<vmem>>
        %parallel_loop3A_775 = tpu.memref_squeeze %parallel_loop3A_774 : memref<1x64x512xf32, #tpu.memory_space<vmem>> -> memref<64x512xf32, #tpu.memory_space<vmem>>
        %parallel_loop3A_776 = arith.constant 0 : i32
        %parallel_loop3A_777 = tpu.memref_slice %parallel_loop3A_775[%parallel_loop3A_481, %parallel_loop3A_776] : memref<64x512xf32, #tpu.memory_space<vmem>> -> memref<1x512xf32, #tpu.memory_space<vmem>>
        %parallel_loop3A_778 = tpu.memref_squeeze %parallel_loop3A_777 : memref<1x512xf32, #tpu.memory_space<vmem>> -> memref<512xf32, #tpu.memory_space<vmem>>
        %parallel_loop3A_779 = arith.constant 256 : index
        %parallel_loop3A_780 = tpu.vector_load %parallel_loop3A_778[%parallel_loop3A_779] {strides = array<i32>} : memref<512xf32, #tpu.memory_space<vmem>>, vector<16xf32>,
        %parallel_loop3A_781 = vector.shape_cast %parallel_loop3A_780 : vector<16xf32> to vector<16xf32>
        %parallel_loop3A_782 = vector.shape_cast %parallel_loop3A_770 : vector<16xf32> to vector<16xf32>
        tpu.vector_store %parallel_loop3A_778[%parallel_loop3A_779], %parallel_loop3A_782 {strides = array<i32>} : memref<512xf32, #tpu.memory_space<vmem>>, vector<16xf32>,
        %parallel_loop3A_783 = arith.constant 272 : index
        %parallel_loop3A_784 = tpu.vector_load %arg7[%parallel_loop3A_783] {strides = array<i32>} : memref<512xf32, #tpu.memory_space<vmem>>, vector<16xf32>,
        %parallel_loop3A_785 = vector.shape_cast %parallel_loop3A_784 : vector<16xf32> to vector<16xf32>
        %parallel_loop3A_786 = arith.mulf %parallel_loop3A_493, %parallel_loop3A_785 : vector<16xf32>
        %parallel_loop3A_787 = arith.addf %parallel_loop3A_487, %parallel_loop3A_786 : vector<16xf32>
        %parallel_loop3A_788 = arith.constant 0 : i32
        %parallel_loop3A_789 = arith.constant 0 : i32
        %parallel_loop3A_790 = arith.constant 0 : i32
        %parallel_loop3A_791 = tpu.memref_slice %arg8[%parallel_loop3A_788, %parallel_loop3A_789, %parallel_loop3A_790] : memref<2x64x512xf32, #tpu.memory_space<vmem>> -> memref<1x64x512xf32, #tpu.memory_space<vmem>>
        %parallel_loop3A_792 = tpu.memref_squeeze %parallel_loop3A_791 : memref<1x64x512xf32, #tpu.memory_space<vmem>> -> memref<64x512xf32, #tpu.memory_space<vmem>>
        %parallel_loop3A_793 = arith.constant 0 : i32
        %parallel_loop3A_794 = tpu.memref_slice %parallel_loop3A_792[%parallel_loop3A_481, %parallel_loop3A_793] : memref<64x512xf32, #tpu.memory_space<vmem>> -> memref<1x512xf32, #tpu.memory_space<vmem>>
        %parallel_loop3A_795 = tpu.memref_squeeze %parallel_loop3A_794 : memref<1x512xf32, #tpu.memory_space<vmem>> -> memref<512xf32, #tpu.memory_space<vmem>>
        %parallel_loop3A_796 = arith.constant 272 : index
        %parallel_loop3A_797 = tpu.vector_load %parallel_loop3A_795[%parallel_loop3A_796] {strides = array<i32>} : memref<512xf32, #tpu.memory_space<vmem>>, vector<16xf32>,
        %parallel_loop3A_798 = vector.shape_cast %parallel_loop3A_797 : vector<16xf32> to vector<16xf32>
        %parallel_loop3A_799 = vector.shape_cast %parallel_loop3A_787 : vector<16xf32> to vector<16xf32>
        tpu.vector_store %parallel_loop3A_795[%parallel_loop3A_796], %parallel_loop3A_799 {strides = array<i32>} : memref<512xf32, #tpu.memory_space<vmem>>, vector<16xf32>,
        %parallel_loop3A_800 = arith.constant 288 : index
        %parallel_loop3A_801 = tpu.vector_load %arg7[%parallel_loop3A_800] {strides = array<i32>} : memref<512xf32, #tpu.memory_space<vmem>>, vector<16xf32>,
        %parallel_loop3A_802 = vector.shape_cast %parallel_loop3A_801 : vector<16xf32> to vector<16xf32>
        %parallel_loop3A_803 = arith.mulf %parallel_loop3A_493, %parallel_loop3A_802 : vector<16xf32>
        %parallel_loop3A_804 = arith.addf %parallel_loop3A_487, %parallel_loop3A_803 : vector<16xf32>
        %parallel_loop3A_805 = arith.constant 0 : i32
        %parallel_loop3A_806 = arith.constant 0 : i32
        %parallel_loop3A_807 = arith.constant 0 : i32
        %parallel_loop3A_808 = tpu.memref_slice %arg8[%parallel_loop3A_805, %parallel_loop3A_806, %parallel_loop3A_807] : memref<2x64x512xf32, #tpu.memory_space<vmem>> -> memref<1x64x512xf32, #tpu.memory_space<vmem>>
        %parallel_loop3A_809 = tpu.memref_squeeze %parallel_loop3A_808 : memref<1x64x512xf32, #tpu.memory_space<vmem>> -> memref<64x512xf32, #tpu.memory_space<vmem>>
        %parallel_loop3A_810 = arith.constant 0 : i32
        %parallel_loop3A_811 = tpu.memref_slice %parallel_loop3A_809[%parallel_loop3A_481, %parallel_loop3A_810] : memref<64x512xf32, #tpu.memory_space<vmem>> -> memref<1x512xf32, #tpu.memory_space<vmem>>
        %parallel_loop3A_812 = tpu.memref_squeeze %parallel_loop3A_811 : memref<1x512xf32, #tpu.memory_space<vmem>> -> memref<512xf32, #tpu.memory_space<vmem>>
        %parallel_loop3A_813 = arith.constant 288 : index
        %parallel_loop3A_814 = tpu.vector_load %parallel_loop3A_812[%parallel_loop3A_813] {strides = array<i32>} : memref<512xf32, #tpu.memory_space<vmem>>, vector<16xf32>,
        %parallel_loop3A_815 = vector.shape_cast %parallel_loop3A_814 : vector<16xf32> to vector<16xf32>
        %parallel_loop3A_816 = vector.shape_cast %parallel_loop3A_804 : vector<16xf32> to vector<16xf32>
        tpu.vector_store %parallel_loop3A_812[%parallel_loop3A_813], %parallel_loop3A_816 {strides = array<i32>} : memref<512xf32, #tpu.memory_space<vmem>>, vector<16xf32>,
        %parallel_loop3A_817 = arith.constant 304 : index
        %parallel_loop3A_818 = tpu.vector_load %arg7[%parallel_loop3A_817] {strides = array<i32>} : memref<512xf32, #tpu.memory_space<vmem>>, vector<16xf32>,
        %parallel_loop3A_819 = vector.shape_cast %parallel_loop3A_818 : vector<16xf32> to vector<16xf32>
        %parallel_loop3A_820 = arith.mulf %parallel_loop3A_493, %parallel_loop3A_819 : vector<16xf32>
        %parallel_loop3A_821 = arith.addf %parallel_loop3A_487, %parallel_loop3A_820 : vector<16xf32>
        %parallel_loop3A_822 = arith.constant 0 : i32
        %parallel_loop3A_823 = arith.constant 0 : i32
        %parallel_loop3A_824 = arith.constant 0 : i32
        %parallel_loop3A_825 = tpu.memref_slice %arg8[%parallel_loop3A_822, %parallel_loop3A_823, %parallel_loop3A_824] : memref<2x64x512xf32, #tpu.memory_space<vmem>> -> memref<1x64x512xf32, #tpu.memory_space<vmem>>
        %parallel_loop3A_826 = tpu.memref_squeeze %parallel_loop3A_825 : memref<1x64x512xf32, #tpu.memory_space<vmem>> -> memref<64x512xf32, #tpu.memory_space<vmem>>
        %parallel_loop3A_827 = arith.constant 0 : i32
        %parallel_loop3A_828 = tpu.memref_slice %parallel_loop3A_826[%parallel_loop3A_481, %parallel_loop3A_827] : memref<64x512xf32, #tpu.memory_space<vmem>> -> memref<1x512xf32, #tpu.memory_space<vmem>>
        %parallel_loop3A_829 = tpu.memref_squeeze %parallel_loop3A_828 : memref<1x512xf32, #tpu.memory_space<vmem>> -> memref<512xf32, #tpu.memory_space<vmem>>
        %parallel_loop3A_830 = arith.constant 304 : index
        %parallel_loop3A_831 = tpu.vector_load %parallel_loop3A_829[%parallel_loop3A_830] {strides = array<i32>} : memref<512xf32, #tpu.memory_space<vmem>>, vector<16xf32>,
        %parallel_loop3A_832 = vector.shape_cast %parallel_loop3A_831 : vector<16xf32> to vector<16xf32>
        %parallel_loop3A_833 = vector.shape_cast %parallel_loop3A_821 : vector<16xf32> to vector<16xf32>
        tpu.vector_store %parallel_loop3A_829[%parallel_loop3A_830], %parallel_loop3A_833 {strides = array<i32>} : memref<512xf32, #tpu.memory_space<vmem>>, vector<16xf32>,
        %parallel_loop3A_834 = arith.constant 320 : index
        %parallel_loop3A_835 = tpu.vector_load %arg7[%parallel_loop3A_834] {strides = array<i32>} : memref<512xf32, #tpu.memory_space<vmem>>, vector<16xf32>,
        %parallel_loop3A_836 = vector.shape_cast %parallel_loop3A_835 : vector<16xf32> to vector<16xf32>
        %parallel_loop3A_837 = arith.mulf %parallel_loop3A_493, %parallel_loop3A_836 : vector<16xf32>
        %parallel_loop3A_838 = arith.addf %parallel_loop3A_487, %parallel_loop3A_837 : vector<16xf32>
        %parallel_loop3A_839 = arith.constant 0 : i32
        %parallel_loop3A_840 = arith.constant 0 : i32
        %parallel_loop3A_841 = arith.constant 0 : i32
        %parallel_loop3A_842 = tpu.memref_slice %arg8[%parallel_loop3A_839, %parallel_loop3A_840, %parallel_loop3A_841] : memref<2x64x512xf32, #tpu.memory_space<vmem>> -> memref<1x64x512xf32, #tpu.memory_space<vmem>>
        %parallel_loop3A_843 = tpu.memref_squeeze %parallel_loop3A_842 : memref<1x64x512xf32, #tpu.memory_space<vmem>> -> memref<64x512xf32, #tpu.memory_space<vmem>>
        %parallel_loop3A_844 = arith.constant 0 : i32
        %parallel_loop3A_845 = tpu.memref_slice %parallel_loop3A_843[%parallel_loop3A_481, %parallel_loop3A_844] : memref<64x512xf32, #tpu.memory_space<vmem>> -> memref<1x512xf32, #tpu.memory_space<vmem>>
        %parallel_loop3A_846 = tpu.memref_squeeze %parallel_loop3A_845 : memref<1x512xf32, #tpu.memory_space<vmem>> -> memref<512xf32, #tpu.memory_space<vmem>>
        %parallel_loop3A_847 = arith.constant 320 : index
        %parallel_loop3A_848 = tpu.vector_load %parallel_loop3A_846[%parallel_loop3A_847] {strides = array<i32>} : memref<512xf32, #tpu.memory_space<vmem>>, vector<16xf32>,
        %parallel_loop3A_849 = vector.shape_cast %parallel_loop3A_848 : vector<16xf32> to vector<16xf32>
        %parallel_loop3A_850 = vector.shape_cast %parallel_loop3A_838 : vector<16xf32> to vector<16xf32>
        tpu.vector_store %parallel_loop3A_846[%parallel_loop3A_847], %parallel_loop3A_850 {strides = array<i32>} : memref<512xf32, #tpu.memory_space<vmem>>, vector<16xf32>,
        %parallel_loop3A_851 = arith.constant 336 : index
        %parallel_loop3A_852 = tpu.vector_load %arg7[%parallel_loop3A_851] {strides = array<i32>} : memref<512xf32, #tpu.memory_space<vmem>>, vector<16xf32>,
        %parallel_loop3A_853 = vector.shape_cast %parallel_loop3A_852 : vector<16xf32> to vector<16xf32>
        %parallel_loop3A_854 = arith.mulf %parallel_loop3A_493, %parallel_loop3A_853 : vector<16xf32>
        %parallel_loop3A_855 = arith.addf %parallel_loop3A_487, %parallel_loop3A_854 : vector<16xf32>
        %parallel_loop3A_856 = arith.constant 0 : i32
        %parallel_loop3A_857 = arith.constant 0 : i32
        %parallel_loop3A_858 = arith.constant 0 : i32
        %parallel_loop3A_859 = tpu.memref_slice %arg8[%parallel_loop3A_856, %parallel_loop3A_857, %parallel_loop3A_858] : memref<2x64x512xf32, #tpu.memory_space<vmem>> -> memref<1x64x512xf32, #tpu.memory_space<vmem>>
        %parallel_loop3A_860 = tpu.memref_squeeze %parallel_loop3A_859 : memref<1x64x512xf32, #tpu.memory_space<vmem>> -> memref<64x512xf32, #tpu.memory_space<vmem>>
        %parallel_loop3A_861 = arith.constant 0 : i32
        %parallel_loop3A_862 = tpu.memref_slice %parallel_loop3A_860[%parallel_loop3A_481, %parallel_loop3A_861] : memref<64x512xf32, #tpu.memory_space<vmem>> -> memref<1x512xf32, #tpu.memory_space<vmem>>
        %parallel_loop3A_863 = tpu.memref_squeeze %parallel_loop3A_862 : memref<1x512xf32, #tpu.memory_space<vmem>> -> memref<512xf32, #tpu.memory_space<vmem>>
        %parallel_loop3A_864 = arith.constant 336 : index
        %parallel_loop3A_865 = tpu.vector_load %parallel_loop3A_863[%parallel_loop3A_864] {strides = array<i32>} : memref<512xf32, #tpu.memory_space<vmem>>, vector<16xf32>,
        %parallel_loop3A_866 = vector.shape_cast %parallel_loop3A_865 : vector<16xf32> to vector<16xf32>
        %parallel_loop3A_867 = vector.shape_cast %parallel_loop3A_855 : vector<16xf32> to vector<16xf32>
        tpu.vector_store %parallel_loop3A_863[%parallel_loop3A_864], %parallel_loop3A_867 {strides = array<i32>} : memref<512xf32, #tpu.memory_space<vmem>>, vector<16xf32>,
        %parallel_loop3A_868 = arith.constant 352 : index
        %parallel_loop3A_869 = tpu.vector_load %arg7[%parallel_loop3A_868] {strides = array<i32>} : memref<512xf32, #tpu.memory_space<vmem>>, vector<16xf32>,
        %parallel_loop3A_870 = vector.shape_cast %parallel_loop3A_869 : vector<16xf32> to vector<16xf32>
        %parallel_loop3A_871 = arith.mulf %parallel_loop3A_493, %parallel_loop3A_870 : vector<16xf32>
        %parallel_loop3A_872 = arith.addf %parallel_loop3A_487, %parallel_loop3A_871 : vector<16xf32>
        %parallel_loop3A_873 = arith.constant 0 : i32
        %parallel_loop3A_874 = arith.constant 0 : i32
        %parallel_loop3A_875 = arith.constant 0 : i32
        %parallel_loop3A_876 = tpu.memref_slice %arg8[%parallel_loop3A_873, %parallel_loop3A_874, %parallel_loop3A_875] : memref<2x64x512xf32, #tpu.memory_space<vmem>> -> memref<1x64x512xf32, #tpu.memory_space<vmem>>
        %parallel_loop3A_877 = tpu.memref_squeeze %parallel_loop3A_876 : memref<1x64x512xf32, #tpu.memory_space<vmem>> -> memref<64x512xf32, #tpu.memory_space<vmem>>
        %parallel_loop3A_878 = arith.constant 0 : i32
        %parallel_loop3A_879 = tpu.memref_slice %parallel_loop3A_877[%parallel_loop3A_481, %parallel_loop3A_878] : memref<64x512xf32, #tpu.memory_space<vmem>> -> memref<1x512xf32, #tpu.memory_space<vmem>>
        %parallel_loop3A_880 = tpu.memref_squeeze %parallel_loop3A_879 : memref<1x512xf32, #tpu.memory_space<vmem>> -> memref<512xf32, #tpu.memory_space<vmem>>
        %parallel_loop3A_881 = arith.constant 352 : index
        %parallel_loop3A_882 = tpu.vector_load %parallel_loop3A_880[%parallel_loop3A_881] {strides = array<i32>} : memref<512xf32, #tpu.memory_space<vmem>>, vector<16xf32>,
        %parallel_loop3A_883 = vector.shape_cast %parallel_loop3A_882 : vector<16xf32> to vector<16xf32>
        %parallel_loop3A_884 = vector.shape_cast %parallel_loop3A_872 : vector<16xf32> to vector<16xf32>
        tpu.vector_store %parallel_loop3A_880[%parallel_loop3A_881], %parallel_loop3A_884 {strides = array<i32>} : memref<512xf32, #tpu.memory_space<vmem>>, vector<16xf32>,
        %parallel_loop3A_885 = arith.constant 368 : index
        %parallel_loop3A_886 = tpu.vector_load %arg7[%parallel_loop3A_885] {strides = array<i32>} : memref<512xf32, #tpu.memory_space<vmem>>, vector<16xf32>,
        %parallel_loop3A_887 = vector.shape_cast %parallel_loop3A_886 : vector<16xf32> to vector<16xf32>
        %parallel_loop3A_888 = arith.mulf %parallel_loop3A_493, %parallel_loop3A_887 : vector<16xf32>
        %parallel_loop3A_889 = arith.addf %parallel_loop3A_487, %parallel_loop3A_888 : vector<16xf32>
        %parallel_loop3A_890 = arith.constant 0 : i32
        %parallel_loop3A_891 = arith.constant 0 : i32
        %parallel_loop3A_892 = arith.constant 0 : i32
        %parallel_loop3A_893 = tpu.memref_slice %arg8[%parallel_loop3A_890, %parallel_loop3A_891, %parallel_loop3A_892] : memref<2x64x512xf32, #tpu.memory_space<vmem>> -> memref<1x64x512xf32, #tpu.memory_space<vmem>>
        %parallel_loop3A_894 = tpu.memref_squeeze %parallel_loop3A_893 : memref<1x64x512xf32, #tpu.memory_space<vmem>> -> memref<64x512xf32, #tpu.memory_space<vmem>>
        %parallel_loop3A_895 = arith.constant 0 : i32
        %parallel_loop3A_896 = tpu.memref_slice %parallel_loop3A_894[%parallel_loop3A_481, %parallel_loop3A_895] : memref<64x512xf32, #tpu.memory_space<vmem>> -> memref<1x512xf32, #tpu.memory_space<vmem>>
        %parallel_loop3A_897 = tpu.memref_squeeze %parallel_loop3A_896 : memref<1x512xf32, #tpu.memory_space<vmem>> -> memref<512xf32, #tpu.memory_space<vmem>>
        %parallel_loop3A_898 = arith.constant 368 : index
        %parallel_loop3A_899 = tpu.vector_load %parallel_loop3A_897[%parallel_loop3A_898] {strides = array<i32>} : memref<512xf32, #tpu.memory_space<vmem>>, vector<16xf32>,
        %parallel_loop3A_900 = vector.shape_cast %parallel_loop3A_899 : vector<16xf32> to vector<16xf32>
        %parallel_loop3A_901 = vector.shape_cast %parallel_loop3A_889 : vector<16xf32> to vector<16xf32>
        tpu.vector_store %parallel_loop3A_897[%parallel_loop3A_898], %parallel_loop3A_901 {strides = array<i32>} : memref<512xf32, #tpu.memory_space<vmem>>, vector<16xf32>,
        %parallel_loop3A_902 = arith.constant 384 : index
        %parallel_loop3A_903 = tpu.vector_load %arg7[%parallel_loop3A_902] {strides = array<i32>} : memref<512xf32, #tpu.memory_space<vmem>>, vector<16xf32>,
        %parallel_loop3A_904 = vector.shape_cast %parallel_loop3A_903 : vector<16xf32> to vector<16xf32>
        %parallel_loop3A_905 = arith.mulf %parallel_loop3A_493, %parallel_loop3A_904 : vector<16xf32>
        %parallel_loop3A_906 = arith.addf %parallel_loop3A_487, %parallel_loop3A_905 : vector<16xf32>
        %parallel_loop3A_907 = arith.constant 0 : i32
        %parallel_loop3A_908 = arith.constant 0 : i32
        %parallel_loop3A_909 = arith.constant 0 : i32
        %parallel_loop3A_910 = tpu.memref_slice %arg8[%parallel_loop3A_907, %parallel_loop3A_908, %parallel_loop3A_909] : memref<2x64x512xf32, #tpu.memory_space<vmem>> -> memref<1x64x512xf32, #tpu.memory_space<vmem>>
        %parallel_loop3A_911 = tpu.memref_squeeze %parallel_loop3A_910 : memref<1x64x512xf32, #tpu.memory_space<vmem>> -> memref<64x512xf32, #tpu.memory_space<vmem>>
        %parallel_loop3A_912 = arith.constant 0 : i32
        %parallel_loop3A_913 = tpu.memref_slice %parallel_loop3A_911[%parallel_loop3A_481, %parallel_loop3A_912] : memref<64x512xf32, #tpu.memory_space<vmem>> -> memref<1x512xf32, #tpu.memory_space<vmem>>
        %parallel_loop3A_914 = tpu.memref_squeeze %parallel_loop3A_913 : memref<1x512xf32, #tpu.memory_space<vmem>> -> memref<512xf32, #tpu.memory_space<vmem>>
        %parallel_loop3A_915 = arith.constant 384 : index
        %parallel_loop3A_916 = tpu.vector_load %parallel_loop3A_914[%parallel_loop3A_915] {strides = array<i32>} : memref<512xf32, #tpu.memory_space<vmem>>, vector<16xf32>,
        %parallel_loop3A_917 = vector.shape_cast %parallel_loop3A_916 : vector<16xf32> to vector<16xf32>
        %parallel_loop3A_918 = vector.shape_cast %parallel_loop3A_906 : vector<16xf32> to vector<16xf32>
        tpu.vector_store %parallel_loop3A_914[%parallel_loop3A_915], %parallel_loop3A_918 {strides = array<i32>} : memref<512xf32, #tpu.memory_space<vmem>>, vector<16xf32>,
        %parallel_loop3A_919 = arith.constant 400 : index
        %parallel_loop3A_920 = tpu.vector_load %arg7[%parallel_loop3A_919] {strides = array<i32>} : memref<512xf32, #tpu.memory_space<vmem>>, vector<16xf32>,
        %parallel_loop3A_921 = vector.shape_cast %parallel_loop3A_920 : vector<16xf32> to vector<16xf32>
        %parallel_loop3A_922 = arith.mulf %parallel_loop3A_493, %parallel_loop3A_921 : vector<16xf32>
        %parallel_loop3A_923 = arith.addf %parallel_loop3A_487, %parallel_loop3A_922 : vector<16xf32>
        %parallel_loop3A_924 = arith.constant 0 : i32
        %parallel_loop3A_925 = arith.constant 0 : i32
        %parallel_loop3A_926 = arith.constant 0 : i32
        %parallel_loop3A_927 = tpu.memref_slice %arg8[%parallel_loop3A_924, %parallel_loop3A_925, %parallel_loop3A_926] : memref<2x64x512xf32, #tpu.memory_space<vmem>> -> memref<1x64x512xf32, #tpu.memory_space<vmem>>
        %parallel_loop3A_928 = tpu.memref_squeeze %parallel_loop3A_927 : memref<1x64x512xf32, #tpu.memory_space<vmem>> -> memref<64x512xf32, #tpu.memory_space<vmem>>
        %parallel_loop3A_929 = arith.constant 0 : i32
        %parallel_loop3A_930 = tpu.memref_slice %parallel_loop3A_928[%parallel_loop3A_481, %parallel_loop3A_929] : memref<64x512xf32, #tpu.memory_space<vmem>> -> memref<1x512xf32, #tpu.memory_space<vmem>>
        %parallel_loop3A_931 = tpu.memref_squeeze %parallel_loop3A_930 : memref<1x512xf32, #tpu.memory_space<vmem>> -> memref<512xf32, #tpu.memory_space<vmem>>
        %parallel_loop3A_932 = arith.constant 400 : index
        %parallel_loop3A_933 = tpu.vector_load %parallel_loop3A_931[%parallel_loop3A_932] {strides = array<i32>} : memref<512xf32, #tpu.memory_space<vmem>>, vector<16xf32>,
        %parallel_loop3A_934 = vector.shape_cast %parallel_loop3A_933 : vector<16xf32> to vector<16xf32>
        %parallel_loop3A_935 = vector.shape_cast %parallel_loop3A_923 : vector<16xf32> to vector<16xf32>
        tpu.vector_store %parallel_loop3A_931[%parallel_loop3A_932], %parallel_loop3A_935 {strides = array<i32>} : memref<512xf32, #tpu.memory_space<vmem>>, vector<16xf32>,
        %parallel_loop3A_936 = arith.constant 416 : index
        %parallel_loop3A_937 = tpu.vector_load %arg7[%parallel_loop3A_936] {strides = array<i32>} : memref<512xf32, #tpu.memory_space<vmem>>, vector<16xf32>,
        %parallel_loop3A_938 = vector.shape_cast %parallel_loop3A_937 : vector<16xf32> to vector<16xf32>
        %parallel_loop3A_939 = arith.mulf %parallel_loop3A_493, %parallel_loop3A_938 : vector<16xf32>
        %parallel_loop3A_940 = arith.addf %parallel_loop3A_487, %parallel_loop3A_939 : vector<16xf32>
        %parallel_loop3A_941 = arith.constant 0 : i32
        %parallel_loop3A_942 = arith.constant 0 : i32
        %parallel_loop3A_943 = arith.constant 0 : i32
        %parallel_loop3A_944 = tpu.memref_slice %arg8[%parallel_loop3A_941, %parallel_loop3A_942, %parallel_loop3A_943] : memref<2x64x512xf32, #tpu.memory_space<vmem>> -> memref<1x64x512xf32, #tpu.memory_space<vmem>>
        %parallel_loop3A_945 = tpu.memref_squeeze %parallel_loop3A_944 : memref<1x64x512xf32, #tpu.memory_space<vmem>> -> memref<64x512xf32, #tpu.memory_space<vmem>>
        %parallel_loop3A_946 = arith.constant 0 : i32
        %parallel_loop3A_947 = tpu.memref_slice %parallel_loop3A_945[%parallel_loop3A_481, %parallel_loop3A_946] : memref<64x512xf32, #tpu.memory_space<vmem>> -> memref<1x512xf32, #tpu.memory_space<vmem>>
        %parallel_loop3A_948 = tpu.memref_squeeze %parallel_loop3A_947 : memref<1x512xf32, #tpu.memory_space<vmem>> -> memref<512xf32, #tpu.memory_space<vmem>>
        %parallel_loop3A_949 = arith.constant 416 : index
        %parallel_loop3A_950 = tpu.vector_load %parallel_loop3A_948[%parallel_loop3A_949] {strides = array<i32>} : memref<512xf32, #tpu.memory_space<vmem>>, vector<16xf32>,
        %parallel_loop3A_951 = vector.shape_cast %parallel_loop3A_950 : vector<16xf32> to vector<16xf32>
        %parallel_loop3A_952 = vector.shape_cast %parallel_loop3A_940 : vector<16xf32> to vector<16xf32>
        tpu.vector_store %parallel_loop3A_948[%parallel_loop3A_949], %parallel_loop3A_952 {strides = array<i32>} : memref<512xf32, #tpu.memory_space<vmem>>, vector<16xf32>,
        %parallel_loop3A_953 = arith.constant 432 : index
        %parallel_loop3A_954 = tpu.vector_load %arg7[%parallel_loop3A_953] {strides = array<i32>} : memref<512xf32, #tpu.memory_space<vmem>>, vector<16xf32>,
        %parallel_loop3A_955 = vector.shape_cast %parallel_loop3A_954 : vector<16xf32> to vector<16xf32>
        %parallel_loop3A_956 = arith.mulf %parallel_loop3A_493, %parallel_loop3A_955 : vector<16xf32>
        %parallel_loop3A_957 = arith.addf %parallel_loop3A_487, %parallel_loop3A_956 : vector<16xf32>
        %parallel_loop3A_958 = arith.constant 0 : i32
        %parallel_loop3A_959 = arith.constant 0 : i32
        %parallel_loop3A_960 = arith.constant 0 : i32
        %parallel_loop3A_961 = tpu.memref_slice %arg8[%parallel_loop3A_958, %parallel_loop3A_959, %parallel_loop3A_960] : memref<2x64x512xf32, #tpu.memory_space<vmem>> -> memref<1x64x512xf32, #tpu.memory_space<vmem>>
        %parallel_loop3A_962 = tpu.memref_squeeze %parallel_loop3A_961 : memref<1x64x512xf32, #tpu.memory_space<vmem>> -> memref<64x512xf32, #tpu.memory_space<vmem>>
        %parallel_loop3A_963 = arith.constant 0 : i32
        %parallel_loop3A_964 = tpu.memref_slice %parallel_loop3A_962[%parallel_loop3A_481, %parallel_loop3A_963] : memref<64x512xf32, #tpu.memory_space<vmem>> -> memref<1x512xf32, #tpu.memory_space<vmem>>
        %parallel_loop3A_965 = tpu.memref_squeeze %parallel_loop3A_964 : memref<1x512xf32, #tpu.memory_space<vmem>> -> memref<512xf32, #tpu.memory_space<vmem>>
        %parallel_loop3A_966 = arith.constant 432 : index
        %parallel_loop3A_967 = tpu.vector_load %parallel_loop3A_965[%parallel_loop3A_966] {strides = array<i32>} : memref<512xf32, #tpu.memory_space<vmem>>, vector<16xf32>,
        %parallel_loop3A_968 = vector.shape_cast %parallel_loop3A_967 : vector<16xf32> to vector<16xf32>
        %parallel_loop3A_969 = vector.shape_cast %parallel_loop3A_957 : vector<16xf32> to vector<16xf32>
        tpu.vector_store %parallel_loop3A_965[%parallel_loop3A_966], %parallel_loop3A_969 {strides = array<i32>} : memref<512xf32, #tpu.memory_space<vmem>>, vector<16xf32>,
        %parallel_loop3A_970 = arith.constant 448 : index
        %parallel_loop3A_971 = tpu.vector_load %arg7[%parallel_loop3A_970] {strides = array<i32>} : memref<512xf32, #tpu.memory_space<vmem>>, vector<16xf32>,
        %parallel_loop3A_972 = vector.shape_cast %parallel_loop3A_971 : vector<16xf32> to vector<16xf32>
        %parallel_loop3A_973 = arith.mulf %parallel_loop3A_493, %parallel_loop3A_972 : vector<16xf32>
        %parallel_loop3A_974 = arith.addf %parallel_loop3A_487, %parallel_loop3A_973 : vector<16xf32>
        %parallel_loop3A_975 = arith.constant 0 : i32
        %parallel_loop3A_976 = arith.constant 0 : i32
        %parallel_loop3A_977 = arith.constant 0 : i32
        %parallel_loop3A_978 = tpu.memref_slice %arg8[%parallel_loop3A_975, %parallel_loop3A_976, %parallel_loop3A_977] : memref<2x64x512xf32, #tpu.memory_space<vmem>> -> memref<1x64x512xf32, #tpu.memory_space<vmem>>
        %parallel_loop3A_979 = tpu.memref_squeeze %parallel_loop3A_978 : memref<1x64x512xf32, #tpu.memory_space<vmem>> -> memref<64x512xf32, #tpu.memory_space<vmem>>
        %parallel_loop3A_980 = arith.constant 0 : i32
        %parallel_loop3A_981 = tpu.memref_slice %parallel_loop3A_979[%parallel_loop3A_481, %parallel_loop3A_980] : memref<64x512xf32, #tpu.memory_space<vmem>> -> memref<1x512xf32, #tpu.memory_space<vmem>>
        %parallel_loop3A_982 = tpu.memref_squeeze %parallel_loop3A_981 : memref<1x512xf32, #tpu.memory_space<vmem>> -> memref<512xf32, #tpu.memory_space<vmem>>
        %parallel_loop3A_983 = arith.constant 448 : index
        %parallel_loop3A_984 = tpu.vector_load %parallel_loop3A_982[%parallel_loop3A_983] {strides = array<i32>} : memref<512xf32, #tpu.memory_space<vmem>>, vector<16xf32>,
        %parallel_loop3A_985 = vector.shape_cast %parallel_loop3A_984 : vector<16xf32> to vector<16xf32>
        %parallel_loop3A_986 = vector.shape_cast %parallel_loop3A_974 : vector<16xf32> to vector<16xf32>
        tpu.vector_store %parallel_loop3A_982[%parallel_loop3A_983], %parallel_loop3A_986 {strides = array<i32>} : memref<512xf32, #tpu.memory_space<vmem>>, vector<16xf32>,
        %parallel_loop3A_987 = arith.constant 464 : index
        %parallel_loop3A_988 = tpu.vector_load %arg7[%parallel_loop3A_987] {strides = array<i32>} : memref<512xf32, #tpu.memory_space<vmem>>, vector<16xf32>,
        %parallel_loop3A_989 = vector.shape_cast %parallel_loop3A_988 : vector<16xf32> to vector<16xf32>
        %parallel_loop3A_990 = arith.mulf %parallel_loop3A_493, %parallel_loop3A_989 : vector<16xf32>
        %parallel_loop3A_991 = arith.addf %parallel_loop3A_487, %parallel_loop3A_990 : vector<16xf32>
        %parallel_loop3A_992 = arith.constant 0 : i32
        %parallel_loop3A_993 = arith.constant 0 : i32
        %parallel_loop3A_994 = arith.constant 0 : i32
        %parallel_loop3A_995 = tpu.memref_slice %arg8[%parallel_loop3A_992, %parallel_loop3A_993, %parallel_loop3A_994] : memref<2x64x512xf32, #tpu.memory_space<vmem>> -> memref<1x64x512xf32, #tpu.memory_space<vmem>>
        %parallel_loop3A_996 = tpu.memref_squeeze %parallel_loop3A_995 : memref<1x64x512xf32, #tpu.memory_space<vmem>> -> memref<64x512xf32, #tpu.memory_space<vmem>>
        %parallel_loop3A_997 = arith.constant 0 : i32
        %parallel_loop3A_998 = tpu.memref_slice %parallel_loop3A_996[%parallel_loop3A_481, %parallel_loop3A_997] : memref<64x512xf32, #tpu.memory_space<vmem>> -> memref<1x512xf32, #tpu.memory_space<vmem>>
        %parallel_loop3A_999 = tpu.memref_squeeze %parallel_loop3A_998 : memref<1x512xf32, #tpu.memory_space<vmem>> -> memref<512xf32, #tpu.memory_space<vmem>>
        %parallel_loop3A_1000 = arith.constant 464 : index
        %parallel_loop3A_1001 = tpu.vector_load %parallel_loop3A_999[%parallel_loop3A_1000] {strides = array<i32>} : memref<512xf32, #tpu.memory_space<vmem>>, vector<16xf32>,
        %parallel_loop3A_1002 = vector.shape_cast %parallel_loop3A_1001 : vector<16xf32> to vector<16xf32>
        %parallel_loop3A_1003 = vector.shape_cast %parallel_loop3A_991 : vector<16xf32> to vector<16xf32>
        tpu.vector_store %parallel_loop3A_999[%parallel_loop3A_1000], %parallel_loop3A_1003 {strides = array<i32>} : memref<512xf32, #tpu.memory_space<vmem>>, vector<16xf32>,
        %parallel_loop3A_1004 = arith.constant 480 : index
        %parallel_loop3A_1005 = tpu.vector_load %arg7[%parallel_loop3A_1004] {strides = array<i32>} : memref<512xf32, #tpu.memory_space<vmem>>, vector<16xf32>,
        %parallel_loop3A_1006 = vector.shape_cast %parallel_loop3A_1005 : vector<16xf32> to vector<16xf32>
        %parallel_loop3A_1007 = arith.mulf %parallel_loop3A_493, %parallel_loop3A_1006 : vector<16xf32>
        %parallel_loop3A_1008 = arith.addf %parallel_loop3A_487, %parallel_loop3A_1007 : vector<16xf32>
        %parallel_loop3A_1009 = arith.constant 0 : i32
        %parallel_loop3A_1010 = arith.constant 0 : i32
        %parallel_loop3A_1011 = arith.constant 0 : i32
        %parallel_loop3A_1012 = tpu.memref_slice %arg8[%parallel_loop3A_1009, %parallel_loop3A_1010, %parallel_loop3A_1011] : memref<2x64x512xf32, #tpu.memory_space<vmem>> -> memref<1x64x512xf32, #tpu.memory_space<vmem>>
        %parallel_loop3A_1013 = tpu.memref_squeeze %parallel_loop3A_1012 : memref<1x64x512xf32, #tpu.memory_space<vmem>> -> memref<64x512xf32, #tpu.memory_space<vmem>>
        %parallel_loop3A_1014 = arith.constant 0 : i32
        %parallel_loop3A_1015 = tpu.memref_slice %parallel_loop3A_1013[%parallel_loop3A_481, %parallel_loop3A_1014] : memref<64x512xf32, #tpu.memory_space<vmem>> -> memref<1x512xf32, #tpu.memory_space<vmem>>
        %parallel_loop3A_1016 = tpu.memref_squeeze %parallel_loop3A_1015 : memref<1x512xf32, #tpu.memory_space<vmem>> -> memref<512xf32, #tpu.memory_space<vmem>>
        %parallel_loop3A_1017 = arith.constant 480 : index
        %parallel_loop3A_1018 = tpu.vector_load %parallel_loop3A_1016[%parallel_loop3A_1017] {strides = array<i32>} : memref<512xf32, #tpu.memory_space<vmem>>, vector<16xf32>,
        %parallel_loop3A_1019 = vector.shape_cast %parallel_loop3A_1018 : vector<16xf32> to vector<16xf32>
        %parallel_loop3A_1020 = vector.shape_cast %parallel_loop3A_1008 : vector<16xf32> to vector<16xf32>
        tpu.vector_store %parallel_loop3A_1016[%parallel_loop3A_1017], %parallel_loop3A_1020 {strides = array<i32>} : memref<512xf32, #tpu.memory_space<vmem>>, vector<16xf32>,
        %parallel_loop3A_1021 = arith.constant 496 : index
        %parallel_loop3A_1022 = tpu.vector_load %arg7[%parallel_loop3A_1021] {strides = array<i32>} : memref<512xf32, #tpu.memory_space<vmem>>, vector<16xf32>,
        %parallel_loop3A_1023 = vector.shape_cast %parallel_loop3A_1022 : vector<16xf32> to vector<16xf32>
        %parallel_loop3A_1024 = arith.mulf %parallel_loop3A_493, %parallel_loop3A_1023 : vector<16xf32>
        %parallel_loop3A_1025 = arith.addf %parallel_loop3A_487, %parallel_loop3A_1024 : vector<16xf32>
        %parallel_loop3A_1026 = arith.constant 0 : i32
        %parallel_loop3A_1027 = arith.constant 0 : i32
        %parallel_loop3A_1028 = arith.constant 0 : i32
        %parallel_loop3A_1029 = tpu.memref_slice %arg8[%parallel_loop3A_1026, %parallel_loop3A_1027, %parallel_loop3A_1028] : memref<2x64x512xf32, #tpu.memory_space<vmem>> -> memref<1x64x512xf32, #tpu.memory_space<vmem>>
        %parallel_loop3A_1030 = tpu.memref_squeeze %parallel_loop3A_1029 : memref<1x64x512xf32, #tpu.memory_space<vmem>> -> memref<64x512xf32, #tpu.memory_space<vmem>>
        %parallel_loop3A_1031 = arith.constant 0 : i32
        %parallel_loop3A_1032 = tpu.memref_slice %parallel_loop3A_1030[%parallel_loop3A_481, %parallel_loop3A_1031] : memref<64x512xf32, #tpu.memory_space<vmem>> -> memref<1x512xf32, #tpu.memory_space<vmem>>
        %parallel_loop3A_1033 = tpu.memref_squeeze %parallel_loop3A_1032 : memref<1x512xf32, #tpu.memory_space<vmem>> -> memref<512xf32, #tpu.memory_space<vmem>>
        %parallel_loop3A_1034 = arith.constant 496 : index
        %parallel_loop3A_1035 = tpu.vector_load %parallel_loop3A_1033[%parallel_loop3A_1034] {strides = array<i32>} : memref<512xf32, #tpu.memory_space<vmem>>, vector<16xf32>,
        %parallel_loop3A_1036 = vector.shape_cast %parallel_loop3A_1035 : vector<16xf32> to vector<16xf32>
        %parallel_loop3A_1037 = vector.shape_cast %parallel_loop3A_1025 : vector<16xf32> to vector<16xf32>
        tpu.vector_store %parallel_loop3A_1033[%parallel_loop3A_1034], %parallel_loop3A_1037 {strides = array<i32>} : memref<512xf32, #tpu.memory_space<vmem>>, vector<16xf32>,
      } {sc.loop_unroll_factor = 8 : i64, sc.parallel_access}
      %add3A_291 = arith.addi %mul3A_2, %add3A_173 : i32
      %jit3A_292 = arith.constant 8 : i32
      %div3A_293 = arith.divsi %add3A_291, %jit3A_292 : i32
      %sign3A_294 = arith.constant 0 : i32
      %sign3A_295 = arith.cmpi sgt, %add3A_291, %sign3A_294 : i32
      %sign3A_296 = arith.extui %sign3A_295 : i1 to i32
      %sign3A_297 = arith.constant 0 : i32
      %sign3A_298 = arith.cmpi slt, %add3A_291, %sign3A_297 : i32
      %sign3A_299 = arith.extui %sign3A_298 : i1 to i32
      %sign3A_300 = arith.subi %sign3A_296, %sign3A_299 : i32
      %sign3A_301 = arith.constant 0 : i32
      %sign3A_302 = arith.cmpi sgt, %jit3A_292, %sign3A_301 : i32
      %sign3A_303 = arith.extui %sign3A_302 : i1 to i32
      %sign3A_304 = arith.constant 0 : i32
      %sign3A_305 = arith.cmpi slt, %jit3A_292, %sign3A_304 : i32
      %sign3A_306 = arith.extui %sign3A_305 : i1 to i32
      %sign3A_307 = arith.subi %sign3A_303, %sign3A_306 : i32
      %ne3A_308 = arith.cmpi ne, %sign3A_300, %sign3A_307 : i32
      %rem3A_309 = arith.remsi %add3A_291, %jit3A_292 : i32
      %ne3A_310 = arith.constant 0 : i32
      %ne3A_311 = arith.cmpi ne, %rem3A_309, %ne3A_310 : i32
      %and3A_312 = arith.andi %ne3A_308, %ne3A_311 : i1
      %sub3A_313 = arith.constant 1 : i32
      %sub3A_314 = arith.subi %div3A_293, %sub3A_313 : i32
      %select_n3A_315 = arith.select %and3A_312, %sub3A_314, %div3A_293 : i32
      %jit3A_316 = arith.constant 8 : i32
      %eq3A_317 = arith.constant 0 : i32
      %eq3A_318 = arith.cmpi eq, %jit3A_316, %eq3A_317 : i32
      %jit3A_319 = arith.constant 1 : i32
      %select_n3A_320 = arith.select %eq3A_318, %jit3A_319, %jit3A_316 : i32
      %rem3A_321 = arith.remsi %add3A_291, %select_n3A_320 : i32
      %ne3A_322 = arith.constant 0 : i32
      %ne3A_323 = arith.cmpi ne, %rem3A_321, %ne3A_322 : i32
      %lt3A_324 = arith.constant 0 : i32
      %lt3A_325 = arith.cmpi slt, %rem3A_321, %lt3A_324 : i32
      %lt3A_326 = arith.constant 0 : i32
      %lt3A_327 = arith.cmpi slt, %select_n3A_320, %lt3A_326 : i32
      %ne3A_328 = arith.xori %lt3A_325, %lt3A_327 : i1
      %and3A_329 = arith.andi %ne3A_328, %ne3A_323 : i1
      %add3A_330 = arith.addi %rem3A_321, %select_n3A_320 : i32
      %select_n3A_331 = arith.select %and3A_329, %add3A_330, %rem3A_321 : i32
      %mul3A_332 = arith.constant 512 : i32
      %mul3A_333 = arith.muli %select_n3A_331, %mul3A_332 : i32
      %dma_start3A_334 = arith.constant 0 : i32
      %dma_start3A_335 = arith.constant 0 : i32
      %dma_start3A_336 = arith.constant 0 : i32
      %dma_start3A_337 = tpu.memref_slice %arg8[%dma_start3A_334, %dma_start3A_335, %dma_start3A_336] : memref<2x64x512xf32, #tpu.memory_space<vmem>> -> memref<1x64x512xf32, #tpu.memory_space<vmem>>
      %dma_start3A_338 = tpu.memref_squeeze %dma_start3A_337 : memref<1x64x512xf32, #tpu.memory_space<vmem>> -> memref<64x512xf32, #tpu.memory_space<vmem>>
      %dma_start3A_339 = arith.constant 0 : i32
      %dma_start3A_340 = tpu.memref_slice %arg5[%select_n3A_315, %dma_start3A_339, %mul3A_333] : memref<200x64x4096xf32, #tpu.memory_space<hbm>> -> memref<1x64x512xf32, #tpu.memory_space<hbm>>
      %dma_start3A_341 = tpu.memref_squeeze %dma_start3A_340 : memref<1x64x512xf32, #tpu.memory_space<hbm>> -> memref<64x512xf32, #tpu.memory_space<hbm>>
      %dma_start3A_342 = arith.constant 0 : i32
      %dma_start3A_343 = tpu.memref_slice %arg5[%select_n3A_315, %dma_start3A_342, %mul3A_333] : memref<200x64x4096xf32, #tpu.memory_space<hbm>> -> memref<1x64x512xf32, #tpu.memory_space<hbm>>
      %dma_start3A_344 = tpu.memref_squeeze %dma_start3A_343 : memref<1x64x512xf32, #tpu.memory_space<hbm>> -> memref<64x512xf32, #tpu.memory_space<hbm>>
      %dma_start3A_345 = arith.constant 0 : i32
      %dma_start3A_346 = arith.constant 0 : i32
      %dma_start3A_347 = tpu.memref_slice %arg8[%dma_start3A_334, %dma_start3A_345, %dma_start3A_346] : memref<2x64x512xf32, #tpu.memory_space<vmem>> -> memref<1x64x512xf32, #tpu.memory_space<vmem>>
      %dma_start3A_348 = tpu.memref_squeeze %dma_start3A_347 : memref<1x64x512xf32, #tpu.memory_space<vmem>> -> memref<64x512xf32, #tpu.memory_space<vmem>>
      tpu.enqueue_dma source(%dma_start3A_348 : memref<64x512xf32, #tpu.memory_space<vmem>>) target(%dma_start3A_344 : memref<64x512xf32, #tpu.memory_space<hbm>>) target_semaphore(%arg12 : memref<!tpu.dma_semaphore, #tpu.memory_space<semaphore_mem>>)
      %mul3A_349 = arith.constant 2 : i32
      %mul3A_350 = arith.muli %mul3A_349, %scan3A_169 : i32
      %add3A_351 = arith.constant 1 : i32
      %add3A_352 = arith.addi %mul3A_350, %add3A_351 : i32
      %add3A_353 = arith.addi %mul3A_2, %add3A_352 : i32
      %jit3A_354 = arith.constant 8 : i32
      %div3A_355 = arith.divsi %add3A_353, %jit3A_354 : i32
      %sign3A_356 = arith.constant 0 : i32
      %sign3A_357 = arith.cmpi sgt, %add3A_353, %sign3A_356 : i32
      %sign3A_358 = arith.extui %sign3A_357 : i1 to i32
      %sign3A_359 = arith.constant 0 : i32
      %sign3A_360 = arith.cmpi slt, %add3A_353, %sign3A_359 : i32
      %sign3A_361 = arith.extui %sign3A_360 : i1 to i32
      %sign3A_362 = arith.subi %sign3A_358, %sign3A_361 : i32
      %sign3A_363 = arith.constant 0 : i32
      %sign3A_364 = arith.cmpi sgt, %jit3A_354, %sign3A_363 : i32
      %sign3A_365 = arith.extui %sign3A_364 : i1 to i32
      %sign3A_366 = arith.constant 0 : i32
      %sign3A_367 = arith.cmpi slt, %jit3A_354, %sign3A_366 : i32
      %sign3A_368 = arith.extui %sign3A_367 : i1 to i32
      %sign3A_369 = arith.subi %sign3A_365, %sign3A_368 : i32
      %ne3A_370 = arith.cmpi ne, %sign3A_362, %sign3A_369 : i32
      %rem3A_371 = arith.remsi %add3A_353, %jit3A_354 : i32
      %ne3A_372 = arith.constant 0 : i32
      %ne3A_373 = arith.cmpi ne, %rem3A_371, %ne3A_372 : i32
      %and3A_374 = arith.andi %ne3A_370, %ne3A_373 : i1
      %sub3A_375 = arith.constant 1 : i32
      %sub3A_376 = arith.subi %div3A_355, %sub3A_375 : i32
      %select_n3A_377 = arith.select %and3A_374, %sub3A_376, %div3A_355 : i32
      %jit3A_378 = arith.constant 8 : i32
      %eq3A_379 = arith.constant 0 : i32
      %eq3A_380 = arith.cmpi eq, %jit3A_378, %eq3A_379 : i32
      %jit3A_381 = arith.constant 1 : i32
      %select_n3A_382 = arith.select %eq3A_380, %jit3A_381, %jit3A_378 : i32
      %rem3A_383 = arith.remsi %add3A_353, %select_n3A_382 : i32
      %ne3A_384 = arith.constant 0 : i32
      %ne3A_385 = arith.cmpi ne, %rem3A_383, %ne3A_384 : i32
      %lt3A_386 = arith.constant 0 : i32
      %lt3A_387 = arith.cmpi slt, %rem3A_383, %lt3A_386 : i32
      %lt3A_388 = arith.constant 0 : i32
      %lt3A_389 = arith.cmpi slt, %select_n3A_382, %lt3A_388 : i32
      %ne3A_390 = arith.xori %lt3A_387, %lt3A_389 : i1
      %and3A_391 = arith.andi %ne3A_390, %ne3A_385 : i1
      %add3A_392 = arith.addi %rem3A_383, %select_n3A_382 : i32
      %select_n3A_393 = arith.select %and3A_391, %add3A_392, %rem3A_383 : i32
      %mul3A_394 = arith.constant 512 : i32
      %mul3A_395 = arith.muli %select_n3A_393, %mul3A_394 : i32
      %dma_wait3A_396 = arith.constant 1 : i32
      %dma_wait3A_397 = arith.constant 0 : i32
      %dma_wait3A_398 = tpu.memref_slice %arg6[%dma_wait3A_396, %dma_wait3A_397] : memref<2x512xi32, #tpu.memory_space<vmem>> -> memref<1x512xi32, #tpu.memory_space<vmem>>
      %dma_wait3A_399 = tpu.memref_squeeze %dma_wait3A_398 : memref<1x512xi32, #tpu.memory_space<vmem>> -> memref<512xi32, #tpu.memory_space<vmem>>
      %dma_wait3A_400 = tpu.memref_slice %arg2[%select_n3A_377, %mul3A_395] : memref<200x4096xi32, #tpu.memory_space<hbm>> -> memref<1x512xi32, #tpu.memory_space<hbm>>
      %dma_wait3A_401 = tpu.memref_squeeze %dma_wait3A_400 : memref<1x512xi32, #tpu.memory_space<hbm>> -> memref<512xi32, #tpu.memory_space<hbm>>
      %dma_wait3A_402 = arith.constant 0 : i32
      %dma_wait3A_403 = tpu.memref_slice %arg6[%dma_wait3A_396, %dma_wait3A_402] : memref<2x512xi32, #tpu.memory_space<vmem>> -> memref<1x512xi32, #tpu.memory_space<vmem>>
      %dma_wait3A_404 = tpu.memref_squeeze %dma_wait3A_403 : memref<1x512xi32, #tpu.memory_space<vmem>> -> memref<512xi32, #tpu.memory_space<vmem>>
      %dma_wait3A_405 = tpu.memref_slice %arg2[%select_n3A_377, %mul3A_395] : memref<200x4096xi32, #tpu.memory_space<hbm>> -> memref<1x512xi32, #tpu.memory_space<hbm>>
      %dma_wait3A_406 = tpu.memref_squeeze %dma_wait3A_405 : memref<1x512xi32, #tpu.memory_space<hbm>> -> memref<512xi32, #tpu.memory_space<hbm>>
      tpu.wait_dma2 semaphore(%arg11 : memref<!tpu.dma_semaphore, #tpu.memory_space<semaphore_mem>>) src(%dma_wait3A_406 : memref<512xi32, #tpu.memory_space<hbm>>) dst(%dma_wait3A_404 : memref<512xi32, #tpu.memory_space<vmem>>)
      %lt3A_407 = arith.constant 24 : i32
      %lt3A_408 = arith.cmpi slt, %scan3A_169, %lt3A_407 : i32
      %convert_element_type3A_409 = arith.extui %lt3A_408 : i1 to i32
      %cond3A_410 = arith.constant 0 : i32
      %cond3A_411 = arith.cmpi ne, %convert_element_type3A_409, %cond3A_410 : i32
      scf.if %cond3A_411 {
        %add3A_481 = arith.constant 1 : i32
        %add3A_482 = arith.addi %add3A_352, %add3A_481 : i32
        %add3A_483 = arith.addi %mul3A_2, %add3A_482 : i32
        %jit3A_484 = arith.constant 8 : i32
        %div3A_485 = arith.divsi %add3A_483, %jit3A_484 : i32
        %sign3A_486 = arith.constant 0 : i32
        %sign3A_487 = arith.cmpi sgt, %add3A_483, %sign3A_486 : i32
        %sign3A_488 = arith.extui %sign3A_487 : i1 to i32
        %sign3A_489 = arith.constant 0 : i32
        %sign3A_490 = arith.cmpi slt, %add3A_483, %sign3A_489 : i32
        %sign3A_491 = arith.extui %sign3A_490 : i1 to i32
        %sign3A_492 = arith.subi %sign3A_488, %sign3A_491 : i32
        %sign3A_493 = arith.constant 0 : i32
        %sign3A_494 = arith.cmpi sgt, %jit3A_484, %sign3A_493 : i32
        %sign3A_495 = arith.extui %sign3A_494 : i1 to i32
        %sign3A_496 = arith.constant 0 : i32
        %sign3A_497 = arith.cmpi slt, %jit3A_484, %sign3A_496 : i32
        %sign3A_498 = arith.extui %sign3A_497 : i1 to i32
        %sign3A_499 = arith.subi %sign3A_495, %sign3A_498 : i32
        %ne3A_500 = arith.cmpi ne, %sign3A_492, %sign3A_499 : i32
        %rem3A_501 = arith.remsi %add3A_483, %jit3A_484 : i32
        %ne3A_502 = arith.constant 0 : i32
        %ne3A_503 = arith.cmpi ne, %rem3A_501, %ne3A_502 : i32
        %and3A_504 = arith.andi %ne3A_500, %ne3A_503 : i1
        %sub3A_505 = arith.constant 1 : i32
        %sub3A_506 = arith.subi %div3A_485, %sub3A_505 : i32
        %select_n3A_507 = arith.select %and3A_504, %sub3A_506, %div3A_485 : i32
        %jit3A_508 = arith.constant 8 : i32
        %eq3A_509 = arith.constant 0 : i32
        %eq3A_510 = arith.cmpi eq, %jit3A_508, %eq3A_509 : i32
        %jit3A_511 = arith.constant 1 : i32
        %select_n3A_512 = arith.select %eq3A_510, %jit3A_511, %jit3A_508 : i32
        %rem3A_513 = arith.remsi %add3A_483, %select_n3A_512 : i32
        %ne3A_514 = arith.constant 0 : i32
        %ne3A_515 = arith.cmpi ne, %rem3A_513, %ne3A_514 : i32
        %lt3A_516 = arith.constant 0 : i32
        %lt3A_517 = arith.cmpi slt, %rem3A_513, %lt3A_516 : i32
        %lt3A_518 = arith.constant 0 : i32
        %lt3A_519 = arith.cmpi slt, %select_n3A_512, %lt3A_518 : i32
        %ne3A_520 = arith.xori %lt3A_517, %lt3A_519 : i1
        %and3A_521 = arith.andi %ne3A_520, %ne3A_515 : i1
        %add3A_522 = arith.addi %rem3A_513, %select_n3A_512 : i32
        %select_n3A_523 = arith.select %and3A_521, %add3A_522, %rem3A_513 : i32
        %mul3A_524 = arith.constant 512 : i32
        %mul3A_525 = arith.muli %select_n3A_523, %mul3A_524 : i32
        %dma_start3A_526 = arith.constant 0 : i32
        %dma_start3A_527 = arith.constant 0 : i32
        %dma_start3A_528 = tpu.memref_slice %arg6[%dma_start3A_526, %dma_start3A_527] : memref<2x512xi32, #tpu.memory_space<vmem>> -> memref<1x512xi32, #tpu.memory_space<vmem>>
        %dma_start3A_529 = tpu.memref_squeeze %dma_start3A_528 : memref<1x512xi32, #tpu.memory_space<vmem>> -> memref<512xi32, #tpu.memory_space<vmem>>
        %dma_start3A_530 = tpu.memref_slice %arg2[%select_n3A_507, %mul3A_525] : memref<200x4096xi32, #tpu.memory_space<hbm>> -> memref<1x512xi32, #tpu.memory_space<hbm>>
        %dma_start3A_531 = tpu.memref_squeeze %dma_start3A_530 : memref<1x512xi32, #tpu.memory_space<hbm>> -> memref<512xi32, #tpu.memory_space<hbm>>
        %dma_start3A_532 = arith.constant 0 : i32
        %dma_start3A_533 = tpu.memref_slice %arg6[%dma_start3A_526, %dma_start3A_532] : memref<2x512xi32, #tpu.memory_space<vmem>> -> memref<1x512xi32, #tpu.memory_space<vmem>>
        %dma_start3A_534 = tpu.memref_squeeze %dma_start3A_533 : memref<1x512xi32, #tpu.memory_space<vmem>> -> memref<512xi32, #tpu.memory_space<vmem>>
        %dma_start3A_535 = tpu.memref_slice %arg2[%select_n3A_507, %mul3A_525] : memref<200x4096xi32, #tpu.memory_space<hbm>> -> memref<1x512xi32, #tpu.memory_space<hbm>>
        %dma_start3A_536 = tpu.memref_squeeze %dma_start3A_535 : memref<1x512xi32, #tpu.memory_space<hbm>> -> memref<512xi32, #tpu.memory_space<hbm>>
        tpu.enqueue_dma source(%dma_start3A_536 : memref<512xi32, #tpu.memory_space<hbm>>) target(%dma_start3A_534 : memref<512xi32, #tpu.memory_space<vmem>>) target_semaphore(%arg11 : memref<!tpu.dma_semaphore, #tpu.memory_space<semaphore_mem>>)
      } else {
      }
      %gt3A_412 = arith.constant 0 : i32
      %gt3A_413 = arith.cmpi sgt, %scan3A_169, %gt3A_412 : i32
      %convert_element_type3A_414 = arith.extui %gt3A_413 : i1 to i32
      %cond3A_415 = arith.constant 0 : i32
      %cond3A_416 = arith.cmpi ne, %convert_element_type3A_414, %cond3A_415 : i32
      scf.if %cond3A_416 {
        %sub3A_481 = arith.constant 2 : i32
        %sub3A_482 = arith.subi %add3A_352, %sub3A_481 : i32
        %add3A_483 = arith.addi %mul3A_2, %sub3A_482 : i32
        %jit3A_484 = arith.constant 8 : i32
        %div3A_485 = arith.divsi %add3A_483, %jit3A_484 : i32
        %sign3A_486 = arith.constant 0 : i32
        %sign3A_487 = arith.cmpi sgt, %add3A_483, %sign3A_486 : i32
        %sign3A_488 = arith.extui %sign3A_487 : i1 to i32
        %sign3A_489 = arith.constant 0 : i32
        %sign3A_490 = arith.cmpi slt, %add3A_483, %sign3A_489 : i32
        %sign3A_491 = arith.extui %sign3A_490 : i1 to i32
        %sign3A_492 = arith.subi %sign3A_488, %sign3A_491 : i32
        %sign3A_493 = arith.constant 0 : i32
        %sign3A_494 = arith.cmpi sgt, %jit3A_484, %sign3A_493 : i32
        %sign3A_495 = arith.extui %sign3A_494 : i1 to i32
        %sign3A_496 = arith.constant 0 : i32
        %sign3A_497 = arith.cmpi slt, %jit3A_484, %sign3A_496 : i32
        %sign3A_498 = arith.extui %sign3A_497 : i1 to i32
        %sign3A_499 = arith.subi %sign3A_495, %sign3A_498 : i32
        %ne3A_500 = arith.cmpi ne, %sign3A_492, %sign3A_499 : i32
        %rem3A_501 = arith.remsi %add3A_483, %jit3A_484 : i32
        %ne3A_502 = arith.constant 0 : i32
        %ne3A_503 = arith.cmpi ne, %rem3A_501, %ne3A_502 : i32
        %and3A_504 = arith.andi %ne3A_500, %ne3A_503 : i1
        %sub3A_505 = arith.constant 1 : i32
        %sub3A_506 = arith.subi %div3A_485, %sub3A_505 : i32
        %select_n3A_507 = arith.select %and3A_504, %sub3A_506, %div3A_485 : i32
        %jit3A_508 = arith.constant 8 : i32
        %eq3A_509 = arith.constant 0 : i32
        %eq3A_510 = arith.cmpi eq, %jit3A_508, %eq3A_509 : i32
        %jit3A_511 = arith.constant 1 : i32
        %select_n3A_512 = arith.select %eq3A_510, %jit3A_511, %jit3A_508 : i32
        %rem3A_513 = arith.remsi %add3A_483, %select_n3A_512 : i32
        %ne3A_514 = arith.constant 0 : i32
        %ne3A_515 = arith.cmpi ne, %rem3A_513, %ne3A_514 : i32
        %lt3A_516 = arith.constant 0 : i32
        %lt3A_517 = arith.cmpi slt, %rem3A_513, %lt3A_516 : i32
        %lt3A_518 = arith.constant 0 : i32
        %lt3A_519 = arith.cmpi slt, %select_n3A_512, %lt3A_518 : i32
        %ne3A_520 = arith.xori %lt3A_517, %lt3A_519 : i1
        %and3A_521 = arith.andi %ne3A_520, %ne3A_515 : i1
        %add3A_522 = arith.addi %rem3A_513, %select_n3A_512 : i32
        %select_n3A_523 = arith.select %and3A_521, %add3A_522, %rem3A_513 : i32
        %mul3A_524 = arith.constant 512 : i32
        %mul3A_525 = arith.muli %select_n3A_523, %mul3A_524 : i32
        %dma_wait3A_526 = arith.constant 1 : i32
        %dma_wait3A_527 = arith.constant 0 : i32
        %dma_wait3A_528 = arith.constant 0 : i32
        %dma_wait3A_529 = tpu.memref_slice %arg8[%dma_wait3A_526, %dma_wait3A_527, %dma_wait3A_528] : memref<2x64x512xf32, #tpu.memory_space<vmem>> -> memref<1x64x512xf32, #tpu.memory_space<vmem>>
        %dma_wait3A_530 = tpu.memref_squeeze %dma_wait3A_529 : memref<1x64x512xf32, #tpu.memory_space<vmem>> -> memref<64x512xf32, #tpu.memory_space<vmem>>
        %dma_wait3A_531 = arith.constant 0 : i32
        %dma_wait3A_532 = tpu.memref_slice %arg5[%select_n3A_507, %dma_wait3A_531, %mul3A_525] : memref<200x64x4096xf32, #tpu.memory_space<hbm>> -> memref<1x64x512xf32, #tpu.memory_space<hbm>>
        %dma_wait3A_533 = tpu.memref_squeeze %dma_wait3A_532 : memref<1x64x512xf32, #tpu.memory_space<hbm>> -> memref<64x512xf32, #tpu.memory_space<hbm>>
        %dma_wait3A_534 = arith.constant 0 : i32
        %dma_wait3A_535 = tpu.memref_slice %arg5[%select_n3A_507, %dma_wait3A_534, %mul3A_525] : memref<200x64x4096xf32, #tpu.memory_space<hbm>> -> memref<1x64x512xf32, #tpu.memory_space<hbm>>
        %dma_wait3A_536 = tpu.memref_squeeze %dma_wait3A_535 : memref<1x64x512xf32, #tpu.memory_space<hbm>> -> memref<64x512xf32, #tpu.memory_space<hbm>>
        %dma_wait3A_537 = arith.constant 0 : i32
        %dma_wait3A_538 = arith.constant 0 : i32
        %dma_wait3A_539 = tpu.memref_slice %arg8[%dma_wait3A_526, %dma_wait3A_537, %dma_wait3A_538] : memref<2x64x512xf32, #tpu.memory_space<vmem>> -> memref<1x64x512xf32, #tpu.memory_space<vmem>>
        %dma_wait3A_540 = tpu.memref_squeeze %dma_wait3A_539 : memref<1x64x512xf32, #tpu.memory_space<vmem>> -> memref<64x512xf32, #tpu.memory_space<vmem>>
        tpu.wait_dma2 semaphore(%arg12 : memref<!tpu.dma_semaphore, #tpu.memory_space<semaphore_mem>>) src(%dma_wait3A_540 : memref<64x512xf32, #tpu.memory_space<vmem>>) dst(%dma_wait3A_536 : memref<64x512xf32, #tpu.memory_space<hbm>>)
      } else {
      }
      %parallel_loop3A_417 = arith.constant 0 : i32
      %parallel_loop3A_418 = arith.constant 32 : i32
      %parallel_loop3A_419 = arith.constant 1 : i32
      scf.for %parallel_loop3A_481 = %parallel_loop3A_417 to %parallel_loop3A_418 step %parallel_loop3A_419  : i32 {
        %parallel_loop3A_482 = arith.constant 16 : i32
        %parallel_loop3A_483 = arith.muli %parallel_loop3A_481, %parallel_loop3A_482 : i32
        %parallel_loop3A_484 = arith.constant 1 : i32
        %parallel_loop3A_485 = arith.constant 0 : i32
        %parallel_loop3A_486 = tpu.memref_slice %arg6[%parallel_loop3A_484, %parallel_loop3A_485] : memref<2x512xi32, #tpu.memory_space<vmem>> -> memref<1x512xi32, #tpu.memory_space<vmem>>
        %parallel_loop3A_487 = tpu.memref_squeeze %parallel_loop3A_486 : memref<1x512xi32, #tpu.memory_space<vmem>> -> memref<512xi32, #tpu.memory_space<vmem>>
        %parallel_loop3A_488 = arith.index_cast %parallel_loop3A_483 : i32 to index
        %parallel_loop3A_489 = tpu.vector_load %parallel_loop3A_487[%parallel_loop3A_488] {strides = array<i32>} : memref<512xi32, #tpu.memory_space<vmem>>, vector<16xi32>,
        %parallel_loop3A_490 = vector.shape_cast %parallel_loop3A_489 : vector<16xi32> to vector<16xi32>
        %parallel_loop3A_491 = arith.sitofp %parallel_loop3A_490 : vector<16xi32> to vector<16xf32>
        %parallel_loop3A_492 = arith.index_cast %parallel_loop3A_483 : i32 to index
        %parallel_loop3A_493 = tpu.vector_load %arg7[%parallel_loop3A_492] {strides = array<i32>} : memref<512xf32, #tpu.memory_space<vmem>>, vector<16xf32>,
        %parallel_loop3A_494 = vector.shape_cast %parallel_loop3A_493 : vector<16xf32> to vector<16xf32>
        %parallel_loop3A_495 = vector.shape_cast %parallel_loop3A_491 : vector<16xf32> to vector<16xf32>
        tpu.vector_store %arg7[%parallel_loop3A_492], %parallel_loop3A_495 {strides = array<i32>} : memref<512xf32, #tpu.memory_space<vmem>>, vector<16xf32>,
      } {sc.loop_unroll_factor = 8 : i64, sc.parallel_access}
      %parallel_loop3A_420 = arith.constant 0 : i32
      %parallel_loop3A_421 = arith.constant 64 : i32
      %parallel_loop3A_422 = arith.constant 1 : i32
      scf.for %parallel_loop3A_481 = %parallel_loop3A_420 to %parallel_loop3A_421 step %parallel_loop3A_422  : i32 {
        %parallel_loop3A_482 = arith.constant 0 : i32
        %parallel_loop3A_483 = tpu.memref_slice %arg9[%parallel_loop3A_481, %parallel_loop3A_482] : memref<64x16xf32, #tpu.memory_space<vmem>> -> memref<1x16xf32, #tpu.memory_space<vmem>>
        %parallel_loop3A_484 = tpu.memref_squeeze %parallel_loop3A_483 : memref<1x16xf32, #tpu.memory_space<vmem>> -> memref<16xf32, #tpu.memory_space<vmem>>
        %parallel_loop3A_485 = arith.constant 0 : index
        %parallel_loop3A_486 = tpu.vector_load %parallel_loop3A_484[%parallel_loop3A_485] {strides = array<i32>} : memref<16xf32, #tpu.memory_space<vmem>>, vector<16xf32>,
        %parallel_loop3A_487 = vector.shape_cast %parallel_loop3A_486 : vector<16xf32> to vector<16xf32>
        %parallel_loop3A_488 = arith.constant 0 : i32
        %parallel_loop3A_489 = tpu.memref_slice %arg10[%parallel_loop3A_481, %parallel_loop3A_488] : memref<64x16xf32, #tpu.memory_space<vmem>> -> memref<1x16xf32, #tpu.memory_space<vmem>>
        %parallel_loop3A_490 = tpu.memref_squeeze %parallel_loop3A_489 : memref<1x16xf32, #tpu.memory_space<vmem>> -> memref<16xf32, #tpu.memory_space<vmem>>
        %parallel_loop3A_491 = arith.constant 0 : index
        %parallel_loop3A_492 = tpu.vector_load %parallel_loop3A_490[%parallel_loop3A_491] {strides = array<i32>} : memref<16xf32, #tpu.memory_space<vmem>>, vector<16xf32>,
        %parallel_loop3A_493 = vector.shape_cast %parallel_loop3A_492 : vector<16xf32> to vector<16xf32>
        %parallel_loop3A_494 = arith.constant 0 : index
        %parallel_loop3A_495 = tpu.vector_load %arg7[%parallel_loop3A_494] {strides = array<i32>} : memref<512xf32, #tpu.memory_space<vmem>>, vector<16xf32>,
        %parallel_loop3A_496 = vector.shape_cast %parallel_loop3A_495 : vector<16xf32> to vector<16xf32>
        %parallel_loop3A_497 = arith.mulf %parallel_loop3A_493, %parallel_loop3A_496 : vector<16xf32>
        %parallel_loop3A_498 = arith.addf %parallel_loop3A_487, %parallel_loop3A_497 : vector<16xf32>
        %parallel_loop3A_499 = arith.constant 1 : i32
        %parallel_loop3A_500 = arith.constant 0 : i32
        %parallel_loop3A_501 = arith.constant 0 : i32
        %parallel_loop3A_502 = tpu.memref_slice %arg8[%parallel_loop3A_499, %parallel_loop3A_500, %parallel_loop3A_501] : memref<2x64x512xf32, #tpu.memory_space<vmem>> -> memref<1x64x512xf32, #tpu.memory_space<vmem>>
        %parallel_loop3A_503 = tpu.memref_squeeze %parallel_loop3A_502 : memref<1x64x512xf32, #tpu.memory_space<vmem>> -> memref<64x512xf32, #tpu.memory_space<vmem>>
        %parallel_loop3A_504 = arith.constant 0 : i32
        %parallel_loop3A_505 = tpu.memref_slice %parallel_loop3A_503[%parallel_loop3A_481, %parallel_loop3A_504] : memref<64x512xf32, #tpu.memory_space<vmem>> -> memref<1x512xf32, #tpu.memory_space<vmem>>
        %parallel_loop3A_506 = tpu.memref_squeeze %parallel_loop3A_505 : memref<1x512xf32, #tpu.memory_space<vmem>> -> memref<512xf32, #tpu.memory_space<vmem>>
        %parallel_loop3A_507 = arith.constant 0 : index
        %parallel_loop3A_508 = tpu.vector_load %parallel_loop3A_506[%parallel_loop3A_507] {strides = array<i32>} : memref<512xf32, #tpu.memory_space<vmem>>, vector<16xf32>,
        %parallel_loop3A_509 = vector.shape_cast %parallel_loop3A_508 : vector<16xf32> to vector<16xf32>
        %parallel_loop3A_510 = vector.shape_cast %parallel_loop3A_498 : vector<16xf32> to vector<16xf32>
        tpu.vector_store %parallel_loop3A_506[%parallel_loop3A_507], %parallel_loop3A_510 {strides = array<i32>} : memref<512xf32, #tpu.memory_space<vmem>>, vector<16xf32>,
        %parallel_loop3A_511 = arith.constant 16 : index
        %parallel_loop3A_512 = tpu.vector_load %arg7[%parallel_loop3A_511] {strides = array<i32>} : memref<512xf32, #tpu.memory_space<vmem>>, vector<16xf32>,
        %parallel_loop3A_513 = vector.shape_cast %parallel_loop3A_512 : vector<16xf32> to vector<16xf32>
        %parallel_loop3A_514 = arith.mulf %parallel_loop3A_493, %parallel_loop3A_513 : vector<16xf32>
        %parallel_loop3A_515 = arith.addf %parallel_loop3A_487, %parallel_loop3A_514 : vector<16xf32>
        %parallel_loop3A_516 = arith.constant 1 : i32
        %parallel_loop3A_517 = arith.constant 0 : i32
        %parallel_loop3A_518 = arith.constant 0 : i32
        %parallel_loop3A_519 = tpu.memref_slice %arg8[%parallel_loop3A_516, %parallel_loop3A_517, %parallel_loop3A_518] : memref<2x64x512xf32, #tpu.memory_space<vmem>> -> memref<1x64x512xf32, #tpu.memory_space<vmem>>
        %parallel_loop3A_520 = tpu.memref_squeeze %parallel_loop3A_519 : memref<1x64x512xf32, #tpu.memory_space<vmem>> -> memref<64x512xf32, #tpu.memory_space<vmem>>
        %parallel_loop3A_521 = arith.constant 0 : i32
        %parallel_loop3A_522 = tpu.memref_slice %parallel_loop3A_520[%parallel_loop3A_481, %parallel_loop3A_521] : memref<64x512xf32, #tpu.memory_space<vmem>> -> memref<1x512xf32, #tpu.memory_space<vmem>>
        %parallel_loop3A_523 = tpu.memref_squeeze %parallel_loop3A_522 : memref<1x512xf32, #tpu.memory_space<vmem>> -> memref<512xf32, #tpu.memory_space<vmem>>
        %parallel_loop3A_524 = arith.constant 16 : index
        %parallel_loop3A_525 = tpu.vector_load %parallel_loop3A_523[%parallel_loop3A_524] {strides = array<i32>} : memref<512xf32, #tpu.memory_space<vmem>>, vector<16xf32>,
        %parallel_loop3A_526 = vector.shape_cast %parallel_loop3A_525 : vector<16xf32> to vector<16xf32>
        %parallel_loop3A_527 = vector.shape_cast %parallel_loop3A_515 : vector<16xf32> to vector<16xf32>
        tpu.vector_store %parallel_loop3A_523[%parallel_loop3A_524], %parallel_loop3A_527 {strides = array<i32>} : memref<512xf32, #tpu.memory_space<vmem>>, vector<16xf32>,
        %parallel_loop3A_528 = arith.constant 32 : index
        %parallel_loop3A_529 = tpu.vector_load %arg7[%parallel_loop3A_528] {strides = array<i32>} : memref<512xf32, #tpu.memory_space<vmem>>, vector<16xf32>,
        %parallel_loop3A_530 = vector.shape_cast %parallel_loop3A_529 : vector<16xf32> to vector<16xf32>
        %parallel_loop3A_531 = arith.mulf %parallel_loop3A_493, %parallel_loop3A_530 : vector<16xf32>
        %parallel_loop3A_532 = arith.addf %parallel_loop3A_487, %parallel_loop3A_531 : vector<16xf32>
        %parallel_loop3A_533 = arith.constant 1 : i32
        %parallel_loop3A_534 = arith.constant 0 : i32
        %parallel_loop3A_535 = arith.constant 0 : i32
        %parallel_loop3A_536 = tpu.memref_slice %arg8[%parallel_loop3A_533, %parallel_loop3A_534, %parallel_loop3A_535] : memref<2x64x512xf32, #tpu.memory_space<vmem>> -> memref<1x64x512xf32, #tpu.memory_space<vmem>>
        %parallel_loop3A_537 = tpu.memref_squeeze %parallel_loop3A_536 : memref<1x64x512xf32, #tpu.memory_space<vmem>> -> memref<64x512xf32, #tpu.memory_space<vmem>>
        %parallel_loop3A_538 = arith.constant 0 : i32
        %parallel_loop3A_539 = tpu.memref_slice %parallel_loop3A_537[%parallel_loop3A_481, %parallel_loop3A_538] : memref<64x512xf32, #tpu.memory_space<vmem>> -> memref<1x512xf32, #tpu.memory_space<vmem>>
        %parallel_loop3A_540 = tpu.memref_squeeze %parallel_loop3A_539 : memref<1x512xf32, #tpu.memory_space<vmem>> -> memref<512xf32, #tpu.memory_space<vmem>>
        %parallel_loop3A_541 = arith.constant 32 : index
        %parallel_loop3A_542 = tpu.vector_load %parallel_loop3A_540[%parallel_loop3A_541] {strides = array<i32>} : memref<512xf32, #tpu.memory_space<vmem>>, vector<16xf32>,
        %parallel_loop3A_543 = vector.shape_cast %parallel_loop3A_542 : vector<16xf32> to vector<16xf32>
        %parallel_loop3A_544 = vector.shape_cast %parallel_loop3A_532 : vector<16xf32> to vector<16xf32>
        tpu.vector_store %parallel_loop3A_540[%parallel_loop3A_541], %parallel_loop3A_544 {strides = array<i32>} : memref<512xf32, #tpu.memory_space<vmem>>, vector<16xf32>,
        %parallel_loop3A_545 = arith.constant 48 : index
        %parallel_loop3A_546 = tpu.vector_load %arg7[%parallel_loop3A_545] {strides = array<i32>} : memref<512xf32, #tpu.memory_space<vmem>>, vector<16xf32>,
        %parallel_loop3A_547 = vector.shape_cast %parallel_loop3A_546 : vector<16xf32> to vector<16xf32>
        %parallel_loop3A_548 = arith.mulf %parallel_loop3A_493, %parallel_loop3A_547 : vector<16xf32>
        %parallel_loop3A_549 = arith.addf %parallel_loop3A_487, %parallel_loop3A_548 : vector<16xf32>
        %parallel_loop3A_550 = arith.constant 1 : i32
        %parallel_loop3A_551 = arith.constant 0 : i32
        %parallel_loop3A_552 = arith.constant 0 : i32
        %parallel_loop3A_553 = tpu.memref_slice %arg8[%parallel_loop3A_550, %parallel_loop3A_551, %parallel_loop3A_552] : memref<2x64x512xf32, #tpu.memory_space<vmem>> -> memref<1x64x512xf32, #tpu.memory_space<vmem>>
        %parallel_loop3A_554 = tpu.memref_squeeze %parallel_loop3A_553 : memref<1x64x512xf32, #tpu.memory_space<vmem>> -> memref<64x512xf32, #tpu.memory_space<vmem>>
        %parallel_loop3A_555 = arith.constant 0 : i32
        %parallel_loop3A_556 = tpu.memref_slice %parallel_loop3A_554[%parallel_loop3A_481, %parallel_loop3A_555] : memref<64x512xf32, #tpu.memory_space<vmem>> -> memref<1x512xf32, #tpu.memory_space<vmem>>
        %parallel_loop3A_557 = tpu.memref_squeeze %parallel_loop3A_556 : memref<1x512xf32, #tpu.memory_space<vmem>> -> memref<512xf32, #tpu.memory_space<vmem>>
        %parallel_loop3A_558 = arith.constant 48 : index
        %parallel_loop3A_559 = tpu.vector_load %parallel_loop3A_557[%parallel_loop3A_558] {strides = array<i32>} : memref<512xf32, #tpu.memory_space<vmem>>, vector<16xf32>,
        %parallel_loop3A_560 = vector.shape_cast %parallel_loop3A_559 : vector<16xf32> to vector<16xf32>
        %parallel_loop3A_561 = vector.shape_cast %parallel_loop3A_549 : vector<16xf32> to vector<16xf32>
        tpu.vector_store %parallel_loop3A_557[%parallel_loop3A_558], %parallel_loop3A_561 {strides = array<i32>} : memref<512xf32, #tpu.memory_space<vmem>>, vector<16xf32>,
        %parallel_loop3A_562 = arith.constant 64 : index
        %parallel_loop3A_563 = tpu.vector_load %arg7[%parallel_loop3A_562] {strides = array<i32>} : memref<512xf32, #tpu.memory_space<vmem>>, vector<16xf32>,
        %parallel_loop3A_564 = vector.shape_cast %parallel_loop3A_563 : vector<16xf32> to vector<16xf32>
        %parallel_loop3A_565 = arith.mulf %parallel_loop3A_493, %parallel_loop3A_564 : vector<16xf32>
        %parallel_loop3A_566 = arith.addf %parallel_loop3A_487, %parallel_loop3A_565 : vector<16xf32>
        %parallel_loop3A_567 = arith.constant 1 : i32
        %parallel_loop3A_568 = arith.constant 0 : i32
        %parallel_loop3A_569 = arith.constant 0 : i32
        %parallel_loop3A_570 = tpu.memref_slice %arg8[%parallel_loop3A_567, %parallel_loop3A_568, %parallel_loop3A_569] : memref<2x64x512xf32, #tpu.memory_space<vmem>> -> memref<1x64x512xf32, #tpu.memory_space<vmem>>
        %parallel_loop3A_571 = tpu.memref_squeeze %parallel_loop3A_570 : memref<1x64x512xf32, #tpu.memory_space<vmem>> -> memref<64x512xf32, #tpu.memory_space<vmem>>
        %parallel_loop3A_572 = arith.constant 0 : i32
        %parallel_loop3A_573 = tpu.memref_slice %parallel_loop3A_571[%parallel_loop3A_481, %parallel_loop3A_572] : memref<64x512xf32, #tpu.memory_space<vmem>> -> memref<1x512xf32, #tpu.memory_space<vmem>>
        %parallel_loop3A_574 = tpu.memref_squeeze %parallel_loop3A_573 : memref<1x512xf32, #tpu.memory_space<vmem>> -> memref<512xf32, #tpu.memory_space<vmem>>
        %parallel_loop3A_575 = arith.constant 64 : index
        %parallel_loop3A_576 = tpu.vector_load %parallel_loop3A_574[%parallel_loop3A_575] {strides = array<i32>} : memref<512xf32, #tpu.memory_space<vmem>>, vector<16xf32>,
        %parallel_loop3A_577 = vector.shape_cast %parallel_loop3A_576 : vector<16xf32> to vector<16xf32>
        %parallel_loop3A_578 = vector.shape_cast %parallel_loop3A_566 : vector<16xf32> to vector<16xf32>
        tpu.vector_store %parallel_loop3A_574[%parallel_loop3A_575], %parallel_loop3A_578 {strides = array<i32>} : memref<512xf32, #tpu.memory_space<vmem>>, vector<16xf32>,
        %parallel_loop3A_579 = arith.constant 80 : index
        %parallel_loop3A_580 = tpu.vector_load %arg7[%parallel_loop3A_579] {strides = array<i32>} : memref<512xf32, #tpu.memory_space<vmem>>, vector<16xf32>,
        %parallel_loop3A_581 = vector.shape_cast %parallel_loop3A_580 : vector<16xf32> to vector<16xf32>
        %parallel_loop3A_582 = arith.mulf %parallel_loop3A_493, %parallel_loop3A_581 : vector<16xf32>
        %parallel_loop3A_583 = arith.addf %parallel_loop3A_487, %parallel_loop3A_582 : vector<16xf32>
        %parallel_loop3A_584 = arith.constant 1 : i32
        %parallel_loop3A_585 = arith.constant 0 : i32
        %parallel_loop3A_586 = arith.constant 0 : i32
        %parallel_loop3A_587 = tpu.memref_slice %arg8[%parallel_loop3A_584, %parallel_loop3A_585, %parallel_loop3A_586] : memref<2x64x512xf32, #tpu.memory_space<vmem>> -> memref<1x64x512xf32, #tpu.memory_space<vmem>>
        %parallel_loop3A_588 = tpu.memref_squeeze %parallel_loop3A_587 : memref<1x64x512xf32, #tpu.memory_space<vmem>> -> memref<64x512xf32, #tpu.memory_space<vmem>>
        %parallel_loop3A_589 = arith.constant 0 : i32
        %parallel_loop3A_590 = tpu.memref_slice %parallel_loop3A_588[%parallel_loop3A_481, %parallel_loop3A_589] : memref<64x512xf32, #tpu.memory_space<vmem>> -> memref<1x512xf32, #tpu.memory_space<vmem>>
        %parallel_loop3A_591 = tpu.memref_squeeze %parallel_loop3A_590 : memref<1x512xf32, #tpu.memory_space<vmem>> -> memref<512xf32, #tpu.memory_space<vmem>>
        %parallel_loop3A_592 = arith.constant 80 : index
        %parallel_loop3A_593 = tpu.vector_load %parallel_loop3A_591[%parallel_loop3A_592] {strides = array<i32>} : memref<512xf32, #tpu.memory_space<vmem>>, vector<16xf32>,
        %parallel_loop3A_594 = vector.shape_cast %parallel_loop3A_593 : vector<16xf32> to vector<16xf32>
        %parallel_loop3A_595 = vector.shape_cast %parallel_loop3A_583 : vector<16xf32> to vector<16xf32>
        tpu.vector_store %parallel_loop3A_591[%parallel_loop3A_592], %parallel_loop3A_595 {strides = array<i32>} : memref<512xf32, #tpu.memory_space<vmem>>, vector<16xf32>,
        %parallel_loop3A_596 = arith.constant 96 : index
        %parallel_loop3A_597 = tpu.vector_load %arg7[%parallel_loop3A_596] {strides = array<i32>} : memref<512xf32, #tpu.memory_space<vmem>>, vector<16xf32>,
        %parallel_loop3A_598 = vector.shape_cast %parallel_loop3A_597 : vector<16xf32> to vector<16xf32>
        %parallel_loop3A_599 = arith.mulf %parallel_loop3A_493, %parallel_loop3A_598 : vector<16xf32>
        %parallel_loop3A_600 = arith.addf %parallel_loop3A_487, %parallel_loop3A_599 : vector<16xf32>
        %parallel_loop3A_601 = arith.constant 1 : i32
        %parallel_loop3A_602 = arith.constant 0 : i32
        %parallel_loop3A_603 = arith.constant 0 : i32
        %parallel_loop3A_604 = tpu.memref_slice %arg8[%parallel_loop3A_601, %parallel_loop3A_602, %parallel_loop3A_603] : memref<2x64x512xf32, #tpu.memory_space<vmem>> -> memref<1x64x512xf32, #tpu.memory_space<vmem>>
        %parallel_loop3A_605 = tpu.memref_squeeze %parallel_loop3A_604 : memref<1x64x512xf32, #tpu.memory_space<vmem>> -> memref<64x512xf32, #tpu.memory_space<vmem>>
        %parallel_loop3A_606 = arith.constant 0 : i32
        %parallel_loop3A_607 = tpu.memref_slice %parallel_loop3A_605[%parallel_loop3A_481, %parallel_loop3A_606] : memref<64x512xf32, #tpu.memory_space<vmem>> -> memref<1x512xf32, #tpu.memory_space<vmem>>
        %parallel_loop3A_608 = tpu.memref_squeeze %parallel_loop3A_607 : memref<1x512xf32, #tpu.memory_space<vmem>> -> memref<512xf32, #tpu.memory_space<vmem>>
        %parallel_loop3A_609 = arith.constant 96 : index
        %parallel_loop3A_610 = tpu.vector_load %parallel_loop3A_608[%parallel_loop3A_609] {strides = array<i32>} : memref<512xf32, #tpu.memory_space<vmem>>, vector<16xf32>,
        %parallel_loop3A_611 = vector.shape_cast %parallel_loop3A_610 : vector<16xf32> to vector<16xf32>
        %parallel_loop3A_612 = vector.shape_cast %parallel_loop3A_600 : vector<16xf32> to vector<16xf32>
        tpu.vector_store %parallel_loop3A_608[%parallel_loop3A_609], %parallel_loop3A_612 {strides = array<i32>} : memref<512xf32, #tpu.memory_space<vmem>>, vector<16xf32>,
        %parallel_loop3A_613 = arith.constant 112 : index
        %parallel_loop3A_614 = tpu.vector_load %arg7[%parallel_loop3A_613] {strides = array<i32>} : memref<512xf32, #tpu.memory_space<vmem>>, vector<16xf32>,
        %parallel_loop3A_615 = vector.shape_cast %parallel_loop3A_614 : vector<16xf32> to vector<16xf32>
        %parallel_loop3A_616 = arith.mulf %parallel_loop3A_493, %parallel_loop3A_615 : vector<16xf32>
        %parallel_loop3A_617 = arith.addf %parallel_loop3A_487, %parallel_loop3A_616 : vector<16xf32>
        %parallel_loop3A_618 = arith.constant 1 : i32
        %parallel_loop3A_619 = arith.constant 0 : i32
        %parallel_loop3A_620 = arith.constant 0 : i32
        %parallel_loop3A_621 = tpu.memref_slice %arg8[%parallel_loop3A_618, %parallel_loop3A_619, %parallel_loop3A_620] : memref<2x64x512xf32, #tpu.memory_space<vmem>> -> memref<1x64x512xf32, #tpu.memory_space<vmem>>
        %parallel_loop3A_622 = tpu.memref_squeeze %parallel_loop3A_621 : memref<1x64x512xf32, #tpu.memory_space<vmem>> -> memref<64x512xf32, #tpu.memory_space<vmem>>
        %parallel_loop3A_623 = arith.constant 0 : i32
        %parallel_loop3A_624 = tpu.memref_slice %parallel_loop3A_622[%parallel_loop3A_481, %parallel_loop3A_623] : memref<64x512xf32, #tpu.memory_space<vmem>> -> memref<1x512xf32, #tpu.memory_space<vmem>>
        %parallel_loop3A_625 = tpu.memref_squeeze %parallel_loop3A_624 : memref<1x512xf32, #tpu.memory_space<vmem>> -> memref<512xf32, #tpu.memory_space<vmem>>
        %parallel_loop3A_626 = arith.constant 112 : index
        %parallel_loop3A_627 = tpu.vector_load %parallel_loop3A_625[%parallel_loop3A_626] {strides = array<i32>} : memref<512xf32, #tpu.memory_space<vmem>>, vector<16xf32>,
        %parallel_loop3A_628 = vector.shape_cast %parallel_loop3A_627 : vector<16xf32> to vector<16xf32>
        %parallel_loop3A_629 = vector.shape_cast %parallel_loop3A_617 : vector<16xf32> to vector<16xf32>
        tpu.vector_store %parallel_loop3A_625[%parallel_loop3A_626], %parallel_loop3A_629 {strides = array<i32>} : memref<512xf32, #tpu.memory_space<vmem>>, vector<16xf32>,
        %parallel_loop3A_630 = arith.constant 128 : index
        %parallel_loop3A_631 = tpu.vector_load %arg7[%parallel_loop3A_630] {strides = array<i32>} : memref<512xf32, #tpu.memory_space<vmem>>, vector<16xf32>,
        %parallel_loop3A_632 = vector.shape_cast %parallel_loop3A_631 : vector<16xf32> to vector<16xf32>
        %parallel_loop3A_633 = arith.mulf %parallel_loop3A_493, %parallel_loop3A_632 : vector<16xf32>
        %parallel_loop3A_634 = arith.addf %parallel_loop3A_487, %parallel_loop3A_633 : vector<16xf32>
        %parallel_loop3A_635 = arith.constant 1 : i32
        %parallel_loop3A_636 = arith.constant 0 : i32
        %parallel_loop3A_637 = arith.constant 0 : i32
        %parallel_loop3A_638 = tpu.memref_slice %arg8[%parallel_loop3A_635, %parallel_loop3A_636, %parallel_loop3A_637] : memref<2x64x512xf32, #tpu.memory_space<vmem>> -> memref<1x64x512xf32, #tpu.memory_space<vmem>>
        %parallel_loop3A_639 = tpu.memref_squeeze %parallel_loop3A_638 : memref<1x64x512xf32, #tpu.memory_space<vmem>> -> memref<64x512xf32, #tpu.memory_space<vmem>>
        %parallel_loop3A_640 = arith.constant 0 : i32
        %parallel_loop3A_641 = tpu.memref_slice %parallel_loop3A_639[%parallel_loop3A_481, %parallel_loop3A_640] : memref<64x512xf32, #tpu.memory_space<vmem>> -> memref<1x512xf32, #tpu.memory_space<vmem>>
        %parallel_loop3A_642 = tpu.memref_squeeze %parallel_loop3A_641 : memref<1x512xf32, #tpu.memory_space<vmem>> -> memref<512xf32, #tpu.memory_space<vmem>>
        %parallel_loop3A_643 = arith.constant 128 : index
        %parallel_loop3A_644 = tpu.vector_load %parallel_loop3A_642[%parallel_loop3A_643] {strides = array<i32>} : memref<512xf32, #tpu.memory_space<vmem>>, vector<16xf32>,
        %parallel_loop3A_645 = vector.shape_cast %parallel_loop3A_644 : vector<16xf32> to vector<16xf32>
        %parallel_loop3A_646 = vector.shape_cast %parallel_loop3A_634 : vector<16xf32> to vector<16xf32>
        tpu.vector_store %parallel_loop3A_642[%parallel_loop3A_643], %parallel_loop3A_646 {strides = array<i32>} : memref<512xf32, #tpu.memory_space<vmem>>, vector<16xf32>,
        %parallel_loop3A_647 = arith.constant 144 : index
        %parallel_loop3A_648 = tpu.vector_load %arg7[%parallel_loop3A_647] {strides = array<i32>} : memref<512xf32, #tpu.memory_space<vmem>>, vector<16xf32>,
        %parallel_loop3A_649 = vector.shape_cast %parallel_loop3A_648 : vector<16xf32> to vector<16xf32>
        %parallel_loop3A_650 = arith.mulf %parallel_loop3A_493, %parallel_loop3A_649 : vector<16xf32>
        %parallel_loop3A_651 = arith.addf %parallel_loop3A_487, %parallel_loop3A_650 : vector<16xf32>
        %parallel_loop3A_652 = arith.constant 1 : i32
        %parallel_loop3A_653 = arith.constant 0 : i32
        %parallel_loop3A_654 = arith.constant 0 : i32
        %parallel_loop3A_655 = tpu.memref_slice %arg8[%parallel_loop3A_652, %parallel_loop3A_653, %parallel_loop3A_654] : memref<2x64x512xf32, #tpu.memory_space<vmem>> -> memref<1x64x512xf32, #tpu.memory_space<vmem>>
        %parallel_loop3A_656 = tpu.memref_squeeze %parallel_loop3A_655 : memref<1x64x512xf32, #tpu.memory_space<vmem>> -> memref<64x512xf32, #tpu.memory_space<vmem>>
        %parallel_loop3A_657 = arith.constant 0 : i32
        %parallel_loop3A_658 = tpu.memref_slice %parallel_loop3A_656[%parallel_loop3A_481, %parallel_loop3A_657] : memref<64x512xf32, #tpu.memory_space<vmem>> -> memref<1x512xf32, #tpu.memory_space<vmem>>
        %parallel_loop3A_659 = tpu.memref_squeeze %parallel_loop3A_658 : memref<1x512xf32, #tpu.memory_space<vmem>> -> memref<512xf32, #tpu.memory_space<vmem>>
        %parallel_loop3A_660 = arith.constant 144 : index
        %parallel_loop3A_661 = tpu.vector_load %parallel_loop3A_659[%parallel_loop3A_660] {strides = array<i32>} : memref<512xf32, #tpu.memory_space<vmem>>, vector<16xf32>,
        %parallel_loop3A_662 = vector.shape_cast %parallel_loop3A_661 : vector<16xf32> to vector<16xf32>
        %parallel_loop3A_663 = vector.shape_cast %parallel_loop3A_651 : vector<16xf32> to vector<16xf32>
        tpu.vector_store %parallel_loop3A_659[%parallel_loop3A_660], %parallel_loop3A_663 {strides = array<i32>} : memref<512xf32, #tpu.memory_space<vmem>>, vector<16xf32>,
        %parallel_loop3A_664 = arith.constant 160 : index
        %parallel_loop3A_665 = tpu.vector_load %arg7[%parallel_loop3A_664] {strides = array<i32>} : memref<512xf32, #tpu.memory_space<vmem>>, vector<16xf32>,
        %parallel_loop3A_666 = vector.shape_cast %parallel_loop3A_665 : vector<16xf32> to vector<16xf32>
        %parallel_loop3A_667 = arith.mulf %parallel_loop3A_493, %parallel_loop3A_666 : vector<16xf32>
        %parallel_loop3A_668 = arith.addf %parallel_loop3A_487, %parallel_loop3A_667 : vector<16xf32>
        %parallel_loop3A_669 = arith.constant 1 : i32
        %parallel_loop3A_670 = arith.constant 0 : i32
        %parallel_loop3A_671 = arith.constant 0 : i32
        %parallel_loop3A_672 = tpu.memref_slice %arg8[%parallel_loop3A_669, %parallel_loop3A_670, %parallel_loop3A_671] : memref<2x64x512xf32, #tpu.memory_space<vmem>> -> memref<1x64x512xf32, #tpu.memory_space<vmem>>
        %parallel_loop3A_673 = tpu.memref_squeeze %parallel_loop3A_672 : memref<1x64x512xf32, #tpu.memory_space<vmem>> -> memref<64x512xf32, #tpu.memory_space<vmem>>
        %parallel_loop3A_674 = arith.constant 0 : i32
        %parallel_loop3A_675 = tpu.memref_slice %parallel_loop3A_673[%parallel_loop3A_481, %parallel_loop3A_674] : memref<64x512xf32, #tpu.memory_space<vmem>> -> memref<1x512xf32, #tpu.memory_space<vmem>>
        %parallel_loop3A_676 = tpu.memref_squeeze %parallel_loop3A_675 : memref<1x512xf32, #tpu.memory_space<vmem>> -> memref<512xf32, #tpu.memory_space<vmem>>
        %parallel_loop3A_677 = arith.constant 160 : index
        %parallel_loop3A_678 = tpu.vector_load %parallel_loop3A_676[%parallel_loop3A_677] {strides = array<i32>} : memref<512xf32, #tpu.memory_space<vmem>>, vector<16xf32>,
        %parallel_loop3A_679 = vector.shape_cast %parallel_loop3A_678 : vector<16xf32> to vector<16xf32>
        %parallel_loop3A_680 = vector.shape_cast %parallel_loop3A_668 : vector<16xf32> to vector<16xf32>
        tpu.vector_store %parallel_loop3A_676[%parallel_loop3A_677], %parallel_loop3A_680 {strides = array<i32>} : memref<512xf32, #tpu.memory_space<vmem>>, vector<16xf32>,
        %parallel_loop3A_681 = arith.constant 176 : index
        %parallel_loop3A_682 = tpu.vector_load %arg7[%parallel_loop3A_681] {strides = array<i32>} : memref<512xf32, #tpu.memory_space<vmem>>, vector<16xf32>,
        %parallel_loop3A_683 = vector.shape_cast %parallel_loop3A_682 : vector<16xf32> to vector<16xf32>
        %parallel_loop3A_684 = arith.mulf %parallel_loop3A_493, %parallel_loop3A_683 : vector<16xf32>
        %parallel_loop3A_685 = arith.addf %parallel_loop3A_487, %parallel_loop3A_684 : vector<16xf32>
        %parallel_loop3A_686 = arith.constant 1 : i32
        %parallel_loop3A_687 = arith.constant 0 : i32
        %parallel_loop3A_688 = arith.constant 0 : i32
        %parallel_loop3A_689 = tpu.memref_slice %arg8[%parallel_loop3A_686, %parallel_loop3A_687, %parallel_loop3A_688] : memref<2x64x512xf32, #tpu.memory_space<vmem>> -> memref<1x64x512xf32, #tpu.memory_space<vmem>>
        %parallel_loop3A_690 = tpu.memref_squeeze %parallel_loop3A_689 : memref<1x64x512xf32, #tpu.memory_space<vmem>> -> memref<64x512xf32, #tpu.memory_space<vmem>>
        %parallel_loop3A_691 = arith.constant 0 : i32
        %parallel_loop3A_692 = tpu.memref_slice %parallel_loop3A_690[%parallel_loop3A_481, %parallel_loop3A_691] : memref<64x512xf32, #tpu.memory_space<vmem>> -> memref<1x512xf32, #tpu.memory_space<vmem>>
        %parallel_loop3A_693 = tpu.memref_squeeze %parallel_loop3A_692 : memref<1x512xf32, #tpu.memory_space<vmem>> -> memref<512xf32, #tpu.memory_space<vmem>>
        %parallel_loop3A_694 = arith.constant 176 : index
        %parallel_loop3A_695 = tpu.vector_load %parallel_loop3A_693[%parallel_loop3A_694] {strides = array<i32>} : memref<512xf32, #tpu.memory_space<vmem>>, vector<16xf32>,
        %parallel_loop3A_696 = vector.shape_cast %parallel_loop3A_695 : vector<16xf32> to vector<16xf32>
        %parallel_loop3A_697 = vector.shape_cast %parallel_loop3A_685 : vector<16xf32> to vector<16xf32>
        tpu.vector_store %parallel_loop3A_693[%parallel_loop3A_694], %parallel_loop3A_697 {strides = array<i32>} : memref<512xf32, #tpu.memory_space<vmem>>, vector<16xf32>,
        %parallel_loop3A_698 = arith.constant 192 : index
        %parallel_loop3A_699 = tpu.vector_load %arg7[%parallel_loop3A_698] {strides = array<i32>} : memref<512xf32, #tpu.memory_space<vmem>>, vector<16xf32>,
        %parallel_loop3A_700 = vector.shape_cast %parallel_loop3A_699 : vector<16xf32> to vector<16xf32>
        %parallel_loop3A_701 = arith.mulf %parallel_loop3A_493, %parallel_loop3A_700 : vector<16xf32>
        %parallel_loop3A_702 = arith.addf %parallel_loop3A_487, %parallel_loop3A_701 : vector<16xf32>
        %parallel_loop3A_703 = arith.constant 1 : i32
        %parallel_loop3A_704 = arith.constant 0 : i32
        %parallel_loop3A_705 = arith.constant 0 : i32
        %parallel_loop3A_706 = tpu.memref_slice %arg8[%parallel_loop3A_703, %parallel_loop3A_704, %parallel_loop3A_705] : memref<2x64x512xf32, #tpu.memory_space<vmem>> -> memref<1x64x512xf32, #tpu.memory_space<vmem>>
        %parallel_loop3A_707 = tpu.memref_squeeze %parallel_loop3A_706 : memref<1x64x512xf32, #tpu.memory_space<vmem>> -> memref<64x512xf32, #tpu.memory_space<vmem>>
        %parallel_loop3A_708 = arith.constant 0 : i32
        %parallel_loop3A_709 = tpu.memref_slice %parallel_loop3A_707[%parallel_loop3A_481, %parallel_loop3A_708] : memref<64x512xf32, #tpu.memory_space<vmem>> -> memref<1x512xf32, #tpu.memory_space<vmem>>
        %parallel_loop3A_710 = tpu.memref_squeeze %parallel_loop3A_709 : memref<1x512xf32, #tpu.memory_space<vmem>> -> memref<512xf32, #tpu.memory_space<vmem>>
        %parallel_loop3A_711 = arith.constant 192 : index
        %parallel_loop3A_712 = tpu.vector_load %parallel_loop3A_710[%parallel_loop3A_711] {strides = array<i32>} : memref<512xf32, #tpu.memory_space<vmem>>, vector<16xf32>,
        %parallel_loop3A_713 = vector.shape_cast %parallel_loop3A_712 : vector<16xf32> to vector<16xf32>
        %parallel_loop3A_714 = vector.shape_cast %parallel_loop3A_702 : vector<16xf32> to vector<16xf32>
        tpu.vector_store %parallel_loop3A_710[%parallel_loop3A_711], %parallel_loop3A_714 {strides = array<i32>} : memref<512xf32, #tpu.memory_space<vmem>>, vector<16xf32>,
        %parallel_loop3A_715 = arith.constant 208 : index
        %parallel_loop3A_716 = tpu.vector_load %arg7[%parallel_loop3A_715] {strides = array<i32>} : memref<512xf32, #tpu.memory_space<vmem>>, vector<16xf32>,
        %parallel_loop3A_717 = vector.shape_cast %parallel_loop3A_716 : vector<16xf32> to vector<16xf32>
        %parallel_loop3A_718 = arith.mulf %parallel_loop3A_493, %parallel_loop3A_717 : vector<16xf32>
        %parallel_loop3A_719 = arith.addf %parallel_loop3A_487, %parallel_loop3A_718 : vector<16xf32>
        %parallel_loop3A_720 = arith.constant 1 : i32
        %parallel_loop3A_721 = arith.constant 0 : i32
        %parallel_loop3A_722 = arith.constant 0 : i32
        %parallel_loop3A_723 = tpu.memref_slice %arg8[%parallel_loop3A_720, %parallel_loop3A_721, %parallel_loop3A_722] : memref<2x64x512xf32, #tpu.memory_space<vmem>> -> memref<1x64x512xf32, #tpu.memory_space<vmem>>
        %parallel_loop3A_724 = tpu.memref_squeeze %parallel_loop3A_723 : memref<1x64x512xf32, #tpu.memory_space<vmem>> -> memref<64x512xf32, #tpu.memory_space<vmem>>
        %parallel_loop3A_725 = arith.constant 0 : i32
        %parallel_loop3A_726 = tpu.memref_slice %parallel_loop3A_724[%parallel_loop3A_481, %parallel_loop3A_725] : memref<64x512xf32, #tpu.memory_space<vmem>> -> memref<1x512xf32, #tpu.memory_space<vmem>>
        %parallel_loop3A_727 = tpu.memref_squeeze %parallel_loop3A_726 : memref<1x512xf32, #tpu.memory_space<vmem>> -> memref<512xf32, #tpu.memory_space<vmem>>
        %parallel_loop3A_728 = arith.constant 208 : index
        %parallel_loop3A_729 = tpu.vector_load %parallel_loop3A_727[%parallel_loop3A_728] {strides = array<i32>} : memref<512xf32, #tpu.memory_space<vmem>>, vector<16xf32>,
        %parallel_loop3A_730 = vector.shape_cast %parallel_loop3A_729 : vector<16xf32> to vector<16xf32>
        %parallel_loop3A_731 = vector.shape_cast %parallel_loop3A_719 : vector<16xf32> to vector<16xf32>
        tpu.vector_store %parallel_loop3A_727[%parallel_loop3A_728], %parallel_loop3A_731 {strides = array<i32>} : memref<512xf32, #tpu.memory_space<vmem>>, vector<16xf32>,
        %parallel_loop3A_732 = arith.constant 224 : index
        %parallel_loop3A_733 = tpu.vector_load %arg7[%parallel_loop3A_732] {strides = array<i32>} : memref<512xf32, #tpu.memory_space<vmem>>, vector<16xf32>,
        %parallel_loop3A_734 = vector.shape_cast %parallel_loop3A_733 : vector<16xf32> to vector<16xf32>
        %parallel_loop3A_735 = arith.mulf %parallel_loop3A_493, %parallel_loop3A_734 : vector<16xf32>
        %parallel_loop3A_736 = arith.addf %parallel_loop3A_487, %parallel_loop3A_735 : vector<16xf32>
        %parallel_loop3A_737 = arith.constant 1 : i32
        %parallel_loop3A_738 = arith.constant 0 : i32
        %parallel_loop3A_739 = arith.constant 0 : i32
        %parallel_loop3A_740 = tpu.memref_slice %arg8[%parallel_loop3A_737, %parallel_loop3A_738, %parallel_loop3A_739] : memref<2x64x512xf32, #tpu.memory_space<vmem>> -> memref<1x64x512xf32, #tpu.memory_space<vmem>>
        %parallel_loop3A_741 = tpu.memref_squeeze %parallel_loop3A_740 : memref<1x64x512xf32, #tpu.memory_space<vmem>> -> memref<64x512xf32, #tpu.memory_space<vmem>>
        %parallel_loop3A_742 = arith.constant 0 : i32
        %parallel_loop3A_743 = tpu.memref_slice %parallel_loop3A_741[%parallel_loop3A_481, %parallel_loop3A_742] : memref<64x512xf32, #tpu.memory_space<vmem>> -> memref<1x512xf32, #tpu.memory_space<vmem>>
        %parallel_loop3A_744 = tpu.memref_squeeze %parallel_loop3A_743 : memref<1x512xf32, #tpu.memory_space<vmem>> -> memref<512xf32, #tpu.memory_space<vmem>>
        %parallel_loop3A_745 = arith.constant 224 : index
        %parallel_loop3A_746 = tpu.vector_load %parallel_loop3A_744[%parallel_loop3A_745] {strides = array<i32>} : memref<512xf32, #tpu.memory_space<vmem>>, vector<16xf32>,
        %parallel_loop3A_747 = vector.shape_cast %parallel_loop3A_746 : vector<16xf32> to vector<16xf32>
        %parallel_loop3A_748 = vector.shape_cast %parallel_loop3A_736 : vector<16xf32> to vector<16xf32>
        tpu.vector_store %parallel_loop3A_744[%parallel_loop3A_745], %parallel_loop3A_748 {strides = array<i32>} : memref<512xf32, #tpu.memory_space<vmem>>, vector<16xf32>,
        %parallel_loop3A_749 = arith.constant 240 : index
        %parallel_loop3A_750 = tpu.vector_load %arg7[%parallel_loop3A_749] {strides = array<i32>} : memref<512xf32, #tpu.memory_space<vmem>>, vector<16xf32>,
        %parallel_loop3A_751 = vector.shape_cast %parallel_loop3A_750 : vector<16xf32> to vector<16xf32>
        %parallel_loop3A_752 = arith.mulf %parallel_loop3A_493, %parallel_loop3A_751 : vector<16xf32>
        %parallel_loop3A_753 = arith.addf %parallel_loop3A_487, %parallel_loop3A_752 : vector<16xf32>
        %parallel_loop3A_754 = arith.constant 1 : i32
        %parallel_loop3A_755 = arith.constant 0 : i32
        %parallel_loop3A_756 = arith.constant 0 : i32
        %parallel_loop3A_757 = tpu.memref_slice %arg8[%parallel_loop3A_754, %parallel_loop3A_755, %parallel_loop3A_756] : memref<2x64x512xf32, #tpu.memory_space<vmem>> -> memref<1x64x512xf32, #tpu.memory_space<vmem>>
        %parallel_loop3A_758 = tpu.memref_squeeze %parallel_loop3A_757 : memref<1x64x512xf32, #tpu.memory_space<vmem>> -> memref<64x512xf32, #tpu.memory_space<vmem>>
        %parallel_loop3A_759 = arith.constant 0 : i32
        %parallel_loop3A_760 = tpu.memref_slice %parallel_loop3A_758[%parallel_loop3A_481, %parallel_loop3A_759] : memref<64x512xf32, #tpu.memory_space<vmem>> -> memref<1x512xf32, #tpu.memory_space<vmem>>
        %parallel_loop3A_761 = tpu.memref_squeeze %parallel_loop3A_760 : memref<1x512xf32, #tpu.memory_space<vmem>> -> memref<512xf32, #tpu.memory_space<vmem>>
        %parallel_loop3A_762 = arith.constant 240 : index
        %parallel_loop3A_763 = tpu.vector_load %parallel_loop3A_761[%parallel_loop3A_762] {strides = array<i32>} : memref<512xf32, #tpu.memory_space<vmem>>, vector<16xf32>,
        %parallel_loop3A_764 = vector.shape_cast %parallel_loop3A_763 : vector<16xf32> to vector<16xf32>
        %parallel_loop3A_765 = vector.shape_cast %parallel_loop3A_753 : vector<16xf32> to vector<16xf32>
        tpu.vector_store %parallel_loop3A_761[%parallel_loop3A_762], %parallel_loop3A_765 {strides = array<i32>} : memref<512xf32, #tpu.memory_space<vmem>>, vector<16xf32>,
        %parallel_loop3A_766 = arith.constant 256 : index
        %parallel_loop3A_767 = tpu.vector_load %arg7[%parallel_loop3A_766] {strides = array<i32>} : memref<512xf32, #tpu.memory_space<vmem>>, vector<16xf32>,
        %parallel_loop3A_768 = vector.shape_cast %parallel_loop3A_767 : vector<16xf32> to vector<16xf32>
        %parallel_loop3A_769 = arith.mulf %parallel_loop3A_493, %parallel_loop3A_768 : vector<16xf32>
        %parallel_loop3A_770 = arith.addf %parallel_loop3A_487, %parallel_loop3A_769 : vector<16xf32>
        %parallel_loop3A_771 = arith.constant 1 : i32
        %parallel_loop3A_772 = arith.constant 0 : i32
        %parallel_loop3A_773 = arith.constant 0 : i32
        %parallel_loop3A_774 = tpu.memref_slice %arg8[%parallel_loop3A_771, %parallel_loop3A_772, %parallel_loop3A_773] : memref<2x64x512xf32, #tpu.memory_space<vmem>> -> memref<1x64x512xf32, #tpu.memory_space<vmem>>
        %parallel_loop3A_775 = tpu.memref_squeeze %parallel_loop3A_774 : memref<1x64x512xf32, #tpu.memory_space<vmem>> -> memref<64x512xf32, #tpu.memory_space<vmem>>
        %parallel_loop3A_776 = arith.constant 0 : i32
        %parallel_loop3A_777 = tpu.memref_slice %parallel_loop3A_775[%parallel_loop3A_481, %parallel_loop3A_776] : memref<64x512xf32, #tpu.memory_space<vmem>> -> memref<1x512xf32, #tpu.memory_space<vmem>>
        %parallel_loop3A_778 = tpu.memref_squeeze %parallel_loop3A_777 : memref<1x512xf32, #tpu.memory_space<vmem>> -> memref<512xf32, #tpu.memory_space<vmem>>
        %parallel_loop3A_779 = arith.constant 256 : index
        %parallel_loop3A_780 = tpu.vector_load %parallel_loop3A_778[%parallel_loop3A_779] {strides = array<i32>} : memref<512xf32, #tpu.memory_space<vmem>>, vector<16xf32>,
        %parallel_loop3A_781 = vector.shape_cast %parallel_loop3A_780 : vector<16xf32> to vector<16xf32>
        %parallel_loop3A_782 = vector.shape_cast %parallel_loop3A_770 : vector<16xf32> to vector<16xf32>
        tpu.vector_store %parallel_loop3A_778[%parallel_loop3A_779], %parallel_loop3A_782 {strides = array<i32>} : memref<512xf32, #tpu.memory_space<vmem>>, vector<16xf32>,
        %parallel_loop3A_783 = arith.constant 272 : index
        %parallel_loop3A_784 = tpu.vector_load %arg7[%parallel_loop3A_783] {strides = array<i32>} : memref<512xf32, #tpu.memory_space<vmem>>, vector<16xf32>,
        %parallel_loop3A_785 = vector.shape_cast %parallel_loop3A_784 : vector<16xf32> to vector<16xf32>
        %parallel_loop3A_786 = arith.mulf %parallel_loop3A_493, %parallel_loop3A_785 : vector<16xf32>
        %parallel_loop3A_787 = arith.addf %parallel_loop3A_487, %parallel_loop3A_786 : vector<16xf32>
        %parallel_loop3A_788 = arith.constant 1 : i32
        %parallel_loop3A_789 = arith.constant 0 : i32
        %parallel_loop3A_790 = arith.constant 0 : i32
        %parallel_loop3A_791 = tpu.memref_slice %arg8[%parallel_loop3A_788, %parallel_loop3A_789, %parallel_loop3A_790] : memref<2x64x512xf32, #tpu.memory_space<vmem>> -> memref<1x64x512xf32, #tpu.memory_space<vmem>>
        %parallel_loop3A_792 = tpu.memref_squeeze %parallel_loop3A_791 : memref<1x64x512xf32, #tpu.memory_space<vmem>> -> memref<64x512xf32, #tpu.memory_space<vmem>>
        %parallel_loop3A_793 = arith.constant 0 : i32
        %parallel_loop3A_794 = tpu.memref_slice %parallel_loop3A_792[%parallel_loop3A_481, %parallel_loop3A_793] : memref<64x512xf32, #tpu.memory_space<vmem>> -> memref<1x512xf32, #tpu.memory_space<vmem>>
        %parallel_loop3A_795 = tpu.memref_squeeze %parallel_loop3A_794 : memref<1x512xf32, #tpu.memory_space<vmem>> -> memref<512xf32, #tpu.memory_space<vmem>>
        %parallel_loop3A_796 = arith.constant 272 : index
        %parallel_loop3A_797 = tpu.vector_load %parallel_loop3A_795[%parallel_loop3A_796] {strides = array<i32>} : memref<512xf32, #tpu.memory_space<vmem>>, vector<16xf32>,
        %parallel_loop3A_798 = vector.shape_cast %parallel_loop3A_797 : vector<16xf32> to vector<16xf32>
        %parallel_loop3A_799 = vector.shape_cast %parallel_loop3A_787 : vector<16xf32> to vector<16xf32>
        tpu.vector_store %parallel_loop3A_795[%parallel_loop3A_796], %parallel_loop3A_799 {strides = array<i32>} : memref<512xf32, #tpu.memory_space<vmem>>, vector<16xf32>,
        %parallel_loop3A_800 = arith.constant 288 : index
        %parallel_loop3A_801 = tpu.vector_load %arg7[%parallel_loop3A_800] {strides = array<i32>} : memref<512xf32, #tpu.memory_space<vmem>>, vector<16xf32>,
        %parallel_loop3A_802 = vector.shape_cast %parallel_loop3A_801 : vector<16xf32> to vector<16xf32>
        %parallel_loop3A_803 = arith.mulf %parallel_loop3A_493, %parallel_loop3A_802 : vector<16xf32>
        %parallel_loop3A_804 = arith.addf %parallel_loop3A_487, %parallel_loop3A_803 : vector<16xf32>
        %parallel_loop3A_805 = arith.constant 1 : i32
        %parallel_loop3A_806 = arith.constant 0 : i32
        %parallel_loop3A_807 = arith.constant 0 : i32
        %parallel_loop3A_808 = tpu.memref_slice %arg8[%parallel_loop3A_805, %parallel_loop3A_806, %parallel_loop3A_807] : memref<2x64x512xf32, #tpu.memory_space<vmem>> -> memref<1x64x512xf32, #tpu.memory_space<vmem>>
        %parallel_loop3A_809 = tpu.memref_squeeze %parallel_loop3A_808 : memref<1x64x512xf32, #tpu.memory_space<vmem>> -> memref<64x512xf32, #tpu.memory_space<vmem>>
        %parallel_loop3A_810 = arith.constant 0 : i32
        %parallel_loop3A_811 = tpu.memref_slice %parallel_loop3A_809[%parallel_loop3A_481, %parallel_loop3A_810] : memref<64x512xf32, #tpu.memory_space<vmem>> -> memref<1x512xf32, #tpu.memory_space<vmem>>
        %parallel_loop3A_812 = tpu.memref_squeeze %parallel_loop3A_811 : memref<1x512xf32, #tpu.memory_space<vmem>> -> memref<512xf32, #tpu.memory_space<vmem>>
        %parallel_loop3A_813 = arith.constant 288 : index
        %parallel_loop3A_814 = tpu.vector_load %parallel_loop3A_812[%parallel_loop3A_813] {strides = array<i32>} : memref<512xf32, #tpu.memory_space<vmem>>, vector<16xf32>,
        %parallel_loop3A_815 = vector.shape_cast %parallel_loop3A_814 : vector<16xf32> to vector<16xf32>
        %parallel_loop3A_816 = vector.shape_cast %parallel_loop3A_804 : vector<16xf32> to vector<16xf32>
        tpu.vector_store %parallel_loop3A_812[%parallel_loop3A_813], %parallel_loop3A_816 {strides = array<i32>} : memref<512xf32, #tpu.memory_space<vmem>>, vector<16xf32>,
        %parallel_loop3A_817 = arith.constant 304 : index
        %parallel_loop3A_818 = tpu.vector_load %arg7[%parallel_loop3A_817] {strides = array<i32>} : memref<512xf32, #tpu.memory_space<vmem>>, vector<16xf32>,
        %parallel_loop3A_819 = vector.shape_cast %parallel_loop3A_818 : vector<16xf32> to vector<16xf32>
        %parallel_loop3A_820 = arith.mulf %parallel_loop3A_493, %parallel_loop3A_819 : vector<16xf32>
        %parallel_loop3A_821 = arith.addf %parallel_loop3A_487, %parallel_loop3A_820 : vector<16xf32>
        %parallel_loop3A_822 = arith.constant 1 : i32
        %parallel_loop3A_823 = arith.constant 0 : i32
        %parallel_loop3A_824 = arith.constant 0 : i32
        %parallel_loop3A_825 = tpu.memref_slice %arg8[%parallel_loop3A_822, %parallel_loop3A_823, %parallel_loop3A_824] : memref<2x64x512xf32, #tpu.memory_space<vmem>> -> memref<1x64x512xf32, #tpu.memory_space<vmem>>
        %parallel_loop3A_826 = tpu.memref_squeeze %parallel_loop3A_825 : memref<1x64x512xf32, #tpu.memory_space<vmem>> -> memref<64x512xf32, #tpu.memory_space<vmem>>
        %parallel_loop3A_827 = arith.constant 0 : i32
        %parallel_loop3A_828 = tpu.memref_slice %parallel_loop3A_826[%parallel_loop3A_481, %parallel_loop3A_827] : memref<64x512xf32, #tpu.memory_space<vmem>> -> memref<1x512xf32, #tpu.memory_space<vmem>>
        %parallel_loop3A_829 = tpu.memref_squeeze %parallel_loop3A_828 : memref<1x512xf32, #tpu.memory_space<vmem>> -> memref<512xf32, #tpu.memory_space<vmem>>
        %parallel_loop3A_830 = arith.constant 304 : index
        %parallel_loop3A_831 = tpu.vector_load %parallel_loop3A_829[%parallel_loop3A_830] {strides = array<i32>} : memref<512xf32, #tpu.memory_space<vmem>>, vector<16xf32>,
        %parallel_loop3A_832 = vector.shape_cast %parallel_loop3A_831 : vector<16xf32> to vector<16xf32>
        %parallel_loop3A_833 = vector.shape_cast %parallel_loop3A_821 : vector<16xf32> to vector<16xf32>
        tpu.vector_store %parallel_loop3A_829[%parallel_loop3A_830], %parallel_loop3A_833 {strides = array<i32>} : memref<512xf32, #tpu.memory_space<vmem>>, vector<16xf32>,
        %parallel_loop3A_834 = arith.constant 320 : index
        %parallel_loop3A_835 = tpu.vector_load %arg7[%parallel_loop3A_834] {strides = array<i32>} : memref<512xf32, #tpu.memory_space<vmem>>, vector<16xf32>,
        %parallel_loop3A_836 = vector.shape_cast %parallel_loop3A_835 : vector<16xf32> to vector<16xf32>
        %parallel_loop3A_837 = arith.mulf %parallel_loop3A_493, %parallel_loop3A_836 : vector<16xf32>
        %parallel_loop3A_838 = arith.addf %parallel_loop3A_487, %parallel_loop3A_837 : vector<16xf32>
        %parallel_loop3A_839 = arith.constant 1 : i32
        %parallel_loop3A_840 = arith.constant 0 : i32
        %parallel_loop3A_841 = arith.constant 0 : i32
        %parallel_loop3A_842 = tpu.memref_slice %arg8[%parallel_loop3A_839, %parallel_loop3A_840, %parallel_loop3A_841] : memref<2x64x512xf32, #tpu.memory_space<vmem>> -> memref<1x64x512xf32, #tpu.memory_space<vmem>>
        %parallel_loop3A_843 = tpu.memref_squeeze %parallel_loop3A_842 : memref<1x64x512xf32, #tpu.memory_space<vmem>> -> memref<64x512xf32, #tpu.memory_space<vmem>>
        %parallel_loop3A_844 = arith.constant 0 : i32
        %parallel_loop3A_845 = tpu.memref_slice %parallel_loop3A_843[%parallel_loop3A_481, %parallel_loop3A_844] : memref<64x512xf32, #tpu.memory_space<vmem>> -> memref<1x512xf32, #tpu.memory_space<vmem>>
        %parallel_loop3A_846 = tpu.memref_squeeze %parallel_loop3A_845 : memref<1x512xf32, #tpu.memory_space<vmem>> -> memref<512xf32, #tpu.memory_space<vmem>>
        %parallel_loop3A_847 = arith.constant 320 : index
        %parallel_loop3A_848 = tpu.vector_load %parallel_loop3A_846[%parallel_loop3A_847] {strides = array<i32>} : memref<512xf32, #tpu.memory_space<vmem>>, vector<16xf32>,
        %parallel_loop3A_849 = vector.shape_cast %parallel_loop3A_848 : vector<16xf32> to vector<16xf32>
        %parallel_loop3A_850 = vector.shape_cast %parallel_loop3A_838 : vector<16xf32> to vector<16xf32>
        tpu.vector_store %parallel_loop3A_846[%parallel_loop3A_847], %parallel_loop3A_850 {strides = array<i32>} : memref<512xf32, #tpu.memory_space<vmem>>, vector<16xf32>,
        %parallel_loop3A_851 = arith.constant 336 : index
        %parallel_loop3A_852 = tpu.vector_load %arg7[%parallel_loop3A_851] {strides = array<i32>} : memref<512xf32, #tpu.memory_space<vmem>>, vector<16xf32>,
        %parallel_loop3A_853 = vector.shape_cast %parallel_loop3A_852 : vector<16xf32> to vector<16xf32>
        %parallel_loop3A_854 = arith.mulf %parallel_loop3A_493, %parallel_loop3A_853 : vector<16xf32>
        %parallel_loop3A_855 = arith.addf %parallel_loop3A_487, %parallel_loop3A_854 : vector<16xf32>
        %parallel_loop3A_856 = arith.constant 1 : i32
        %parallel_loop3A_857 = arith.constant 0 : i32
        %parallel_loop3A_858 = arith.constant 0 : i32
        %parallel_loop3A_859 = tpu.memref_slice %arg8[%parallel_loop3A_856, %parallel_loop3A_857, %parallel_loop3A_858] : memref<2x64x512xf32, #tpu.memory_space<vmem>> -> memref<1x64x512xf32, #tpu.memory_space<vmem>>
        %parallel_loop3A_860 = tpu.memref_squeeze %parallel_loop3A_859 : memref<1x64x512xf32, #tpu.memory_space<vmem>> -> memref<64x512xf32, #tpu.memory_space<vmem>>
        %parallel_loop3A_861 = arith.constant 0 : i32
        %parallel_loop3A_862 = tpu.memref_slice %parallel_loop3A_860[%parallel_loop3A_481, %parallel_loop3A_861] : memref<64x512xf32, #tpu.memory_space<vmem>> -> memref<1x512xf32, #tpu.memory_space<vmem>>
        %parallel_loop3A_863 = tpu.memref_squeeze %parallel_loop3A_862 : memref<1x512xf32, #tpu.memory_space<vmem>> -> memref<512xf32, #tpu.memory_space<vmem>>
        %parallel_loop3A_864 = arith.constant 336 : index
        %parallel_loop3A_865 = tpu.vector_load %parallel_loop3A_863[%parallel_loop3A_864] {strides = array<i32>} : memref<512xf32, #tpu.memory_space<vmem>>, vector<16xf32>,
        %parallel_loop3A_866 = vector.shape_cast %parallel_loop3A_865 : vector<16xf32> to vector<16xf32>
        %parallel_loop3A_867 = vector.shape_cast %parallel_loop3A_855 : vector<16xf32> to vector<16xf32>
        tpu.vector_store %parallel_loop3A_863[%parallel_loop3A_864], %parallel_loop3A_867 {strides = array<i32>} : memref<512xf32, #tpu.memory_space<vmem>>, vector<16xf32>,
        %parallel_loop3A_868 = arith.constant 352 : index
        %parallel_loop3A_869 = tpu.vector_load %arg7[%parallel_loop3A_868] {strides = array<i32>} : memref<512xf32, #tpu.memory_space<vmem>>, vector<16xf32>,
        %parallel_loop3A_870 = vector.shape_cast %parallel_loop3A_869 : vector<16xf32> to vector<16xf32>
        %parallel_loop3A_871 = arith.mulf %parallel_loop3A_493, %parallel_loop3A_870 : vector<16xf32>
        %parallel_loop3A_872 = arith.addf %parallel_loop3A_487, %parallel_loop3A_871 : vector<16xf32>
        %parallel_loop3A_873 = arith.constant 1 : i32
        %parallel_loop3A_874 = arith.constant 0 : i32
        %parallel_loop3A_875 = arith.constant 0 : i32
        %parallel_loop3A_876 = tpu.memref_slice %arg8[%parallel_loop3A_873, %parallel_loop3A_874, %parallel_loop3A_875] : memref<2x64x512xf32, #tpu.memory_space<vmem>> -> memref<1x64x512xf32, #tpu.memory_space<vmem>>
        %parallel_loop3A_877 = tpu.memref_squeeze %parallel_loop3A_876 : memref<1x64x512xf32, #tpu.memory_space<vmem>> -> memref<64x512xf32, #tpu.memory_space<vmem>>
        %parallel_loop3A_878 = arith.constant 0 : i32
        %parallel_loop3A_879 = tpu.memref_slice %parallel_loop3A_877[%parallel_loop3A_481, %parallel_loop3A_878] : memref<64x512xf32, #tpu.memory_space<vmem>> -> memref<1x512xf32, #tpu.memory_space<vmem>>
        %parallel_loop3A_880 = tpu.memref_squeeze %parallel_loop3A_879 : memref<1x512xf32, #tpu.memory_space<vmem>> -> memref<512xf32, #tpu.memory_space<vmem>>
        %parallel_loop3A_881 = arith.constant 352 : index
        %parallel_loop3A_882 = tpu.vector_load %parallel_loop3A_880[%parallel_loop3A_881] {strides = array<i32>} : memref<512xf32, #tpu.memory_space<vmem>>, vector<16xf32>,
        %parallel_loop3A_883 = vector.shape_cast %parallel_loop3A_882 : vector<16xf32> to vector<16xf32>
        %parallel_loop3A_884 = vector.shape_cast %parallel_loop3A_872 : vector<16xf32> to vector<16xf32>
        tpu.vector_store %parallel_loop3A_880[%parallel_loop3A_881], %parallel_loop3A_884 {strides = array<i32>} : memref<512xf32, #tpu.memory_space<vmem>>, vector<16xf32>,
        %parallel_loop3A_885 = arith.constant 368 : index
        %parallel_loop3A_886 = tpu.vector_load %arg7[%parallel_loop3A_885] {strides = array<i32>} : memref<512xf32, #tpu.memory_space<vmem>>, vector<16xf32>,
        %parallel_loop3A_887 = vector.shape_cast %parallel_loop3A_886 : vector<16xf32> to vector<16xf32>
        %parallel_loop3A_888 = arith.mulf %parallel_loop3A_493, %parallel_loop3A_887 : vector<16xf32>
        %parallel_loop3A_889 = arith.addf %parallel_loop3A_487, %parallel_loop3A_888 : vector<16xf32>
        %parallel_loop3A_890 = arith.constant 1 : i32
        %parallel_loop3A_891 = arith.constant 0 : i32
        %parallel_loop3A_892 = arith.constant 0 : i32
        %parallel_loop3A_893 = tpu.memref_slice %arg8[%parallel_loop3A_890, %parallel_loop3A_891, %parallel_loop3A_892] : memref<2x64x512xf32, #tpu.memory_space<vmem>> -> memref<1x64x512xf32, #tpu.memory_space<vmem>>
        %parallel_loop3A_894 = tpu.memref_squeeze %parallel_loop3A_893 : memref<1x64x512xf32, #tpu.memory_space<vmem>> -> memref<64x512xf32, #tpu.memory_space<vmem>>
        %parallel_loop3A_895 = arith.constant 0 : i32
        %parallel_loop3A_896 = tpu.memref_slice %parallel_loop3A_894[%parallel_loop3A_481, %parallel_loop3A_895] : memref<64x512xf32, #tpu.memory_space<vmem>> -> memref<1x512xf32, #tpu.memory_space<vmem>>
        %parallel_loop3A_897 = tpu.memref_squeeze %parallel_loop3A_896 : memref<1x512xf32, #tpu.memory_space<vmem>> -> memref<512xf32, #tpu.memory_space<vmem>>
        %parallel_loop3A_898 = arith.constant 368 : index
        %parallel_loop3A_899 = tpu.vector_load %parallel_loop3A_897[%parallel_loop3A_898] {strides = array<i32>} : memref<512xf32, #tpu.memory_space<vmem>>, vector<16xf32>,
        %parallel_loop3A_900 = vector.shape_cast %parallel_loop3A_899 : vector<16xf32> to vector<16xf32>
        %parallel_loop3A_901 = vector.shape_cast %parallel_loop3A_889 : vector<16xf32> to vector<16xf32>
        tpu.vector_store %parallel_loop3A_897[%parallel_loop3A_898], %parallel_loop3A_901 {strides = array<i32>} : memref<512xf32, #tpu.memory_space<vmem>>, vector<16xf32>,
        %parallel_loop3A_902 = arith.constant 384 : index
        %parallel_loop3A_903 = tpu.vector_load %arg7[%parallel_loop3A_902] {strides = array<i32>} : memref<512xf32, #tpu.memory_space<vmem>>, vector<16xf32>,
        %parallel_loop3A_904 = vector.shape_cast %parallel_loop3A_903 : vector<16xf32> to vector<16xf32>
        %parallel_loop3A_905 = arith.mulf %parallel_loop3A_493, %parallel_loop3A_904 : vector<16xf32>
        %parallel_loop3A_906 = arith.addf %parallel_loop3A_487, %parallel_loop3A_905 : vector<16xf32>
        %parallel_loop3A_907 = arith.constant 1 : i32
        %parallel_loop3A_908 = arith.constant 0 : i32
        %parallel_loop3A_909 = arith.constant 0 : i32
        %parallel_loop3A_910 = tpu.memref_slice %arg8[%parallel_loop3A_907, %parallel_loop3A_908, %parallel_loop3A_909] : memref<2x64x512xf32, #tpu.memory_space<vmem>> -> memref<1x64x512xf32, #tpu.memory_space<vmem>>
        %parallel_loop3A_911 = tpu.memref_squeeze %parallel_loop3A_910 : memref<1x64x512xf32, #tpu.memory_space<vmem>> -> memref<64x512xf32, #tpu.memory_space<vmem>>
        %parallel_loop3A_912 = arith.constant 0 : i32
        %parallel_loop3A_913 = tpu.memref_slice %parallel_loop3A_911[%parallel_loop3A_481, %parallel_loop3A_912] : memref<64x512xf32, #tpu.memory_space<vmem>> -> memref<1x512xf32, #tpu.memory_space<vmem>>
        %parallel_loop3A_914 = tpu.memref_squeeze %parallel_loop3A_913 : memref<1x512xf32, #tpu.memory_space<vmem>> -> memref<512xf32, #tpu.memory_space<vmem>>
        %parallel_loop3A_915 = arith.constant 384 : index
        %parallel_loop3A_916 = tpu.vector_load %parallel_loop3A_914[%parallel_loop3A_915] {strides = array<i32>} : memref<512xf32, #tpu.memory_space<vmem>>, vector<16xf32>,
        %parallel_loop3A_917 = vector.shape_cast %parallel_loop3A_916 : vector<16xf32> to vector<16xf32>
        %parallel_loop3A_918 = vector.shape_cast %parallel_loop3A_906 : vector<16xf32> to vector<16xf32>
        tpu.vector_store %parallel_loop3A_914[%parallel_loop3A_915], %parallel_loop3A_918 {strides = array<i32>} : memref<512xf32, #tpu.memory_space<vmem>>, vector<16xf32>,
        %parallel_loop3A_919 = arith.constant 400 : index
        %parallel_loop3A_920 = tpu.vector_load %arg7[%parallel_loop3A_919] {strides = array<i32>} : memref<512xf32, #tpu.memory_space<vmem>>, vector<16xf32>,
        %parallel_loop3A_921 = vector.shape_cast %parallel_loop3A_920 : vector<16xf32> to vector<16xf32>
        %parallel_loop3A_922 = arith.mulf %parallel_loop3A_493, %parallel_loop3A_921 : vector<16xf32>
        %parallel_loop3A_923 = arith.addf %parallel_loop3A_487, %parallel_loop3A_922 : vector<16xf32>
        %parallel_loop3A_924 = arith.constant 1 : i32
        %parallel_loop3A_925 = arith.constant 0 : i32
        %parallel_loop3A_926 = arith.constant 0 : i32
        %parallel_loop3A_927 = tpu.memref_slice %arg8[%parallel_loop3A_924, %parallel_loop3A_925, %parallel_loop3A_926] : memref<2x64x512xf32, #tpu.memory_space<vmem>> -> memref<1x64x512xf32, #tpu.memory_space<vmem>>
        %parallel_loop3A_928 = tpu.memref_squeeze %parallel_loop3A_927 : memref<1x64x512xf32, #tpu.memory_space<vmem>> -> memref<64x512xf32, #tpu.memory_space<vmem>>
        %parallel_loop3A_929 = arith.constant 0 : i32
        %parallel_loop3A_930 = tpu.memref_slice %parallel_loop3A_928[%parallel_loop3A_481, %parallel_loop3A_929] : memref<64x512xf32, #tpu.memory_space<vmem>> -> memref<1x512xf32, #tpu.memory_space<vmem>>
        %parallel_loop3A_931 = tpu.memref_squeeze %parallel_loop3A_930 : memref<1x512xf32, #tpu.memory_space<vmem>> -> memref<512xf32, #tpu.memory_space<vmem>>
        %parallel_loop3A_932 = arith.constant 400 : index
        %parallel_loop3A_933 = tpu.vector_load %parallel_loop3A_931[%parallel_loop3A_932] {strides = array<i32>} : memref<512xf32, #tpu.memory_space<vmem>>, vector<16xf32>,
        %parallel_loop3A_934 = vector.shape_cast %parallel_loop3A_933 : vector<16xf32> to vector<16xf32>
        %parallel_loop3A_935 = vector.shape_cast %parallel_loop3A_923 : vector<16xf32> to vector<16xf32>
        tpu.vector_store %parallel_loop3A_931[%parallel_loop3A_932], %parallel_loop3A_935 {strides = array<i32>} : memref<512xf32, #tpu.memory_space<vmem>>, vector<16xf32>,
        %parallel_loop3A_936 = arith.constant 416 : index
        %parallel_loop3A_937 = tpu.vector_load %arg7[%parallel_loop3A_936] {strides = array<i32>} : memref<512xf32, #tpu.memory_space<vmem>>, vector<16xf32>,
        %parallel_loop3A_938 = vector.shape_cast %parallel_loop3A_937 : vector<16xf32> to vector<16xf32>
        %parallel_loop3A_939 = arith.mulf %parallel_loop3A_493, %parallel_loop3A_938 : vector<16xf32>
        %parallel_loop3A_940 = arith.addf %parallel_loop3A_487, %parallel_loop3A_939 : vector<16xf32>
        %parallel_loop3A_941 = arith.constant 1 : i32
        %parallel_loop3A_942 = arith.constant 0 : i32
        %parallel_loop3A_943 = arith.constant 0 : i32
        %parallel_loop3A_944 = tpu.memref_slice %arg8[%parallel_loop3A_941, %parallel_loop3A_942, %parallel_loop3A_943] : memref<2x64x512xf32, #tpu.memory_space<vmem>> -> memref<1x64x512xf32, #tpu.memory_space<vmem>>
        %parallel_loop3A_945 = tpu.memref_squeeze %parallel_loop3A_944 : memref<1x64x512xf32, #tpu.memory_space<vmem>> -> memref<64x512xf32, #tpu.memory_space<vmem>>
        %parallel_loop3A_946 = arith.constant 0 : i32
        %parallel_loop3A_947 = tpu.memref_slice %parallel_loop3A_945[%parallel_loop3A_481, %parallel_loop3A_946] : memref<64x512xf32, #tpu.memory_space<vmem>> -> memref<1x512xf32, #tpu.memory_space<vmem>>
        %parallel_loop3A_948 = tpu.memref_squeeze %parallel_loop3A_947 : memref<1x512xf32, #tpu.memory_space<vmem>> -> memref<512xf32, #tpu.memory_space<vmem>>
        %parallel_loop3A_949 = arith.constant 416 : index
        %parallel_loop3A_950 = tpu.vector_load %parallel_loop3A_948[%parallel_loop3A_949] {strides = array<i32>} : memref<512xf32, #tpu.memory_space<vmem>>, vector<16xf32>,
        %parallel_loop3A_951 = vector.shape_cast %parallel_loop3A_950 : vector<16xf32> to vector<16xf32>
        %parallel_loop3A_952 = vector.shape_cast %parallel_loop3A_940 : vector<16xf32> to vector<16xf32>
        tpu.vector_store %parallel_loop3A_948[%parallel_loop3A_949], %parallel_loop3A_952 {strides = array<i32>} : memref<512xf32, #tpu.memory_space<vmem>>, vector<16xf32>,
        %parallel_loop3A_953 = arith.constant 432 : index
        %parallel_loop3A_954 = tpu.vector_load %arg7[%parallel_loop3A_953] {strides = array<i32>} : memref<512xf32, #tpu.memory_space<vmem>>, vector<16xf32>,
        %parallel_loop3A_955 = vector.shape_cast %parallel_loop3A_954 : vector<16xf32> to vector<16xf32>
        %parallel_loop3A_956 = arith.mulf %parallel_loop3A_493, %parallel_loop3A_955 : vector<16xf32>
        %parallel_loop3A_957 = arith.addf %parallel_loop3A_487, %parallel_loop3A_956 : vector<16xf32>
        %parallel_loop3A_958 = arith.constant 1 : i32
        %parallel_loop3A_959 = arith.constant 0 : i32
        %parallel_loop3A_960 = arith.constant 0 : i32
        %parallel_loop3A_961 = tpu.memref_slice %arg8[%parallel_loop3A_958, %parallel_loop3A_959, %parallel_loop3A_960] : memref<2x64x512xf32, #tpu.memory_space<vmem>> -> memref<1x64x512xf32, #tpu.memory_space<vmem>>
        %parallel_loop3A_962 = tpu.memref_squeeze %parallel_loop3A_961 : memref<1x64x512xf32, #tpu.memory_space<vmem>> -> memref<64x512xf32, #tpu.memory_space<vmem>>
        %parallel_loop3A_963 = arith.constant 0 : i32
        %parallel_loop3A_964 = tpu.memref_slice %parallel_loop3A_962[%parallel_loop3A_481, %parallel_loop3A_963] : memref<64x512xf32, #tpu.memory_space<vmem>> -> memref<1x512xf32, #tpu.memory_space<vmem>>
        %parallel_loop3A_965 = tpu.memref_squeeze %parallel_loop3A_964 : memref<1x512xf32, #tpu.memory_space<vmem>> -> memref<512xf32, #tpu.memory_space<vmem>>
        %parallel_loop3A_966 = arith.constant 432 : index
        %parallel_loop3A_967 = tpu.vector_load %parallel_loop3A_965[%parallel_loop3A_966] {strides = array<i32>} : memref<512xf32, #tpu.memory_space<vmem>>, vector<16xf32>,
        %parallel_loop3A_968 = vector.shape_cast %parallel_loop3A_967 : vector<16xf32> to vector<16xf32>
        %parallel_loop3A_969 = vector.shape_cast %parallel_loop3A_957 : vector<16xf32> to vector<16xf32>
        tpu.vector_store %parallel_loop3A_965[%parallel_loop3A_966], %parallel_loop3A_969 {strides = array<i32>} : memref<512xf32, #tpu.memory_space<vmem>>, vector<16xf32>,
        %parallel_loop3A_970 = arith.constant 448 : index
        %parallel_loop3A_971 = tpu.vector_load %arg7[%parallel_loop3A_970] {strides = array<i32>} : memref<512xf32, #tpu.memory_space<vmem>>, vector<16xf32>,
        %parallel_loop3A_972 = vector.shape_cast %parallel_loop3A_971 : vector<16xf32> to vector<16xf32>
        %parallel_loop3A_973 = arith.mulf %parallel_loop3A_493, %parallel_loop3A_972 : vector<16xf32>
        %parallel_loop3A_974 = arith.addf %parallel_loop3A_487, %parallel_loop3A_973 : vector<16xf32>
        %parallel_loop3A_975 = arith.constant 1 : i32
        %parallel_loop3A_976 = arith.constant 0 : i32
        %parallel_loop3A_977 = arith.constant 0 : i32
        %parallel_loop3A_978 = tpu.memref_slice %arg8[%parallel_loop3A_975, %parallel_loop3A_976, %parallel_loop3A_977] : memref<2x64x512xf32, #tpu.memory_space<vmem>> -> memref<1x64x512xf32, #tpu.memory_space<vmem>>
        %parallel_loop3A_979 = tpu.memref_squeeze %parallel_loop3A_978 : memref<1x64x512xf32, #tpu.memory_space<vmem>> -> memref<64x512xf32, #tpu.memory_space<vmem>>
        %parallel_loop3A_980 = arith.constant 0 : i32
        %parallel_loop3A_981 = tpu.memref_slice %parallel_loop3A_979[%parallel_loop3A_481, %parallel_loop3A_980] : memref<64x512xf32, #tpu.memory_space<vmem>> -> memref<1x512xf32, #tpu.memory_space<vmem>>
        %parallel_loop3A_982 = tpu.memref_squeeze %parallel_loop3A_981 : memref<1x512xf32, #tpu.memory_space<vmem>> -> memref<512xf32, #tpu.memory_space<vmem>>
        %parallel_loop3A_983 = arith.constant 448 : index
        %parallel_loop3A_984 = tpu.vector_load %parallel_loop3A_982[%parallel_loop3A_983] {strides = array<i32>} : memref<512xf32, #tpu.memory_space<vmem>>, vector<16xf32>,
        %parallel_loop3A_985 = vector.shape_cast %parallel_loop3A_984 : vector<16xf32> to vector<16xf32>
        %parallel_loop3A_986 = vector.shape_cast %parallel_loop3A_974 : vector<16xf32> to vector<16xf32>
        tpu.vector_store %parallel_loop3A_982[%parallel_loop3A_983], %parallel_loop3A_986 {strides = array<i32>} : memref<512xf32, #tpu.memory_space<vmem>>, vector<16xf32>,
        %parallel_loop3A_987 = arith.constant 464 : index
        %parallel_loop3A_988 = tpu.vector_load %arg7[%parallel_loop3A_987] {strides = array<i32>} : memref<512xf32, #tpu.memory_space<vmem>>, vector<16xf32>,
        %parallel_loop3A_989 = vector.shape_cast %parallel_loop3A_988 : vector<16xf32> to vector<16xf32>
        %parallel_loop3A_990 = arith.mulf %parallel_loop3A_493, %parallel_loop3A_989 : vector<16xf32>
        %parallel_loop3A_991 = arith.addf %parallel_loop3A_487, %parallel_loop3A_990 : vector<16xf32>
        %parallel_loop3A_992 = arith.constant 1 : i32
        %parallel_loop3A_993 = arith.constant 0 : i32
        %parallel_loop3A_994 = arith.constant 0 : i32
        %parallel_loop3A_995 = tpu.memref_slice %arg8[%parallel_loop3A_992, %parallel_loop3A_993, %parallel_loop3A_994] : memref<2x64x512xf32, #tpu.memory_space<vmem>> -> memref<1x64x512xf32, #tpu.memory_space<vmem>>
        %parallel_loop3A_996 = tpu.memref_squeeze %parallel_loop3A_995 : memref<1x64x512xf32, #tpu.memory_space<vmem>> -> memref<64x512xf32, #tpu.memory_space<vmem>>
        %parallel_loop3A_997 = arith.constant 0 : i32
        %parallel_loop3A_998 = tpu.memref_slice %parallel_loop3A_996[%parallel_loop3A_481, %parallel_loop3A_997] : memref<64x512xf32, #tpu.memory_space<vmem>> -> memref<1x512xf32, #tpu.memory_space<vmem>>
        %parallel_loop3A_999 = tpu.memref_squeeze %parallel_loop3A_998 : memref<1x512xf32, #tpu.memory_space<vmem>> -> memref<512xf32, #tpu.memory_space<vmem>>
        %parallel_loop3A_1000 = arith.constant 464 : index
        %parallel_loop3A_1001 = tpu.vector_load %parallel_loop3A_999[%parallel_loop3A_1000] {strides = array<i32>} : memref<512xf32, #tpu.memory_space<vmem>>, vector<16xf32>,
        %parallel_loop3A_1002 = vector.shape_cast %parallel_loop3A_1001 : vector<16xf32> to vector<16xf32>
        %parallel_loop3A_1003 = vector.shape_cast %parallel_loop3A_991 : vector<16xf32> to vector<16xf32>
        tpu.vector_store %parallel_loop3A_999[%parallel_loop3A_1000], %parallel_loop3A_1003 {strides = array<i32>} : memref<512xf32, #tpu.memory_space<vmem>>, vector<16xf32>,
        %parallel_loop3A_1004 = arith.constant 480 : index
        %parallel_loop3A_1005 = tpu.vector_load %arg7[%parallel_loop3A_1004] {strides = array<i32>} : memref<512xf32, #tpu.memory_space<vmem>>, vector<16xf32>,
        %parallel_loop3A_1006 = vector.shape_cast %parallel_loop3A_1005 : vector<16xf32> to vector<16xf32>
        %parallel_loop3A_1007 = arith.mulf %parallel_loop3A_493, %parallel_loop3A_1006 : vector<16xf32>
        %parallel_loop3A_1008 = arith.addf %parallel_loop3A_487, %parallel_loop3A_1007 : vector<16xf32>
        %parallel_loop3A_1009 = arith.constant 1 : i32
        %parallel_loop3A_1010 = arith.constant 0 : i32
        %parallel_loop3A_1011 = arith.constant 0 : i32
        %parallel_loop3A_1012 = tpu.memref_slice %arg8[%parallel_loop3A_1009, %parallel_loop3A_1010, %parallel_loop3A_1011] : memref<2x64x512xf32, #tpu.memory_space<vmem>> -> memref<1x64x512xf32, #tpu.memory_space<vmem>>
        %parallel_loop3A_1013 = tpu.memref_squeeze %parallel_loop3A_1012 : memref<1x64x512xf32, #tpu.memory_space<vmem>> -> memref<64x512xf32, #tpu.memory_space<vmem>>
        %parallel_loop3A_1014 = arith.constant 0 : i32
        %parallel_loop3A_1015 = tpu.memref_slice %parallel_loop3A_1013[%parallel_loop3A_481, %parallel_loop3A_1014] : memref<64x512xf32, #tpu.memory_space<vmem>> -> memref<1x512xf32, #tpu.memory_space<vmem>>
        %parallel_loop3A_1016 = tpu.memref_squeeze %parallel_loop3A_1015 : memref<1x512xf32, #tpu.memory_space<vmem>> -> memref<512xf32, #tpu.memory_space<vmem>>
        %parallel_loop3A_1017 = arith.constant 480 : index
        %parallel_loop3A_1018 = tpu.vector_load %parallel_loop3A_1016[%parallel_loop3A_1017] {strides = array<i32>} : memref<512xf32, #tpu.memory_space<vmem>>, vector<16xf32>,
        %parallel_loop3A_1019 = vector.shape_cast %parallel_loop3A_1018 : vector<16xf32> to vector<16xf32>
        %parallel_loop3A_1020 = vector.shape_cast %parallel_loop3A_1008 : vector<16xf32> to vector<16xf32>
        tpu.vector_store %parallel_loop3A_1016[%parallel_loop3A_1017], %parallel_loop3A_1020 {strides = array<i32>} : memref<512xf32, #tpu.memory_space<vmem>>, vector<16xf32>,
        %parallel_loop3A_1021 = arith.constant 496 : index
        %parallel_loop3A_1022 = tpu.vector_load %arg7[%parallel_loop3A_1021] {strides = array<i32>} : memref<512xf32, #tpu.memory_space<vmem>>, vector<16xf32>,
        %parallel_loop3A_1023 = vector.shape_cast %parallel_loop3A_1022 : vector<16xf32> to vector<16xf32>
        %parallel_loop3A_1024 = arith.mulf %parallel_loop3A_493, %parallel_loop3A_1023 : vector<16xf32>
        %parallel_loop3A_1025 = arith.addf %parallel_loop3A_487, %parallel_loop3A_1024 : vector<16xf32>
        %parallel_loop3A_1026 = arith.constant 1 : i32
        %parallel_loop3A_1027 = arith.constant 0 : i32
        %parallel_loop3A_1028 = arith.constant 0 : i32
        %parallel_loop3A_1029 = tpu.memref_slice %arg8[%parallel_loop3A_1026, %parallel_loop3A_1027, %parallel_loop3A_1028] : memref<2x64x512xf32, #tpu.memory_space<vmem>> -> memref<1x64x512xf32, #tpu.memory_space<vmem>>
        %parallel_loop3A_1030 = tpu.memref_squeeze %parallel_loop3A_1029 : memref<1x64x512xf32, #tpu.memory_space<vmem>> -> memref<64x512xf32, #tpu.memory_space<vmem>>
        %parallel_loop3A_1031 = arith.constant 0 : i32
        %parallel_loop3A_1032 = tpu.memref_slice %parallel_loop3A_1030[%parallel_loop3A_481, %parallel_loop3A_1031] : memref<64x512xf32, #tpu.memory_space<vmem>> -> memref<1x512xf32, #tpu.memory_space<vmem>>
        %parallel_loop3A_1033 = tpu.memref_squeeze %parallel_loop3A_1032 : memref<1x512xf32, #tpu.memory_space<vmem>> -> memref<512xf32, #tpu.memory_space<vmem>>
        %parallel_loop3A_1034 = arith.constant 496 : index
        %parallel_loop3A_1035 = tpu.vector_load %parallel_loop3A_1033[%parallel_loop3A_1034] {strides = array<i32>} : memref<512xf32, #tpu.memory_space<vmem>>, vector<16xf32>,
        %parallel_loop3A_1036 = vector.shape_cast %parallel_loop3A_1035 : vector<16xf32> to vector<16xf32>
        %parallel_loop3A_1037 = vector.shape_cast %parallel_loop3A_1025 : vector<16xf32> to vector<16xf32>
        tpu.vector_store %parallel_loop3A_1033[%parallel_loop3A_1034], %parallel_loop3A_1037 {strides = array<i32>} : memref<512xf32, #tpu.memory_space<vmem>>, vector<16xf32>,
      } {sc.loop_unroll_factor = 8 : i64, sc.parallel_access}
      %add3A_423 = arith.addi %mul3A_2, %add3A_352 : i32
      %jit3A_424 = arith.constant 8 : i32
      %div3A_425 = arith.divsi %add3A_423, %jit3A_424 : i32
      %sign3A_426 = arith.constant 0 : i32
      %sign3A_427 = arith.cmpi sgt, %add3A_423, %sign3A_426 : i32
      %sign3A_428 = arith.extui %sign3A_427 : i1 to i32
      %sign3A_429 = arith.constant 0 : i32
      %sign3A_430 = arith.cmpi slt, %add3A_423, %sign3A_429 : i32
      %sign3A_431 = arith.extui %sign3A_430 : i1 to i32
      %sign3A_432 = arith.subi %sign3A_428, %sign3A_431 : i32
      %sign3A_433 = arith.constant 0 : i32
      %sign3A_434 = arith.cmpi sgt, %jit3A_424, %sign3A_433 : i32
      %sign3A_435 = arith.extui %sign3A_434 : i1 to i32
      %sign3A_436 = arith.constant 0 : i32
      %sign3A_437 = arith.cmpi slt, %jit3A_424, %sign3A_436 : i32
      %sign3A_438 = arith.extui %sign3A_437 : i1 to i32
      %sign3A_439 = arith.subi %sign3A_435, %sign3A_438 : i32
      %ne3A_440 = arith.cmpi ne, %sign3A_432, %sign3A_439 : i32
      %rem3A_441 = arith.remsi %add3A_423, %jit3A_424 : i32
      %ne3A_442 = arith.constant 0 : i32
      %ne3A_443 = arith.cmpi ne, %rem3A_441, %ne3A_442 : i32
      %and3A_444 = arith.andi %ne3A_440, %ne3A_443 : i1
      %sub3A_445 = arith.constant 1 : i32
      %sub3A_446 = arith.subi %div3A_425, %sub3A_445 : i32
      %select_n3A_447 = arith.select %and3A_444, %sub3A_446, %div3A_425 : i32
      %jit3A_448 = arith.constant 8 : i32
      %eq3A_449 = arith.constant 0 : i32
      %eq3A_450 = arith.cmpi eq, %jit3A_448, %eq3A_449 : i32
      %jit3A_451 = arith.constant 1 : i32
      %select_n3A_452 = arith.select %eq3A_450, %jit3A_451, %jit3A_448 : i32
      %rem3A_453 = arith.remsi %add3A_423, %select_n3A_452 : i32
      %ne3A_454 = arith.constant 0 : i32
      %ne3A_455 = arith.cmpi ne, %rem3A_453, %ne3A_454 : i32
      %lt3A_456 = arith.constant 0 : i32
      %lt3A_457 = arith.cmpi slt, %rem3A_453, %lt3A_456 : i32
      %lt3A_458 = arith.constant 0 : i32
      %lt3A_459 = arith.cmpi slt, %select_n3A_452, %lt3A_458 : i32
      %ne3A_460 = arith.xori %lt3A_457, %lt3A_459 : i1
      %and3A_461 = arith.andi %ne3A_460, %ne3A_455 : i1
      %add3A_462 = arith.addi %rem3A_453, %select_n3A_452 : i32
      %select_n3A_463 = arith.select %and3A_461, %add3A_462, %rem3A_453 : i32
      %mul3A_464 = arith.constant 512 : i32
      %mul3A_465 = arith.muli %select_n3A_463, %mul3A_464 : i32
      %dma_start3A_466 = arith.constant 1 : i32
      %dma_start3A_467 = arith.constant 0 : i32
      %dma_start3A_468 = arith.constant 0 : i32
      %dma_start3A_469 = tpu.memref_slice %arg8[%dma_start3A_466, %dma_start3A_467, %dma_start3A_468] : memref<2x64x512xf32, #tpu.memory_space<vmem>> -> memref<1x64x512xf32, #tpu.memory_space<vmem>>
      %dma_start3A_470 = tpu.memref_squeeze %dma_start3A_469 : memref<1x64x512xf32, #tpu.memory_space<vmem>> -> memref<64x512xf32, #tpu.memory_space<vmem>>
      %dma_start3A_471 = arith.constant 0 : i32
      %dma_start3A_472 = tpu.memref_slice %arg5[%select_n3A_447, %dma_start3A_471, %mul3A_465] : memref<200x64x4096xf32, #tpu.memory_space<hbm>> -> memref<1x64x512xf32, #tpu.memory_space<hbm>>
      %dma_start3A_473 = tpu.memref_squeeze %dma_start3A_472 : memref<1x64x512xf32, #tpu.memory_space<hbm>> -> memref<64x512xf32, #tpu.memory_space<hbm>>
      %dma_start3A_474 = arith.constant 0 : i32
      %dma_start3A_475 = tpu.memref_slice %arg5[%select_n3A_447, %dma_start3A_474, %mul3A_465] : memref<200x64x4096xf32, #tpu.memory_space<hbm>> -> memref<1x64x512xf32, #tpu.memory_space<hbm>>
      %dma_start3A_476 = tpu.memref_squeeze %dma_start3A_475 : memref<1x64x512xf32, #tpu.memory_space<hbm>> -> memref<64x512xf32, #tpu.memory_space<hbm>>
      %dma_start3A_477 = arith.constant 0 : i32
      %dma_start3A_478 = arith.constant 0 : i32
      %dma_start3A_479 = tpu.memref_slice %arg8[%dma_start3A_466, %dma_start3A_477, %dma_start3A_478] : memref<2x64x512xf32, #tpu.memory_space<vmem>> -> memref<1x64x512xf32, #tpu.memory_space<vmem>>
      %dma_start3A_480 = tpu.memref_squeeze %dma_start3A_479 : memref<1x64x512xf32, #tpu.memory_space<vmem>> -> memref<64x512xf32, #tpu.memory_space<vmem>>
      tpu.enqueue_dma source(%dma_start3A_480 : memref<64x512xf32, #tpu.memory_space<vmem>>) target(%dma_start3A_476 : memref<64x512xf32, #tpu.memory_space<hbm>>) target_semaphore(%arg12 : memref<!tpu.dma_semaphore, #tpu.memory_space<semaphore_mem>>)
    }
    %scan3A_51 = arith.constant 25 : i32
    %add3A_52 = arith.constant 48 : i32
    %add3A_53 = arith.addi %mul3A_2, %add3A_52 : i32
    %jit3A_54 = arith.constant 8 : i32
    %div3A_55 = arith.divsi %add3A_53, %jit3A_54 : i32
    %sign3A_56 = arith.constant 0 : i32
    %sign3A_57 = arith.cmpi sgt, %add3A_53, %sign3A_56 : i32
    %sign3A_58 = arith.extui %sign3A_57 : i1 to i32
    %sign3A_59 = arith.constant 0 : i32
    %sign3A_60 = arith.cmpi slt, %add3A_53, %sign3A_59 : i32
    %sign3A_61 = arith.extui %sign3A_60 : i1 to i32
    %sign3A_62 = arith.subi %sign3A_58, %sign3A_61 : i32
    %sign3A_63 = arith.constant 0 : i32
    %sign3A_64 = arith.cmpi sgt, %jit3A_54, %sign3A_63 : i32
    %sign3A_65 = arith.extui %sign3A_64 : i1 to i32
    %sign3A_66 = arith.constant 0 : i32
    %sign3A_67 = arith.cmpi slt, %jit3A_54, %sign3A_66 : i32
    %sign3A_68 = arith.extui %sign3A_67 : i1 to i32
    %sign3A_69 = arith.subi %sign3A_65, %sign3A_68 : i32
    %ne3A_70 = arith.cmpi ne, %sign3A_62, %sign3A_69 : i32
    %rem3A_71 = arith.remsi %add3A_53, %jit3A_54 : i32
    %ne3A_72 = arith.constant 0 : i32
    %ne3A_73 = arith.cmpi ne, %rem3A_71, %ne3A_72 : i32
    %and3A_74 = arith.andi %ne3A_70, %ne3A_73 : i1
    %sub3A_75 = arith.constant 1 : i32
    %sub3A_76 = arith.subi %div3A_55, %sub3A_75 : i32
    %select_n3A_77 = arith.select %and3A_74, %sub3A_76, %div3A_55 : i32
    %jit3A_78 = arith.constant 8 : i32
    %eq3A_79 = arith.constant 0 : i32
    %eq3A_80 = arith.cmpi eq, %jit3A_78, %eq3A_79 : i32
    %jit3A_81 = arith.constant 1 : i32
    %select_n3A_82 = arith.select %eq3A_80, %jit3A_81, %jit3A_78 : i32
    %rem3A_83 = arith.remsi %add3A_53, %select_n3A_82 : i32
    %ne3A_84 = arith.constant 0 : i32
    %ne3A_85 = arith.cmpi ne, %rem3A_83, %ne3A_84 : i32
    %lt3A_86 = arith.constant 0 : i32
    %lt3A_87 = arith.cmpi slt, %rem3A_83, %lt3A_86 : i32
    %lt3A_88 = arith.constant 0 : i32
    %lt3A_89 = arith.cmpi slt, %select_n3A_82, %lt3A_88 : i32
    %ne3A_90 = arith.xori %lt3A_87, %lt3A_89 : i1
    %and3A_91 = arith.andi %ne3A_90, %ne3A_85 : i1
    %add3A_92 = arith.addi %rem3A_83, %select_n3A_82 : i32
    %select_n3A_93 = arith.select %and3A_91, %add3A_92, %rem3A_83 : i32
    %mul3A_94 = arith.constant 512 : i32
    %mul3A_95 = arith.muli %select_n3A_93, %mul3A_94 : i32
    %dma_wait3A = arith.constant 0 : i32
    %dma_wait3A_96 = arith.constant 0 : i32
    %dma_wait3A_97 = arith.constant 0 : i32
    %dma_wait3A_98 = tpu.memref_slice %arg8[%dma_wait3A, %dma_wait3A_96, %dma_wait3A_97] : memref<2x64x512xf32, #tpu.memory_space<vmem>> -> memref<1x64x512xf32, #tpu.memory_space<vmem>>
    %dma_wait3A_99 = tpu.memref_squeeze %dma_wait3A_98 : memref<1x64x512xf32, #tpu.memory_space<vmem>> -> memref<64x512xf32, #tpu.memory_space<vmem>>
    %dma_wait3A_100 = arith.constant 0 : i32
    %dma_wait3A_101 = tpu.memref_slice %arg5[%select_n3A_77, %dma_wait3A_100, %mul3A_95] : memref<200x64x4096xf32, #tpu.memory_space<hbm>> -> memref<1x64x512xf32, #tpu.memory_space<hbm>>
    %dma_wait3A_102 = tpu.memref_squeeze %dma_wait3A_101 : memref<1x64x512xf32, #tpu.memory_space<hbm>> -> memref<64x512xf32, #tpu.memory_space<hbm>>
    %dma_wait3A_103 = arith.constant 0 : i32
    %dma_wait3A_104 = tpu.memref_slice %arg5[%select_n3A_77, %dma_wait3A_103, %mul3A_95] : memref<200x64x4096xf32, #tpu.memory_space<hbm>> -> memref<1x64x512xf32, #tpu.memory_space<hbm>>
    %dma_wait3A_105 = tpu.memref_squeeze %dma_wait3A_104 : memref<1x64x512xf32, #tpu.memory_space<hbm>> -> memref<64x512xf32, #tpu.memory_space<hbm>>
    %dma_wait3A_106 = arith.constant 0 : i32
    %dma_wait3A_107 = arith.constant 0 : i32
    %dma_wait3A_108 = tpu.memref_slice %arg8[%dma_wait3A, %dma_wait3A_106, %dma_wait3A_107] : memref<2x64x512xf32, #tpu.memory_space<vmem>> -> memref<1x64x512xf32, #tpu.memory_space<vmem>>
    %dma_wait3A_109 = tpu.memref_squeeze %dma_wait3A_108 : memref<1x64x512xf32, #tpu.memory_space<vmem>> -> memref<64x512xf32, #tpu.memory_space<vmem>>
    tpu.wait_dma2 semaphore(%arg12 : memref<!tpu.dma_semaphore, #tpu.memory_space<semaphore_mem>>) src(%dma_wait3A_109 : memref<64x512xf32, #tpu.memory_space<vmem>>) dst(%dma_wait3A_105 : memref<64x512xf32, #tpu.memory_space<hbm>>)
    %add3A_110 = arith.constant 49 : i32
    %add3A_111 = arith.addi %mul3A_2, %add3A_110 : i32
    %jit3A_112 = arith.constant 8 : i32
    %div3A_113 = arith.divsi %add3A_111, %jit3A_112 : i32
    %sign3A_114 = arith.constant 0 : i32
    %sign3A_115 = arith.cmpi sgt, %add3A_111, %sign3A_114 : i32
    %sign3A_116 = arith.extui %sign3A_115 : i1 to i32
    %sign3A_117 = arith.constant 0 : i32
    %sign3A_118 = arith.cmpi slt, %add3A_111, %sign3A_117 : i32
    %sign3A_119 = arith.extui %sign3A_118 : i1 to i32
    %sign3A_120 = arith.subi %sign3A_116, %sign3A_119 : i32
    %sign3A_121 = arith.constant 0 : i32
    %sign3A_122 = arith.cmpi sgt, %jit3A_112, %sign3A_121 : i32
    %sign3A_123 = arith.extui %sign3A_122 : i1 to i32
    %sign3A_124 = arith.constant 0 : i32
    %sign3A_125 = arith.cmpi slt, %jit3A_112, %sign3A_124 : i32
    %sign3A_126 = arith.extui %sign3A_125 : i1 to i32
    %sign3A_127 = arith.subi %sign3A_123, %sign3A_126 : i32
    %ne3A_128 = arith.cmpi ne, %sign3A_120, %sign3A_127 : i32
    %rem3A_129 = arith.remsi %add3A_111, %jit3A_112 : i32
    %ne3A_130 = arith.constant 0 : i32
    %ne3A_131 = arith.cmpi ne, %rem3A_129, %ne3A_130 : i32
    %and3A_132 = arith.andi %ne3A_128, %ne3A_131 : i1
    %sub3A_133 = arith.constant 1 : i32
    %sub3A_134 = arith.subi %div3A_113, %sub3A_133 : i32
    %select_n3A_135 = arith.select %and3A_132, %sub3A_134, %div3A_113 : i32
    %jit3A_136 = arith.constant 8 : i32
    %eq3A_137 = arith.constant 0 : i32
    %eq3A_138 = arith.cmpi eq, %jit3A_136, %eq3A_137 : i32
    %jit3A_139 = arith.constant 1 : i32
    %select_n3A_140 = arith.select %eq3A_138, %jit3A_139, %jit3A_136 : i32
    %rem3A_141 = arith.remsi %add3A_111, %select_n3A_140 : i32
    %ne3A_142 = arith.constant 0 : i32
    %ne3A_143 = arith.cmpi ne, %rem3A_141, %ne3A_142 : i32
    %lt3A_144 = arith.constant 0 : i32
    %lt3A_145 = arith.cmpi slt, %rem3A_141, %lt3A_144 : i32
    %lt3A_146 = arith.constant 0 : i32
    %lt3A_147 = arith.cmpi slt, %select_n3A_140, %lt3A_146 : i32
    %ne3A_148 = arith.xori %lt3A_145, %lt3A_147 : i1
    %and3A_149 = arith.andi %ne3A_148, %ne3A_143 : i1
    %add3A_150 = arith.addi %rem3A_141, %select_n3A_140 : i32
    %select_n3A_151 = arith.select %and3A_149, %add3A_150, %rem3A_141 : i32
    %mul3A_152 = arith.constant 512 : i32
    %mul3A_153 = arith.muli %select_n3A_151, %mul3A_152 : i32
    %dma_wait3A_154 = arith.constant 1 : i32
    %dma_wait3A_155 = arith.constant 0 : i32
    %dma_wait3A_156 = arith.constant 0 : i32
    %dma_wait3A_157 = tpu.memref_slice %arg8[%dma_wait3A_154, %dma_wait3A_155, %dma_wait3A_156] : memref<2x64x512xf32, #tpu.memory_space<vmem>> -> memref<1x64x512xf32, #tpu.memory_space<vmem>>
    %dma_wait3A_158 = tpu.memref_squeeze %dma_wait3A_157 : memref<1x64x512xf32, #tpu.memory_space<vmem>> -> memref<64x512xf32, #tpu.memory_space<vmem>>
    %dma_wait3A_159 = arith.constant 0 : i32
    %dma_wait3A_160 = tpu.memref_slice %arg5[%select_n3A_135, %dma_wait3A_159, %mul3A_153] : memref<200x64x4096xf32, #tpu.memory_space<hbm>> -> memref<1x64x512xf32, #tpu.memory_space<hbm>>
    %dma_wait3A_161 = tpu.memref_squeeze %dma_wait3A_160 : memref<1x64x512xf32, #tpu.memory_space<hbm>> -> memref<64x512xf32, #tpu.memory_space<hbm>>
    %dma_wait3A_162 = arith.constant 0 : i32
    %dma_wait3A_163 = tpu.memref_slice %arg5[%select_n3A_135, %dma_wait3A_162, %mul3A_153] : memref<200x64x4096xf32, #tpu.memory_space<hbm>> -> memref<1x64x512xf32, #tpu.memory_space<hbm>>
    %dma_wait3A_164 = tpu.memref_squeeze %dma_wait3A_163 : memref<1x64x512xf32, #tpu.memory_space<hbm>> -> memref<64x512xf32, #tpu.memory_space<hbm>>
    %dma_wait3A_165 = arith.constant 0 : i32
    %dma_wait3A_166 = arith.constant 0 : i32
    %dma_wait3A_167 = tpu.memref_slice %arg8[%dma_wait3A_154, %dma_wait3A_165, %dma_wait3A_166] : memref<2x64x512xf32, #tpu.memory_space<vmem>> -> memref<1x64x512xf32, #tpu.memory_space<vmem>>
    %dma_wait3A_168 = tpu.memref_squeeze %dma_wait3A_167 : memref<1x64x512xf32, #tpu.memory_space<vmem>> -> memref<64x512xf32, #tpu.memory_space<vmem>>
    tpu.wait_dma2 semaphore(%arg12 : memref<!tpu.dma_semaphore, #tpu.memory_space<semaphore_mem>>) src(%dma_wait3A_168 : memref<64x512xf32, #tpu.memory_space<vmem>>) dst(%dma_wait3A_164 : memref<64x512xf32, #tpu.memory_space<hbm>>)
    return
  }
}

</mosaic_0001>

<sc_bundles>
// kernel: kernel.3.cloned.1.call-start
scs
__scs_entry_jumppad:
0x0: {  	(pc) =	sbr.rel $0x88, $3  }
0x1: {  	(tag) =	ssettag $0x0;
	lr =	simm.s32 $0x1  }
0x2: {  	[smem:$0x3F9F] =	sst lr;
	_ =	strace $0xD0000000  }
0x3: {  	_ = 	snop  }
0x4: {  	_ = 	snop  }
0x5: {  	_ = 	snop  }
0x6: {  	_ = 	snop  }
0x7: {  	_ = 	snop  }
__scs_overlays_trampoline_lowered:
0x8: {  	[smem:$0x3FAE] =	sst s0  }
0x9: {  	[smem:$0x3FAF] =	sst s1  }
0xa: {  	[smem:$0x3FB0] =	sst s2  }
0xb: {  	[smem:$0x3FB1] =	sst s3  }
0xc: {  	[smem:$0x3FB2] =	sst s4  }
0xd: {  	[smem:$0x3FB3] =	sst s5  }
0xe: {  	[smem:$0x3FB4] =	sst s6  }
0xf: {  	[smem:$0x3FB5] =	sst s7  }
0x10: {  	[smem:$0x3FB6] =	sst s8  }
0x11: {  	[smem:$0x3FB7] =	sst s9;
	s0 =	simm.s32 @!p0 $0x0  }
0x12: {  	s1 =	sld [smem:$0x3F9D];
	s0 =	simm.s32 @p0 $0x1  }
0x13: {  	[smem:$0x3FB8] =	sst s0;
	s0 =	simm.s32 @!p1 $0x0  }
0x14: {  	s2 =	sld [smem:$0x3F9C];
	s0 =	simm.s32 @p1 $0x1  }
0x15: {  	[smem:$0x3FB9] =	sst s0;
	s0 =	simm.s32 @!p2 $0x0  }
0x16: {  	s3 =	sld [smem:$0x3FDB];
	s0 =	simm.s32 @p2 $0x1  }
0x17: {  	s4 =	simm.s32 $0x1BF5;
	[smem:$0x3FBB] =	sst s0  }
0x18: {  	s0 =	sld [smem:$0x3F9E];
	_ =	swait.ge [sflag:s4], $0x0  }
0x19: {  	s7 =	sld [smem:$0x3F9F]  }
0x1a: {  	s8 =	sadd.s32 $0xFFFFE003, lr  }
0x1b: {  	s9 =	sadd.s32 $0xFFFFFEF7, lr;
	s5 =	simm.s32 $0xFFFFFFFF;
	p2 =	slt.u32 s8, $0xFFFFF086  }
0x1c: {  	p1 =	slt.u32 s9, $0xF7A;
	s5 =	simm.s32 @!p2 $0x0  }
0x1d: {  	s5 =	simm.s32 @p1 $0x1;
	p0 =	seq.s32 s7, s2  }
0x1e: {  	s7 =	smul.u32 @!p0 $0xF7A, s2;
	p2 =	seq.s32 @!p0 s5, $0x0  }
0x1f: {  	s9 =	smul.u32 $0xF7A, s1;
	s8 =	simm.s32 @!p0 $0x1BF5;
	p2 =	por !p2, p0  }
0x20: {  	[sflag:s8] =	ssyncset.s32 @!p0 $0xFFFFF086;
	s6 =	sadd.s32 @!p0 s3, s7;
	s7 =	simm.s32 @!p0 $0x108  }
0x21: {  	s3 =	sadd.s32 s3, s9;
	s6 =	sadd.s32 @!p0 $0x88, s6;
	s7 =	simm.s32 @p2 $0x1082  }
0x22: {  	[simem:s7], [sflag:s8] =	dma.local @!p0 [hbm:s6], $0xF7A  }
0x23: {  	s9 =	sor.u32 $0xD0000000, s2;
	s6 =	simm.s32 $0x108;
	_ =	swait.ge @!p0 [sflag:s8], $0x0  }
0x24: {  	s3 =	sadd.s32 $0x88, s3;
	s6 =	simm.s32 @!p1 $0x1082;
	[sflag:s4] =	ssyncset.s32 $0xFFFFF086  }
0x25: {  	[simem:s6], [sflag:s4] =	dma.local [hbm:s3], $0xF7A  }
0x26: {  	[smem:$0x3F9F] =	sst s1;
	(tag) =	ssettag s2;
	_ =	strace s9  }
0x27: {  	s1 =	sld [smem:$0x3FAF]  }
0x28: {  	s2 =	sld [smem:$0x3FB0]  }
0x29: {  	s4 =	sld [smem:$0x3FB2]  }
0x2a: {  	p0 =	seq.s32 s5, $0x0;
	s5 =	sld [smem:$0x3FB3]  }
0x2b: {  	s6 =	sld [smem:$0x3FB4]  }
0x2c: {  	s7 =	sld [smem:$0x3FB5]  }
0x2d: {  	s3 =	simm.s32 $0x108;
	s8 =	sld [smem:$0x3FB6]  }
0x2e: {  	s3 =	simm.s32 @!p0 $0x1082;
	s9 =	sld [smem:$0x3FB7]  }
0x2f: {  	lr =	sadd.s32 s0, s3;
	s0 =	sld [smem:$0x3FAE]  }
0x30: {  	s3 =	sld [smem:$0x3FB1]  }
0x31: {  	[smem:$0x3FBA] =	sst s10  }
0x32: {  	s10 =	sld [smem:$0x3FB8];
	_ =	sdelay $0x3  }
0x33: {  	p0 =	seq.s32 s10, $0x1;
	s10 =	sld [smem:$0x3FBA];
	_ =	sdelay $0x3  }
0x34: {  	[smem:$0x3FBA] =	sst s10  }
0x35: {  	s10 =	sld [smem:$0x3FB9];
	_ =	sdelay $0x3  }
0x36: {  	p1 =	seq.s32 s10, $0x1;
	s10 =	sld [smem:$0x3FBA];
	_ =	sdelay $0x3  }
0x37: {  	[smem:$0x3FBA] =	sst s10  }
0x38: {  	s10 =	sld [smem:$0x3FBB]  }
0x39: {  	_ = 	snop;
	(pc) =	sbr.ind lr, $3  }
0x3a: {  	_ = 	snop  }
0x3b: {  	_ = 	snop  }
0x3c: {  	p2 =	seq.s32 s10, $0x1;
	s10 =	sld [smem:$0x3FBA]  }
0x3d: {  	_ =	shalt  }
0x3e: {  	_ =	shalt  }
0x3f: {  	_ =	shalt  }
0x40: {  	_ =	shalt  }
0x41: {  	_ =	shalt  }
0x42: {  	_ =	shalt  }
0x43: {  	_ =	shalt  }
0x44: {  	_ =	shalt  }
0x45: {  	_ =	shalt  }
0x46: {  	_ =	shalt  }
0x47: {  	_ =	shalt  }
0x48: {  	_ =	shalt  }
0x49: {  	_ =	shalt  }
0x4a: {  	_ =	shalt  }
0x4b: {  	_ =	shalt  }
0x4c: {  	_ =	shalt  }
0x4d: {  	_ =	shalt  }
0x4e: {  	_ =	shalt  }
0x4f: {  	_ =	shalt  }
0x50: {  	_ =	shalt  }
0x51: {  	_ =	shalt  }
0x52: {  	_ =	shalt  }
0x53: {  	_ =	shalt  }
0x54: {  	_ =	shalt  }
0x55: {  	_ =	shalt  }
0x56: {  	_ =	shalt  }
0x57: {  	_ =	shalt  }
0x58: {  	_ =	shalt  }
0x59: {  	_ =	shalt  }
0x5a: {  	_ =	shalt  }
0x5b: {  	_ =	shalt  }
0x5c: {  	_ =	shalt  }
0x5d: {  	_ =	shalt  }
0x5e: {  	_ =	shalt  }
0x5f: {  	_ =	shalt  }
0x60: {  	_ =	shalt  }
0x61: {  	_ =	shalt  }
0x62: {  	_ =	shalt  }
0x63: {  	_ =	shalt  }
0x64: {  	_ =	shalt  }
0x65: {  	_ =	shalt  }
0x66: {  	_ =	shalt  }
0x67: {  	_ =	shalt  }
0x68: {  	_ =	shalt  }
0x69: {  	_ =	shalt  }
0x6a: {  	_ =	shalt  }
0x6b: {  	_ =	shalt  }
0x6c: {  	_ =	shalt  }
0x6d: {  	_ =	shalt  }
0x6e: {  	_ =	shalt  }
0x6f: {  	_ =	shalt  }
0x70: {  	_ =	shalt  }
0x71: {  	_ =	shalt  }
0x72: {  	_ =	shalt  }
0x73: {  	_ =	shalt  }
0x74: {  	_ =	shalt  }
0x75: {  	_ =	shalt  }
0x76: {  	_ =	shalt  }
0x77: {  	_ =	shalt  }
0x78: {  	_ =	shalt  }
0x79: {  	_ =	shalt  }
0x7a: {  	_ =	shalt  }
0x7b: {  	_ =	shalt  }
0x7c: {  	_ =	shalt  }
0x7d: {  	_ =	shalt  }
0x7e: {  	_ =	shalt  }
0x7f: {  	_ =	shalt  }
0x80: {  	_ =	shalt  }
0x81: {  	_ =	shalt  }
0x82: {  	_ =	shalt  }
0x83: {  	_ =	shalt  }
0x84: {  	_ =	shalt  }
0x85: {  	_ =	shalt  }
0x86: {  	_ =	shalt  }
0x87: {  	_ =	shalt  }
.Lfunc_end0:
.L_simem_size_0:
called_computation_lowered:
.L_overlay_start_0:
0x88: {  	s2 =	sld [smem:$0x3FD9]  }
0x89: {  	s3 =	sld [smem:$0x3FFE];
	_ =	sdelay $0x1  }
0x8a: {  	s1 =	srdreg.scid  }
0x8b: {  	s0 =	sand.u32 $0x1, s1  }
0x8c: {  	s17 =	sshll.u32 s0, $0xA;
	s2 =	sadd.s32 s3, s2  }
0x8d: {  	s2 =	sadd.s32 s2, s17  }
0x8e: {  	[smem:$0x3FC6] =	sst s2  }
0x8f: {  	_ = 	snop  }
0x90: {  	s2 =	sld [smem:$0x3FC9]  }
0x91: {  	s18 =	sld [smem:$0x3FD0];
	(tm) =	ssettm $0x1  }
0x92: {  	s4 =	sld [smem:$0x3FFB];
	_ =	sdelay $0x3  }
0x93: {  	_ =	strace s4  }
0x94: {  	s4 =	sld [smem:$0x3FFC];
	_ =	sdelay $0x3  }
0x95: {  	_ =	strace s4  }
0x96: {  	s4 =	sld [smem:$0x3FFD];
	_ =	sdelay $0x3  }
0x97: {  	_ =	strace s4  }
0x98: {  	_ =	strace $0x8FFFFFFF  }
0x99: {  	s19 =	sld [smem:$0x3FDB];
	_ =	sdelay $0x1  }
0x9a: {  	s5 =	simm.s32 $_scs_section_size  }
0x9b: {  	s6 =	simm.s32 $_size__tile_overlayer_lowered;
	s7 =	simm.s32 $_tile_overlayer_lowered  }
0x9c: {  	s22 =	simm.s32 $0x1BFF;
	s21 =	sshll.u32 s7, $0x1;
	s4 =	sadd.s32 s5, s19  }
0x9d: {  	s8 =	simm.s32 $0x0;
	s20 =	sshll.u32 s6, $0x1;
	s6 =	sadd.s32 s21, s4  }
0x9e: {  	[timem:s8], [sflag:s22] =	dma.local [hbm:s6], s20  }
0x9f: {  	_ =	swait.ge [sflag:s22], s20  }
0xa0: {  	s5 =	ssub.s32 $0x0, s20;
	[sflag:s22] =	ssyncset.done $0x0  }
0xa1: {  	[sflag:s22] =	ssyncadd.s32 s5;
	_ =	sdelay $0x1  }
0xa2: {  	s23 =	simm.s32 $0x1B8B  }
0xa3: {  	_ =	swait.ge [sflag:s23], $0x1  }
0xa4: {  	[sflag:s23] =	ssyncset.done $0x0  }
0xa5: {  	s25 =	simm.s32 $0x1B8E;
	s24 =	sld [smem:$0x3FFE];
	[sflag:s23] =	ssyncadd.s32 $0xFFFFFFFF  }
0xa6: {  	s26 =	simm.s32 $execute0_lowered;
	[smem:$0x3FD2] =	sst s25  }
0xa7: {  	s6 =	sshll.u32 s26, $0x1;
	_ =	strace $0x80000046;
	[dreg:$0x1] =	wrdreg $0xFFFFFFFF  }
0xa8: {  	s28 =	simm.s32 $_size_execute0_lowered;
	s4 =	sadd.s32 s4, s6;
	[dreg:$0x0] =	wrdreg $0x0  }
0xa9: {  	s6 =	sshll.u32 s28, $0x1;
	[dreg:$0x2] =	wrdreg s4  }
0xaa: {  	[dreg:$0x3] =	wrdreg s6  }
0xab: {  	[dreg:$0x4] =	wrdreg $0xC0  }
0xac: {  	_ =	task [dreg:s8], $0x5FFFF  }
0xad: {  	[dreg:$0x1] =	wrdreg $0xFFFFFFFF  }
0xae: {  	[dreg:$0x0] =	wrdreg $0x60  }
0xaf: {  	[dreg:$0x2] =	wrdreg s2  }
0xb0: {  	[dreg:$0x3] =	wrdreg s24  }
0xb1: {  	[dreg:$0x4] =	wrdreg s18  }
0xb2: {  	[dreg:$0x5] =	wrdreg $0x9  }
0xb3: {  	_ =	task.clear_ibuf [dreg:s8], $0x6FFFF;
	_ =	strace $0x90000046  }
0xb4: {  	s29 =	simm.s32 $0x9;
	_ =	strace $0x80000048  }
0xb5: {  	_ =	swait.ge [sflag:s29], $0x1  }
0xb6: {  	[sflag:s29] =	ssyncadd.s32 $0xFFFFFFFF  }
0xb7: {  	_ =	strace $0x90000048  }
0xb8: {  	_ =	sfence  }
0xb9: {  	s30 =	sld [smem:$0x0];
	_ =	sdelay $0x2  }
0xba: {  	s31 =	sshll.u32 s1, $0xD;
	s1 =	sshrl.u32 s1, $0x2  }
0xbb: {  	s3 =	sand.u32 $0x4000, s31;
	s1 =	sadd.s32 s1, s30  }
0xbc: {  	s0 =	sor.u32 s3, s0;
	s1 =	sshll.u32 s1, $0x11  }
0xbd: {  	s0 =	sor.u32 s1, s0  }
0xbe: {  	s0 =	sadd.s32 $0x8F2B, s0  }
0xbf: {  	[sflag:s0] =	ssyncadd.remote.s32 $0x1  }
0xc0: {  	_ =	sfence.sel $0xFFFF  }
0xc1: {  	[dreg:$0x0] =	wrdreg $0xFFFFFFFF;
	(pc) =	sbr.abs _section_cstart, $3  }
0xc2: {  	[dreg:$0x1] =	wrdreg $0xFFFFFFFF  }
0xc3: {  	_ =	task.clear_ibuf [dreg:s8], $0x2FFFF;
	_ =	strace $0x9FFFFFFF  }
0xc4: {  	(tm) =	ssettm $0x7FFFFFFF  }
0xc5: {  	_ =	shalt  }
tec
execute0_lowered:
.L_overlay_start_1:
0x0: {  	(tag) =	ssettag $0x1  }
0x1: {  	s1 =	rddreg [dreg:$0x0]  }
0x2: {  	s0 =	rddreg [dreg:$0x1]  }
0x3: {  	s3 =	rddreg [dreg:$0x2]  }
0x4: {  	s2 =	srdreg.scid;
	s5 =	stileid.u32;
	s4 =	simm.s32 $0x0  }
0x5: {  	s12 =	simm.s32 $0x3;
	s20 =	simm.s32 $0x1;
	s21 =	simm.s32 $0x80  }
0x6: {  	s22 =	simm.s32 $0x180;
	s28 =	simm.s32 $0x600;
	s29 =	simm.s32 $0x8600  }
0x7: {  	s30 =	simm.s32 $0x2;
	s31 =	simm.s32 $0x0;
	s2 =	sand.u32 $0x1, s2  }
0x8: {  	s5 =	sshll.u32 s5, $0x1;
	[smem:$0x7FF] =	sst s4;
	s7 =	sadd.s32 $0x400, s0  }
0x9: {  	s0 =	sadd.s32 $0x800, s0;
	_ =	strace $0x80000047;
	[dreg:$0x4] =	wrdreg s7  }
0xa: {  	s6 =	sor.u32 s2, s5;
	[dreg:$0x5] =	wrdreg s0;
	s23 =	ssub.s32 $0x2, s2  }
0xb: {  	s5 =	smul.u32 $0x32, s6;
	s6 =	sshll.u32 s6, $0xA;
	s8 =	sshrl.u32 s23, $0x1  }
0xc: {  	s6 =	sand.u32 $0xC00, s6;
	s0 =	ssub.s32 s23, s8;
	s23 =	simm.s32 $0x280  }
0xd: {  	s24 =	sshll.u32 s5, $0x6;
	s25 =	sshll.u32 s5, $0x1;
	s9 =	sadd.s32 $0x2, s5  }
0xe: {  	s10 =	smax.u32 s0, $0x1;
	s2 =	sand.u32 $0x1F000, s24;
	s7 =	sand.u32 $0x70, s25  }
0xf: {  	s24 =	simm.s32 $0x380;
	s2 =	sor.u32 s2, s6;
	s26 =	sadd.s32 s1, s7  }
0x10: {  	s25 =	simm.s32 $0x1000;
	s8 =	sadd.s32 s2, s26;
	s26 =	simm.s32 $0x8000  }
0x11: {  	s14 =	sadd.s32 $0x80, s8;
	s16 =	sadd.s32 $0x100, s8;
	s18 =	sadd.s32 $0x180, s8  }
.LBB2_1:
0x12: {  	s0 =	rddreg [dreg:$0x4];
	s2 =	simm.s32 $0x10600  }
0x13: {  	[tilespmem:s2], [sflag:$0x3] =	stream.linear.gather [hbm4b:s0+s4], $0x2000, $0x38;
	[tilespmem:$0x14600] =	vst v63  }
0x14: {  	_ =	swait.ge [sflag:s12], $0x2000  }
0x15: {  	[sflag:s12] =	ssyncset.done $0x0  }
0x16: {  	s13 =	simm.s32 $0x12600;
	s11 =	rddreg [dreg:$0x5];
	[sflag:s12] =	ssyncadd.s32 $0xFFFFE000  }
0x17: {  	[tilespmem:s13], [sflag:$0x3] =	stream.linear.gather [hbm4b:s11+s4], $0x2000, $0x38;
	[tilespmem:$0x14600] =	vst v63  }
0x18: {  	_ =	swait.ge [sflag:s12], $0x2000  }
0x19: {  	[sflag:s12] =	ssyncset.done $0x0  }
0x1a: {  	[sflag:s12] =	ssyncadd.s32 $0xFFFFE000  }
0x1b: {  	[tilespmem:s4], [sflag:$0x1] =	stream.linear.gather [hbm4b:s8+s4], $0x80, $0x38;
	[tilespmem:$0x14600] =	vst v63  }
0x1c: {  	s15 =	simm.s32 $0x100  }
0x1d: {  	[tilespmem:s15], [sflag:$0x1] =	stream.linear.gather [hbm4b:s14+s4], $0x80, $0x38;
	[tilespmem:$0x14600] =	vst v63  }
0x1e: {  	s17 =	simm.s32 $0x200  }
0x1f: {  	[tilespmem:s17], [sflag:$0x1] =	stream.linear.gather [hbm4b:s16+s4], $0x80, $0x38;
	[tilespmem:$0x14600] =	vst v63  }
0x20: {  	s19 =	simm.s32 $0x300;
	s0 =	simm.s32 $0x0  }
0x21: {  	[tilespmem:s19], [sflag:$0x1] =	stream.linear.gather [hbm4b:s18+s4], $0x80, $0x38;
	[tilespmem:$0x14600] =	vst v63  }
.LBB2_2:
0x22: {  	s13 =	sshll.u32 s0, $0x1  }
0x23: {  	s15 =	sadd.s32 s5, s13  }
0x24: {  	s7 =	sadd.s32 $0x1, s15  }
0x25: {  	s2 =	sshll.u32 s7, $0x9;
	s6 =	sshll.u32 s7, $0x4  }
0x26: {  	s11 =	sshll.u32 s7, $0xC;
	s17 =	sand.u32 $0x7FFF8000, s2;
	s6 =	sand.u32 $0x380, s6  }
0x27: {  	s2 =	sand.u32 $0x7000, s11;
	s6 =	sor.u32 s17, s6  }
0x28: {  	_ =	swait.ge [sflag:s20], $0x200;
	s6 =	sor.u32 s2, s6  }
0x29: {  	[sflag:s20] =	ssyncset.done $0x0;
	s6 =	sshrl.u32 s6, $0x3  }
0x2a: {  	[sflag:s20] =	ssyncadd.s32 $0xFFFFFE00;
	s6 =	sadd.s32 s1, s6  }
0x2b: {  	[tilespmem:s21], [sflag:$0x1] =	stream.linear.gather [hbm4b:s6+s4], $0x80, $0x38;
	[tilespmem:$0x14600] =	vst v63  }
0x2c: {  	s17 =	sadd.s32 $0x80, s6  }
0x2d: {  	[tilespmem:s22], [sflag:$0x1] =	stream.linear.gather [hbm4b:s17+s4], $0x80, $0x38;
	[tilespmem:$0x14600] =	vst v63  }
0x2e: {  	s19 =	sadd.s32 $0x100, s6  }
0x2f: {  	[tilespmem:s23], [sflag:$0x1] =	stream.linear.gather [hbm4b:s19+s4], $0x80, $0x38;
	[tilespmem:$0x14600] =	vst v63  }
0x30: {  	p0 =	seq.s32 s0, $0x0;
	s6 =	sadd.s32 $0x180, s6  }
0x31: {  	[tilespmem:s24], [sflag:$0x1] =	stream.linear.gather [hbm4b:s6+s4], $0x80, $0x38;
	[tilespmem:$0x14600] =	vst v63  }
0x32: {  	s6 =	simm.s32 @!p0 $0x2  }
0x33: {  	_ =	swait.ge @!p0 [sflag:s6], $0x8000  }
0x34: {  	[sflag:s6] =	ssyncset.done @!p0 $0x0  }
0x35: {  	s17 =	simm.s32 $0x40;
	[sflag:s6] =	ssyncadd.s32 @!p0 $0xFFFF8000  }
0x36: {  	v2 =	vld [tilespmem:s17+$0x30]  }
0x37: {  	v4 =	vld [tilespmem:s17+$0xFFFFFFD0]  }
0x38: {  	v6 =	vld [tilespmem:s17+$0xFFFFFFE0]  }
0x39: {  	v3 =	vld [tilespmem:s17+$0xFFFFFFF0]  }
0x3a: {  	v1 =	vld [tilespmem:s17+$0x0]  }
0x3b: {  	v0 =	vld [tilespmem:s17+$0x10];
	v7 =	vcvt.s32.f32 v2  }
0x3c: {  	s6 =	simm.s32 $0x440;
	v2 =	vld [tilespmem:s17+$0x20];
	v5 =	vcvt.s32.f32 v4  }
0x3d: {  	s11 =	sshrl.u32 s7, $0x3;
	s7 =	simm.s32 $0x140;
	s19 =	simm.s32 $0x0;
	v4 =	vld [tilespmem:s17+$0xFFFFFFC0];
	v6 =	vcvt.s32.f32 v6;
	[tilespmem:s6+$0x30] =	vst v7  }
.LBB2_3:
0x3e: {  	v7 =	vld [tilespmem:s7+$0x30];
	s19 =	sadd.s32 $0x8, s19;
	[tilespmem:s6+$0xFFFFFFD0] =	vst v5;
	v3 =	vcvt.s32.f32 v3  }
0x3f: {  	v5 =	vld [tilespmem:s7+$0xFFFFFFD0];
	p0 =	slt.u32 s19, $0x18;
	[tilespmem:s6+$0xFFFFFFE0] =	vst v6;
	v1 =	vcvt.s32.f32 v1  }
0x40: {  	v6 =	vld [tilespmem:s7+$0xFFFFFFE0];
	[tilespmem:s6+$0xFFFFFFF0] =	vst v3;
	v0 =	vcvt.s32.f32 v0  }
.Ltmp0:
0x41: {  	v3 =	vld [tilespmem:s7+$0xFFFFFFF0];
	[tilespmem:s6+$0x0] =	vst v1;
	v2 =	vcvt.s32.f32 v2;
	(pc) =	sbr.rel @p0 .LBB2_3-.Ltmp0, $4  }
0x42: {  	v1 =	vld [tilespmem:s7+$0x0];
	v4 =	vcvt.s32.f32 v4;
	[tilespmem:s6+$0x10] =	vst v0  }
0x43: {  	v0 =	vld [tilespmem:s7+$0x10];
	v7 =	vcvt.s32.f32 v7;
	[tilespmem:s6+$0x20] =	vst v2  }
0x44: {  	v5 =	vcvt.s32.f32 v5;
	v2 =	vld [tilespmem:s7+$0x20];
	[tilespmem:s6+$0xFFFFFFC0] =	vst v4;
	s6 =	sadd.s32 $0x80, s6  }
0x45: {  	s17 =	simm.s32 $0x0;
	v4 =	vld [tilespmem:s7+$0xFFFFFFC0];
	v6 =	vcvt.s32.f32 v6;
	[tilespmem:s6+$0x30] =	vst v7;
	s7 =	sadd.s32 $0x100, s7  }
0x46: {  	[tilespmem:s6+$0xFFFFFFD0] =	vst v5;
	v3 =	vcvt.s32.f32 v3  }
0x47: {  	[tilespmem:s6+$0xFFFFFFE0] =	vst v6;
	v1 =	vcvt.s32.f32 v1  }
0x48: {  	[tilespmem:s6+$0xFFFFFFF0] =	vst v3;
	v0 =	vcvt.s32.f32 v0  }
0x49: {  	[tilespmem:s6+$0x0] =	vst v1;
	v62 =	vcvt.s32.f32 v2  }
0x4a: {  	v63 =	vcvt.s32.f32 v4;
	[tilespmem:s6+$0x10] =	vst v0  }
0x4b: {  	[tilespmem:s6+$0x20] =	vst v62  }
0x4c: {  	[tilespmem:s6+$0xFFFFFFC0] =	vst v63  }
.LBB2_5:
0x4d: {  	s6 =	sshll.u32 s17, $0x7;
	v8 =	vld [tilespmem:$0x400]  }
0x4e: {  	v1 =	vld [tilespmem:s6+$0x12600];
	_ =	sdelay $0x1  }
0x4f: {  	v0 =	vld [tilespmem:s6+$0x10600];
	_ =	sdelay $0x2  }
0x50: {  	v2 =	vmul.f32 v8, v1;
	_ =	sdelay $0x1  }
0x51: {  	s7 =	sshll.u32 s17, $0x9;
	v2 =	vadd.f32 v2, v0  }
0x52: {  	s19 =	sand.u32 $0x3FFFFE00, s7  }
0x53: {  	[tilespmem:s19+$0x600] =	vst v2  }
0x54: {  	v2 =	vld [tilespmem:$0x410];
	_ =	sdelay $0x4  }
0x55: {  	v2 =	vmul.f32 v2, v1;
	_ =	sdelay $0x1  }
0x56: {  	v2 =	vadd.f32 v2, v0;
	_ =	sdelay $0x1  }
0x57: {  	[tilespmem:s19+$0x610] =	vst v2  }
0x58: {  	v2 =	vld [tilespmem:$0x420];
	_ =	sdelay $0x4  }
0x59: {  	v2 =	vmul.f32 v2, v1;
	_ =	sdelay $0x1  }
0x5a: {  	v2 =	vadd.f32 v2, v0;
	_ =	sdelay $0x1  }
0x5b: {  	[tilespmem:s19+$0x620] =	vst v2  }
0x5c: {  	v2 =	vld [tilespmem:$0x430];
	_ =	sdelay $0x4  }
0x5d: {  	v2 =	vmul.f32 v2, v1;
	_ =	sdelay $0x1  }
0x5e: {  	v2 =	vadd.f32 v2, v0;
	_ =	sdelay $0x1  }
0x5f: {  	[tilespmem:s19+$0x630] =	vst v2  }
0x60: {  	v2 =	vld [tilespmem:$0x440];
	_ =	sdelay $0x4  }
0x61: {  	v2 =	vmul.f32 v2, v1;
	_ =	sdelay $0x1  }
0x62: {  	v2 =	vadd.f32 v2, v0;
	_ =	sdelay $0x1  }
0x63: {  	[tilespmem:s19+$0x640] =	vst v2  }
0x64: {  	v2 =	vld [tilespmem:$0x450];
	_ =	sdelay $0x4  }
0x65: {  	v2 =	vmul.f32 v2, v1;
	_ =	sdelay $0x1  }
0x66: {  	v2 =	vadd.f32 v2, v0;
	_ =	sdelay $0x1  }
0x67: {  	[tilespmem:s19+$0x650] =	vst v2  }
0x68: {  	v2 =	vld [tilespmem:$0x460];
	_ =	sdelay $0x4  }
0x69: {  	v2 =	vmul.f32 v2, v1;
	_ =	sdelay $0x1  }
0x6a: {  	v2 =	vadd.f32 v2, v0;
	_ =	sdelay $0x1  }
0x6b: {  	[tilespmem:s19+$0x660] =	vst v2  }
0x6c: {  	v2 =	vld [tilespmem:$0x470];
	_ =	sdelay $0x4  }
0x6d: {  	v2 =	vmul.f32 v2, v1;
	_ =	sdelay $0x1  }
0x6e: {  	v2 =	vadd.f32 v2, v0;
	_ =	sdelay $0x1  }
0x6f: {  	[tilespmem:s19+$0x670] =	vst v2  }
0x70: {  	v2 =	vld [tilespmem:$0x480];
	_ =	sdelay $0x4  }
0x71: {  	v2 =	vmul.f32 v2, v1;
	_ =	sdelay $0x1  }
0x72: {  	v2 =	vadd.f32 v2, v0;
	_ =	sdelay $0x1  }
0x73: {  	[tilespmem:s19+$0xA00] =	vst v2  }
0x74: {  	v2 =	vld [tilespmem:$0x490];
	_ =	sdelay $0x4  }
0x75: {  	v2 =	vmul.f32 v2, v1;
	_ =	sdelay $0x1  }
0x76: {  	v2 =	vadd.f32 v2, v0;
	_ =	sdelay $0x1  }
0x77: {  	[tilespmem:s19+$0xA10] =	vst v2  }
0x78: {  	v16 =	vld [tilespmem:$0x4A0]  }
0x79: {  	v6 =	vld [tilespmem:s6+$0x10680]  }
0x7a: {  	v15 =	vld [tilespmem:s6+$0x12680]  }
0x7b: {  	v5 =	vld [tilespmem:s6+$0x10700]  }
0x7c: {  	v14 =	vld [tilespmem:s6+$0x12700]  }
0x7d: {  	v4 =	vld [tilespmem:s6+$0x10780]  }
0x7e: {  	v13 =	vld [tilespmem:s6+$0x12780]  }
0x7f: {  	v2 =	vld [tilespmem:s6+$0x10800]  }
0x80: {  	v10 =	vld [tilespmem:s6+$0x12800]  }
0x81: {  	v17 =	vld [tilespmem:$0x400]  }
0x82: {  	v3 =	vld [tilespmem:s6+$0x10880]  }
0x83: {  	v11 =	vld [tilespmem:s6+$0x12880]  }
0x84: {  	v9 =	vld [tilespmem:s6+$0x12900];
	v12 =	vmul.f32 v15, v8  }
0x85: {  	v7 =	vld [tilespmem:s6+$0x12980];
	v18 =	vmul.f32 v14, v8  }
0x86: {  	v20 =	vmul.f32 v13, v8;
	v8 =	vld [tilespmem:s6+$0x10900];
	v19 =	vadd.f32 v12, v6  }
0x87: {  	v21 =	vmul.f32 v17, v10;
	v18 =	vadd.f32 v18, v5;
	v12 =	vld [tilespmem:s6+$0x10980]  }
0x88: {  	v27 =	vmul.f32 v11, v17;
	v26 =	vadd.f32 v20, v4;
	[tilespmem:s19+$0x680] =	vst v19  }
0x89: {  	v29 =	vmul.f32 v9, v17;
	v28 =	vadd.f32 v21, v2;
	[tilespmem:s19+$0x700] =	vst v18;
	v22 =	vld [tilespmem:$0x410]  }
0x8a: {  	v17 =	vmul.f32 v7, v17;
	v30 =	vadd.f32 v27, v3;
	[tilespmem:s19+$0x780] =	vst v26;
	v23 =	vld [tilespmem:$0x410]  }
0x8b: {  	[tilespmem:s19+$0x800] =	vst v28;
	v31 =	vld [tilespmem:$0x410];
	v32 =	vadd.f32 v29, v8  }
0x8c: {  	[tilespmem:s19+$0x880] =	vst v30;
	v33 =	vld [tilespmem:$0x410];
	v17 =	vadd.f32 v17, v12  }
0x8d: {  	v19 =	vld [tilespmem:$0x410];
	[tilespmem:s19+$0x900] =	vst v32  }
0x8e: {  	v35 =	vld [tilespmem:$0x410];
	[tilespmem:s19+$0x980] =	vst v17;
	v34 =	vmul.f32 v22, v15  }
0x8f: {  	v36 =	vmul.f32 v23, v14;
	v37 =	vld [tilespmem:$0x410]  }
0x90: {  	v20 =	vmul.f32 v31, v13;
	v18 =	vadd.f32 v34, v6  }
0x91: {  	v21 =	vmul.f32 v33, v10;
	v17 =	vadd.f32 v36, v5  }
0x92: {  	v19 =	vmul.f32 v19, v11;
	v38 =	vadd.f32 v20, v4;
	[tilespmem:s19+$0x690] =	vst v18  }
0x93: {  	v40 =	vadd.f32 v21, v2;
	v41 =	vmul.f32 v35, v9;
	[tilespmem:s19+$0x710] =	vst v17;
	v39 =	vld [tilespmem:$0x420]  }
0x94: {  	v43 =	vadd.f32 v19, v3;
	[tilespmem:s19+$0x790] =	vst v38;
	v42 =	vld [tilespmem:$0x420];
	v44 =	vmul.f32 v37, v7  }
0x95: {  	[tilespmem:s19+$0x810] =	vst v40;
	v45 =	vld [tilespmem:$0x420];
	v46 =	vadd.f32 v41, v8  }
0x96: {  	[tilespmem:s19+$0x890] =	vst v43;
	v47 =	vld [tilespmem:$0x420];
	v48 =	vadd.f32 v44, v12  }
0x97: {  	v49 =	vld [tilespmem:$0x420];
	[tilespmem:s19+$0x910] =	vst v46  }
0x98: {  	v51 =	vld [tilespmem:$0x420];
	[tilespmem:s19+$0x990] =	vst v48;
	v50 =	vmul.f32 v39, v15  }
0x99: {  	v52 =	vmul.f32 v42, v14;
	v53 =	vld [tilespmem:$0x420]  }
0x9a: {  	v23 =	vmul.f32 v45, v13;
	v17 =	vadd.f32 v50, v6  }
0x9b: {  	v21 =	vmul.f32 v47, v10;
	v18 =	vadd.f32 v52, v5  }
0x9c: {  	v19 =	vmul.f32 v49, v11;
	v54 =	vadd.f32 v23, v4;
	[tilespmem:s19+$0x6A0] =	vst v17  }
0x9d: {  	v56 =	vadd.f32 v21, v2;
	v20 =	vmul.f32 v51, v9;
	[tilespmem:s19+$0x720] =	vst v18;
	v55 =	vld [tilespmem:$0x430]  }
0x9e: {  	v58 =	vadd.f32 v19, v3;
	[tilespmem:s19+$0x7A0] =	vst v54;
	v57 =	vld [tilespmem:$0x430];
	v59 =	vmul.f32 v53, v7  }
0x9f: {  	[tilespmem:s19+$0x820] =	vst v56;
	v60 =	vld [tilespmem:$0x430];
	v61 =	vadd.f32 v20, v8  }
0xa0: {  	[tilespmem:s19+$0x8A0] =	vst v58;
	v62 =	vld [tilespmem:$0x430];
	v63 =	vadd.f32 v59, v12  }
0xa1: {  	v24 =	vld [tilespmem:$0x430];
	[tilespmem:s19+$0x920] =	vst v61  }
0xa2: {  	v26 =	vld [tilespmem:$0x430];
	[tilespmem:s19+$0x9A0] =	vst v63;
	v25 =	vmul.f32 v55, v15  }
0xa3: {  	v27 =	vmul.f32 v57, v14;
	v28 =	vld [tilespmem:$0x430]  }
0xa4: {  	v22 =	vmul.f32 v60, v13;
	v18 =	vadd.f32 v25, v6  }
0xa5: {  	v20 =	vmul.f32 v62, v10;
	v17 =	vadd.f32 v27, v5  }
0xa6: {  	v19 =	vmul.f32 v24, v11;
	v29 =	vadd.f32 v22, v4;
	[tilespmem:s19+$0x6B0] =	vst v18  }
0xa7: {  	v31 =	vadd.f32 v20, v2;
	v32 =	vmul.f32 v26, v9;
	[tilespmem:s19+$0x730] =	vst v17;
	v30 =	vld [tilespmem:$0x440]  }
0xa8: {  	v34 =	vadd.f32 v19, v3;
	[tilespmem:s19+$0x7B0] =	vst v29;
	v33 =	vld [tilespmem:$0x440];
	v35 =	vmul.f32 v28, v7  }
0xa9: {  	[tilespmem:s19+$0x830] =	vst v31;
	v36 =	vld [tilespmem:$0x440];
	v37 =	vadd.f32 v32, v8  }
0xaa: {  	[tilespmem:s19+$0x8B0] =	vst v34;
	v38 =	vld [tilespmem:$0x440];
	v39 =	vadd.f32 v35, v12  }
0xab: {  	v40 =	vld [tilespmem:$0x440];
	[tilespmem:s19+$0x930] =	vst v37  }
0xac: {  	v42 =	vld [tilespmem:$0x440];
	[tilespmem:s19+$0x9B0] =	vst v39;
	v41 =	vmul.f32 v30, v15  }
0xad: {  	v43 =	vmul.f32 v33, v14;
	v44 =	vld [tilespmem:$0x440]  }
0xae: {  	v21 =	vmul.f32 v36, v13;
	v17 =	vadd.f32 v41, v6  }
0xaf: {  	v20 =	vmul.f32 v38, v10;
	v18 =	vadd.f32 v43, v5  }
0xb0: {  	v19 =	vmul.f32 v40, v11;
	v45 =	vadd.f32 v21, v4;
	[tilespmem:s19+$0x6C0] =	vst v17  }
0xb1: {  	v47 =	vadd.f32 v20, v2;
	v48 =	vmul.f32 v42, v9;
	[tilespmem:s19+$0x740] =	vst v18;
	v46 =	vld [tilespmem:$0x450]  }
0xb2: {  	v50 =	vadd.f32 v19, v3;
	[tilespmem:s19+$0x7C0] =	vst v45;
	v49 =	vld [tilespmem:$0x450];
	v51 =	vmul.f32 v44, v7  }
0xb3: {  	[tilespmem:s19+$0x840] =	vst v47;
	v52 =	vld [tilespmem:$0x450];
	v53 =	vadd.f32 v48, v8  }
0xb4: {  	[tilespmem:s19+$0x8C0] =	vst v50;
	v54 =	vld [tilespmem:$0x450];
	v55 =	vadd.f32 v51, v12  }
0xb5: {  	v56 =	vld [tilespmem:$0x450];
	[tilespmem:s19+$0x940] =	vst v53  }
0xb6: {  	v58 =	vld [tilespmem:$0x450];
	[tilespmem:s19+$0x9C0] =	vst v55;
	v57 =	vmul.f32 v46, v15  }
0xb7: {  	v59 =	vmul.f32 v49, v14;
	v60 =	vld [tilespmem:$0x450]  }
0xb8: {  	v23 =	vmul.f32 v52, v13;
	v18 =	vadd.f32 v57, v6  }
0xb9: {  	v20 =	vmul.f32 v54, v10;
	v17 =	vadd.f32 v59, v5  }
0xba: {  	v19 =	vmul.f32 v56, v11;
	v61 =	vadd.f32 v23, v4;
	[tilespmem:s19+$0x6D0] =	vst v18  }
0xbb: {  	v63 =	vadd.f32 v20, v2;
	v24 =	vmul.f32 v58, v9;
	[tilespmem:s19+$0x750] =	vst v17;
	v62 =	vld [tilespmem:$0x460]  }
0xbc: {  	v26 =	vadd.f32 v19, v3;
	[tilespmem:s19+$0x7D0] =	vst v61;
	v25 =	vld [tilespmem:$0x460];
	v27 =	vmul.f32 v60, v7  }
0xbd: {  	[tilespmem:s19+$0x850] =	vst v63;
	v28 =	vld [tilespmem:$0x460];
	v29 =	vadd.f32 v24, v8  }
0xbe: {  	[tilespmem:s19+$0x8D0] =	vst v26;
	v30 =	vld [tilespmem:$0x460];
	v31 =	vadd.f32 v27, v12  }
0xbf: {  	v32 =	vld [tilespmem:$0x460];
	[tilespmem:s19+$0x950] =	vst v29  }
0xc0: {  	v34 =	vld [tilespmem:$0x460];
	[tilespmem:s19+$0x9D0] =	vst v31;
	v33 =	vmul.f32 v62, v15  }
0xc1: {  	v35 =	vmul.f32 v25, v14;
	v36 =	vld [tilespmem:$0x460]  }
0xc2: {  	v22 =	vmul.f32 v28, v13;
	v17 =	vadd.f32 v33, v6  }
0xc3: {  	v20 =	vmul.f32 v30, v10;
	v18 =	vadd.f32 v35, v5  }
0xc4: {  	v19 =	vmul.f32 v32, v11;
	v37 =	vadd.f32 v22, v4;
	[tilespmem:s19+$0x6E0] =	vst v17  }
0xc5: {  	v39 =	vadd.f32 v20, v2;
	v40 =	vmul.f32 v34, v9;
	[tilespmem:s19+$0x760] =	vst v18;
	v38 =	vld [tilespmem:$0x470]  }
0xc6: {  	v42 =	vadd.f32 v19, v3;
	[tilespmem:s19+$0x7E0] =	vst v37;
	v41 =	vld [tilespmem:$0x470];
	v43 =	vmul.f32 v36, v7  }
0xc7: {  	[tilespmem:s19+$0x860] =	vst v39;
	v44 =	vld [tilespmem:$0x470];
	v45 =	vadd.f32 v40, v8  }
0xc8: {  	[tilespmem:s19+$0x8E0] =	vst v42;
	v46 =	vld [tilespmem:$0x470];
	v47 =	vadd.f32 v43, v12  }
0xc9: {  	v48 =	vld [tilespmem:$0x470];
	[tilespmem:s19+$0x960] =	vst v45  }
0xca: {  	v50 =	vld [tilespmem:$0x470];
	[tilespmem:s19+$0x9E0] =	vst v47;
	v49 =	vmul.f32 v38, v15  }
0xcb: {  	v51 =	vmul.f32 v41, v14;
	v52 =	vld [tilespmem:$0x470]  }
0xcc: {  	v21 =	vmul.f32 v44, v13;
	v18 =	vadd.f32 v49, v6  }
0xcd: {  	v20 =	vmul.f32 v46, v10;
	v17 =	vadd.f32 v51, v5  }
0xce: {  	v19 =	vmul.f32 v48, v11;
	v53 =	vadd.f32 v21, v4;
	[tilespmem:s19+$0x6F0] =	vst v18  }
0xcf: {  	v55 =	vadd.f32 v20, v2;
	v56 =	vmul.f32 v50, v9;
	[tilespmem:s19+$0x770] =	vst v17;
	v54 =	vld [tilespmem:$0x480]  }
0xd0: {  	v58 =	vadd.f32 v19, v3;
	[tilespmem:s19+$0x7F0] =	vst v53;
	v57 =	vld [tilespmem:$0x480];
	v59 =	vmul.f32 v52, v7  }
0xd1: {  	[tilespmem:s19+$0x870] =	vst v55;
	v60 =	vld [tilespmem:$0x480];
	v61 =	vadd.f32 v56, v8  }
0xd2: {  	[tilespmem:s19+$0x8F0] =	vst v58;
	v62 =	vld [tilespmem:$0x480];
	v63 =	vadd.f32 v59, v12  }
0xd3: {  	v24 =	vld [tilespmem:$0x480];
	[tilespmem:s19+$0x970] =	vst v61  }
0xd4: {  	v26 =	vld [tilespmem:$0x480];
	[tilespmem:s19+$0x9F0] =	vst v63;
	v25 =	vmul.f32 v54, v15  }
0xd5: {  	v27 =	vmul.f32 v57, v14;
	v28 =	vld [tilespmem:$0x480]  }
0xd6: {  	v23 =	vmul.f32 v60, v13;
	v17 =	vadd.f32 v25, v6  }
0xd7: {  	v20 =	vmul.f32 v62, v10;
	v18 =	vadd.f32 v27, v5  }
0xd8: {  	v19 =	vmul.f32 v24, v11;
	v29 =	vadd.f32 v23, v4;
	[tilespmem:s19+$0xA80] =	vst v17  }
0xd9: {  	v31 =	vadd.f32 v20, v2;
	v32 =	vmul.f32 v26, v9;
	[tilespmem:s19+$0xB00] =	vst v18;
	v30 =	vld [tilespmem:$0x490]  }
0xda: {  	v34 =	vadd.f32 v19, v3;
	[tilespmem:s19+$0xB80] =	vst v29;
	v33 =	vld [tilespmem:$0x490];
	v35 =	vmul.f32 v28, v7  }
0xdb: {  	[tilespmem:s19+$0xC00] =	vst v31;
	v36 =	vld [tilespmem:$0x490];
	v37 =	vadd.f32 v32, v8  }
0xdc: {  	[tilespmem:s19+$0xC80] =	vst v34;
	v38 =	vld [tilespmem:$0x490];
	v39 =	vadd.f32 v35, v12  }
0xdd: {  	v40 =	vld [tilespmem:$0x490];
	[tilespmem:s19+$0xD00] =	vst v37  }
0xde: {  	v42 =	vld [tilespmem:$0x490];
	[tilespmem:s19+$0xD80] =	vst v39;
	v41 =	vmul.f32 v30, v15  }
0xdf: {  	v43 =	vmul.f32 v33, v14;
	v44 =	vld [tilespmem:$0x490]  }
0xe0: {  	v22 =	vmul.f32 v36, v13;
	v18 =	vadd.f32 v41, v6  }
0xe1: {  	v20 =	vmul.f32 v38, v10;
	v17 =	vadd.f32 v43, v5  }
0xe2: {  	v19 =	vmul.f32 v40, v11;
	v45 =	vadd.f32 v22, v4;
	[tilespmem:s19+$0xA90] =	vst v18  }
0xe3: {  	v47 =	vadd.f32 v20, v2;
	v48 =	vmul.f32 v42, v9;
	[tilespmem:s19+$0xB10] =	vst v17;
	v46 =	vld [tilespmem:$0x4A0]  }
0xe4: {  	v50 =	vadd.f32 v19, v3;
	[tilespmem:s19+$0xB90] =	vst v45;
	v49 =	vld [tilespmem:$0x4A0];
	v51 =	vmul.f32 v44, v7  }
0xe5: {  	[tilespmem:s19+$0xC10] =	vst v47;
	v52 =	vld [tilespmem:$0x4A0];
	v53 =	vadd.f32 v48, v8  }
0xe6: {  	[tilespmem:s19+$0xC90] =	vst v50;
	v54 =	vld [tilespmem:$0x4A0];
	v55 =	vadd.f32 v51, v12  }
0xe7: {  	v16 =	vmul.f32 v16, v1;
	v56 =	vld [tilespmem:$0x4A0];
	[tilespmem:s19+$0xD10] =	vst v53  }
0xe8: {  	v58 =	vld [tilespmem:$0x4A0];
	[tilespmem:s19+$0xD90] =	vst v55;
	v57 =	vmul.f32 v46, v15  }
0xe9: {  	v16 =	vadd.f32 v16, v0;
	v59 =	vmul.f32 v49, v14;
	v60 =	vld [tilespmem:$0x4A0]  }
0xea: {  	v21 =	vmul.f32 v52, v13;
	v17 =	vadd.f32 v57, v6  }
0xeb: {  	[tilespmem:s19+$0xA20] =	vst v16;
	v62 =	vmul.f32 v54, v10;
	v61 =	vadd.f32 v59, v5  }
0xec: {  	v63 =	vld [tilespmem:$0x4B0];
	v19 =	vmul.f32 v56, v11;
	v24 =	vadd.f32 v21, v4;
	[tilespmem:s19+$0xAA0] =	vst v17  }
0xed: {  	v26 =	vadd.f32 v62, v2;
	v27 =	vmul.f32 v58, v9;
	[tilespmem:s19+$0xB20] =	vst v61;
	v25 =	vld [tilespmem:$0x4B0]  }
0xee: {  	v29 =	vadd.f32 v19, v3;
	[tilespmem:s19+$0xBA0] =	vst v24;
	v28 =	vld [tilespmem:$0x4B0];
	v30 =	vmul.f32 v60, v7  }
0xef: {  	[tilespmem:s19+$0xC20] =	vst v26;
	v31 =	vld [tilespmem:$0x4B0];
	v32 =	vadd.f32 v27, v8  }
0xf0: {  	[tilespmem:s19+$0xCA0] =	vst v29;
	v33 =	vld [tilespmem:$0x4B0];
	v34 =	vadd.f32 v30, v12  }
0xf1: {  	v35 =	vmul.f32 v63, v1;
	v36 =	vld [tilespmem:$0x4B0];
	[tilespmem:s19+$0xD20] =	vst v32  }
0xf2: {  	v38 =	vld [tilespmem:$0x4B0];
	[tilespmem:s19+$0xDA0] =	vst v34;
	v37 =	vmul.f32 v25, v15  }
0xf3: {  	v39 =	vadd.f32 v35, v0;
	v40 =	vmul.f32 v28, v14;
	v41 =	vld [tilespmem:$0x4B0]  }
0xf4: {  	v23 =	vmul.f32 v31, v13;
	v16 =	vadd.f32 v37, v6  }
0xf5: {  	[tilespmem:s19+$0xA30] =	vst v39;
	v18 =	vmul.f32 v33, v10;
	v42 =	vadd.f32 v40, v5  }
0xf6: {  	v43 =	vld [tilespmem:$0x4C0];
	v20 =	vmul.f32 v36, v11;
	v44 =	vadd.f32 v23, v4;
	[tilespmem:s19+$0xAB0] =	vst v16  }
0xf7: {  	v46 =	vadd.f32 v18, v2;
	v47 =	vmul.f32 v38, v9;
	[tilespmem:s19+$0xB30] =	vst v42;
	v45 =	vld [tilespmem:$0x4C0]  }
0xf8: {  	v49 =	vadd.f32 v20, v3;
	[tilespmem:s19+$0xBB0] =	vst v44;
	v48 =	vld [tilespmem:$0x4C0];
	v50 =	vmul.f32 v41, v7  }
0xf9: {  	[tilespmem:s19+$0xC30] =	vst v46;
	v51 =	vld [tilespmem:$0x4C0];
	v52 =	vadd.f32 v47, v8  }
0xfa: {  	[tilespmem:s19+$0xCB0] =	vst v49;
	v53 =	vld [tilespmem:$0x4C0];
	v54 =	vadd.f32 v50, v12  }
0xfb: {  	v19 =	vmul.f32 v43, v1;
	v55 =	vld [tilespmem:$0x4C0];
	[tilespmem:s19+$0xD30] =	vst v52  }
0xfc: {  	v57 =	vld [tilespmem:$0x4C0];
	[tilespmem:s19+$0xDB0] =	vst v54;
	v56 =	vmul.f32 v45, v15  }
0xfd: {  	v58 =	vadd.f32 v19, v0;
	v59 =	vmul.f32 v48, v14;
	v60 =	vld [tilespmem:$0x4C0]  }
0xfe: {  	v22 =	vmul.f32 v51, v13;
	v17 =	vadd.f32 v56, v6  }
0xff: {  	[tilespmem:s19+$0xA40] =	vst v58;
	v18 =	vmul.f32 v53, v10;
	v61 =	vadd.f32 v59, v5  }
0x100: {  	v62 =	vld [tilespmem:$0x4D0];
	v20 =	vmul.f32 v55, v11;
	v63 =	vadd.f32 v22, v4;
	[tilespmem:s19+$0xAC0] =	vst v17  }
0x101: {  	v25 =	vadd.f32 v18, v2;
	v26 =	vmul.f32 v57, v9;
	[tilespmem:s19+$0xB40] =	vst v61;
	v24 =	vld [tilespmem:$0x4D0]  }
0x102: {  	v28 =	vadd.f32 v20, v3;
	[tilespmem:s19+$0xBC0] =	vst v63;
	v27 =	vld [tilespmem:$0x4D0];
	v29 =	vmul.f32 v60, v7  }
0x103: {  	[tilespmem:s19+$0xC40] =	vst v25;
	v30 =	vld [tilespmem:$0x4D0];
	v31 =	vadd.f32 v26, v8  }
0x104: {  	[tilespmem:s19+$0xCC0] =	vst v28;
	v32 =	vld [tilespmem:$0x4D0];
	v33 =	vadd.f32 v29, v12  }
0x105: {  	v19 =	vmul.f32 v62, v1;
	v34 =	vld [tilespmem:$0x4D0];
	[tilespmem:s19+$0xD40] =	vst v31  }
0x106: {  	v36 =	vld [tilespmem:$0x4D0];
	[tilespmem:s19+$0xDC0] =	vst v33;
	v35 =	vmul.f32 v24, v15  }
0x107: {  	v37 =	vadd.f32 v19, v0;
	v38 =	vmul.f32 v27, v14;
	v39 =	vld [tilespmem:$0x4D0]  }
0x108: {  	v21 =	vmul.f32 v30, v13;
	v16 =	vadd.f32 v35, v6  }
0x109: {  	[tilespmem:s19+$0xA50] =	vst v37;
	v18 =	vmul.f32 v32, v10;
	v40 =	vadd.f32 v38, v5  }
0x10a: {  	v41 =	vld [tilespmem:$0x4E0];
	v20 =	vmul.f32 v34, v11;
	v42 =	vadd.f32 v21, v4;
	[tilespmem:s19+$0xAD0] =	vst v16  }
0x10b: {  	v44 =	vadd.f32 v18, v2;
	v45 =	vmul.f32 v36, v9;
	[tilespmem:s19+$0xB50] =	vst v40;
	v43 =	vld [tilespmem:$0x4E0]  }
0x10c: {  	v47 =	vadd.f32 v20, v3;
	[tilespmem:s19+$0xBD0] =	vst v42;
	v46 =	vld [tilespmem:$0x4E0];
	v48 =	vmul.f32 v39, v7  }
0x10d: {  	[tilespmem:s19+$0xC50] =	vst v44;
	v49 =	vld [tilespmem:$0x4E0];
	v50 =	vadd.f32 v45, v8  }
0x10e: {  	[tilespmem:s19+$0xCD0] =	vst v47;
	v51 =	vld [tilespmem:$0x4E0];
	v52 =	vadd.f32 v48, v12  }
0x10f: {  	v19 =	vmul.f32 v41, v1;
	v53 =	vld [tilespmem:$0x4E0];
	[tilespmem:s19+$0xD50] =	vst v50  }
0x110: {  	v55 =	vld [tilespmem:$0x4E0];
	[tilespmem:s19+$0xDD0] =	vst v52;
	v54 =	vmul.f32 v43, v15  }
0x111: {  	v56 =	vadd.f32 v19, v0;
	v57 =	vmul.f32 v46, v14;
	v58 =	vld [tilespmem:$0x4E0]  }
0x112: {  	v23 =	vmul.f32 v49, v13;
	v17 =	vadd.f32 v54, v6  }
0x113: {  	[tilespmem:s19+$0xA60] =	vst v56;
	v18 =	vmul.f32 v51, v10;
	v59 =	vadd.f32 v57, v5  }
0x114: {  	v60 =	vld [tilespmem:$0x4F0];
	v20 =	vmul.f32 v53, v11;
	v61 =	vadd.f32 v23, v4;
	[tilespmem:s19+$0xAE0] =	vst v17  }
0x115: {  	v63 =	vadd.f32 v18, v2;
	v24 =	vmul.f32 v55, v9;
	[tilespmem:s19+$0xB60] =	vst v59;
	v62 =	vld [tilespmem:$0x4F0]  }
0x116: {  	v26 =	vadd.f32 v20, v3;
	[tilespmem:s19+$0xBE0] =	vst v61;
	v25 =	vld [tilespmem:$0x4F0];
	v27 =	vmul.f32 v58, v7  }
0x117: {  	[tilespmem:s19+$0xC60] =	vst v63;
	v28 =	vld [tilespmem:$0x4F0];
	v29 =	vadd.f32 v24, v8  }
0x118: {  	[tilespmem:s19+$0xCE0] =	vst v26;
	v30 =	vld [tilespmem:$0x4F0];
	v31 =	vadd.f32 v27, v12  }
0x119: {  	v19 =	vmul.f32 v60, v1;
	v32 =	vld [tilespmem:$0x4F0];
	[tilespmem:s19+$0xD60] =	vst v29  }
0x11a: {  	v34 =	vld [tilespmem:$0x4F0];
	[tilespmem:s19+$0xDE0] =	vst v31;
	v33 =	vmul.f32 v62, v15  }
0x11b: {  	v35 =	vadd.f32 v19, v0;
	v36 =	vmul.f32 v25, v14;
	v37 =	vld [tilespmem:$0x4F0]  }
0x11c: {  	v22 =	vmul.f32 v28, v13;
	v16 =	vadd.f32 v33, v6  }
0x11d: {  	[tilespmem:s19+$0xA70] =	vst v35;
	v18 =	vmul.f32 v30, v10;
	v38 =	vadd.f32 v36, v5  }
0x11e: {  	v39 =	vld [tilespmem:$0x500];
	v20 =	vmul.f32 v32, v11;
	v40 =	vadd.f32 v22, v4;
	[tilespmem:s19+$0xAF0] =	vst v16  }
0x11f: {  	v42 =	vadd.f32 v18, v2;
	v43 =	vmul.f32 v34, v9;
	[tilespmem:s19+$0xB70] =	vst v38;
	v41 =	vld [tilespmem:$0x500]  }
0x120: {  	v45 =	vadd.f32 v20, v3;
	[tilespmem:s19+$0xBF0] =	vst v40;
	v44 =	vld [tilespmem:$0x500];
	v46 =	vmul.f32 v37, v7  }
0x121: {  	[tilespmem:s19+$0xC70] =	vst v42;
	v47 =	vld [tilespmem:$0x500];
	v48 =	vadd.f32 v43, v8  }
0x122: {  	[tilespmem:s19+$0xCF0] =	vst v45;
	v49 =	vld [tilespmem:$0x500];
	v50 =	vadd.f32 v46, v12  }
0x123: {  	v19 =	vmul.f32 v39, v1;
	v51 =	vld [tilespmem:$0x500];
	[tilespmem:s19+$0xD70] =	vst v48  }
0x124: {  	v53 =	vld [tilespmem:$0x500];
	[tilespmem:s19+$0xDF0] =	vst v50;
	v52 =	vmul.f32 v41, v15  }
0x125: {  	v54 =	vadd.f32 v19, v0;
	v55 =	vmul.f32 v44, v14;
	v56 =	vld [tilespmem:$0x500]  }
0x126: {  	v21 =	vmul.f32 v47, v13;
	v17 =	vadd.f32 v52, v6  }
0x127: {  	[tilespmem:s19+$0xE00] =	vst v54;
	v18 =	vmul.f32 v49, v10;
	v57 =	vadd.f32 v55, v5  }
0x128: {  	v58 =	vld [tilespmem:$0x510];
	v20 =	vmul.f32 v51, v11;
	v59 =	vadd.f32 v21, v4;
	[tilespmem:s19+$0xE80] =	vst v17  }
0x129: {  	v61 =	vadd.f32 v18, v2;
	v62 =	vmul.f32 v53, v9;
	[tilespmem:s19+$0xF00] =	vst v57;
	v60 =	vld [tilespmem:$0x510]  }
0x12a: {  	v24 =	vadd.f32 v20, v3;
	[tilespmem:s19+$0xF80] =	vst v59;
	v63 =	vld [tilespmem:$0x510];
	v25 =	vmul.f32 v56, v7  }
0x12b: {  	[tilespmem:s19+$0x1000] =	vst v61;
	v26 =	vld [tilespmem:$0x510];
	v27 =	vadd.f32 v62, v8  }
0x12c: {  	[tilespmem:s19+$0x1080] =	vst v24;
	v28 =	vld [tilespmem:$0x510];
	v29 =	vadd.f32 v25, v12  }
0x12d: {  	v19 =	vmul.f32 v58, v1;
	v30 =	vld [tilespmem:$0x510];
	[tilespmem:s19+$0x1100] =	vst v27  }
0x12e: {  	v32 =	vld [tilespmem:$0x510];
	[tilespmem:s19+$0x1180] =	vst v29;
	v31 =	vmul.f32 v60, v15  }
0x12f: {  	v33 =	vadd.f32 v19, v0;
	v34 =	vmul.f32 v63, v14;
	v35 =	vld [tilespmem:$0x510]  }
0x130: {  	v23 =	vmul.f32 v26, v13;
	v16 =	vadd.f32 v31, v6  }
0x131: {  	[tilespmem:s19+$0xE10] =	vst v33;
	v18 =	vmul.f32 v28, v10;
	v36 =	vadd.f32 v34, v5  }
0x132: {  	v37 =	vld [tilespmem:$0x520];
	v20 =	vmul.f32 v30, v11;
	v38 =	vadd.f32 v23, v4;
	[tilespmem:s19+$0xE90] =	vst v16  }
0x133: {  	v40 =	vadd.f32 v18, v2;
	v41 =	vmul.f32 v32, v9;
	[tilespmem:s19+$0xF10] =	vst v36;
	v39 =	vld [tilespmem:$0x520]  }
0x134: {  	v43 =	vadd.f32 v20, v3;
	[tilespmem:s19+$0xF90] =	vst v38;
	v42 =	vld [tilespmem:$0x520];
	v44 =	vmul.f32 v35, v7  }
0x135: {  	[tilespmem:s19+$0x1010] =	vst v40;
	v45 =	vld [tilespmem:$0x520];
	v46 =	vadd.f32 v41, v8  }
0x136: {  	[tilespmem:s19+$0x1090] =	vst v43;
	v47 =	vld [tilespmem:$0x520];
	v48 =	vadd.f32 v44, v12  }
0x137: {  	v19 =	vmul.f32 v37, v1;
	v49 =	vld [tilespmem:$0x520];
	[tilespmem:s19+$0x1110] =	vst v46  }
0x138: {  	v51 =	vld [tilespmem:$0x520];
	[tilespmem:s19+$0x1190] =	vst v48;
	v50 =	vmul.f32 v39, v15  }
0x139: {  	v52 =	vadd.f32 v19, v0;
	v53 =	vmul.f32 v42, v14;
	v54 =	vld [tilespmem:$0x520]  }
0x13a: {  	v22 =	vmul.f32 v45, v13;
	v17 =	vadd.f32 v50, v6  }
0x13b: {  	[tilespmem:s19+$0xE20] =	vst v52;
	v18 =	vmul.f32 v47, v10;
	v55 =	vadd.f32 v53, v5  }
0x13c: {  	v56 =	vld [tilespmem:$0x530];
	v20 =	vmul.f32 v49, v11;
	v57 =	vadd.f32 v22, v4;
	[tilespmem:s19+$0xEA0] =	vst v17  }
0x13d: {  	v59 =	vadd.f32 v18, v2;
	v60 =	vmul.f32 v51, v9;
	[tilespmem:s19+$0xF20] =	vst v55;
	v58 =	vld [tilespmem:$0x530]  }
0x13e: {  	v62 =	vadd.f32 v20, v3;
	[tilespmem:s19+$0xFA0] =	vst v57;
	v61 =	vld [tilespmem:$0x530];
	v63 =	vmul.f32 v54, v7  }
0x13f: {  	[tilespmem:s19+$0x1020] =	vst v59;
	v24 =	vld [tilespmem:$0x530];
	v25 =	vadd.f32 v60, v8  }
0x140: {  	[tilespmem:s19+$0x10A0] =	vst v62;
	v26 =	vld [tilespmem:$0x530];
	v27 =	vadd.f32 v63, v12  }
0x141: {  	v19 =	vmul.f32 v56, v1;
	v28 =	vld [tilespmem:$0x530];
	[tilespmem:s19+$0x1120] =	vst v25  }
0x142: {  	v30 =	vld [tilespmem:$0x530];
	[tilespmem:s19+$0x11A0] =	vst v27;
	v29 =	vmul.f32 v58, v15  }
0x143: {  	v31 =	vadd.f32 v19, v0;
	v32 =	vmul.f32 v61, v14;
	v33 =	vld [tilespmem:$0x530]  }
0x144: {  	v21 =	vmul.f32 v24, v13;
	v16 =	vadd.f32 v29, v6  }
0x145: {  	[tilespmem:s19+$0xE30] =	vst v31;
	v18 =	vmul.f32 v26, v10;
	v34 =	vadd.f32 v32, v5  }
0x146: {  	v35 =	vld [tilespmem:$0x540];
	v20 =	vmul.f32 v28, v11;
	v36 =	vadd.f32 v21, v4;
	[tilespmem:s19+$0xEB0] =	vst v16  }
0x147: {  	v38 =	vadd.f32 v18, v2;
	v39 =	vmul.f32 v30, v9;
	[tilespmem:s19+$0xF30] =	vst v34;
	v37 =	vld [tilespmem:$0x540]  }
0x148: {  	v41 =	vadd.f32 v20, v3;
	[tilespmem:s19+$0xFB0] =	vst v36;
	v40 =	vld [tilespmem:$0x540];
	v42 =	vmul.f32 v33, v7  }
0x149: {  	[tilespmem:s19+$0x1030] =	vst v38;
	v43 =	vld [tilespmem:$0x540];
	v44 =	vadd.f32 v39, v8  }
0x14a: {  	[tilespmem:s19+$0x10B0] =	vst v41;
	v45 =	vld [tilespmem:$0x540];
	v46 =	vadd.f32 v42, v12  }
0x14b: {  	v19 =	vmul.f32 v35, v1;
	v47 =	vld [tilespmem:$0x540];
	[tilespmem:s19+$0x1130] =	vst v44  }
0x14c: {  	v49 =	vld [tilespmem:$0x540];
	[tilespmem:s19+$0x11B0] =	vst v46;
	v48 =	vmul.f32 v37, v15  }
0x14d: {  	v50 =	vadd.f32 v19, v0;
	v51 =	vmul.f32 v40, v14;
	v52 =	vld [tilespmem:$0x540]  }
0x14e: {  	v23 =	vmul.f32 v43, v13;
	v17 =	vadd.f32 v48, v6  }
0x14f: {  	[tilespmem:s19+$0xE40] =	vst v50;
	v18 =	vmul.f32 v45, v10;
	v53 =	vadd.f32 v51, v5  }
0x150: {  	v54 =	vld [tilespmem:$0x550];
	v20 =	vmul.f32 v47, v11;
	v55 =	vadd.f32 v23, v4;
	[tilespmem:s19+$0xEC0] =	vst v17  }
0x151: {  	v57 =	vadd.f32 v18, v2;
	v58 =	vmul.f32 v49, v9;
	[tilespmem:s19+$0xF40] =	vst v53;
	v56 =	vld [tilespmem:$0x550]  }
0x152: {  	v60 =	vadd.f32 v20, v3;
	[tilespmem:s19+$0xFC0] =	vst v55;
	v59 =	vld [tilespmem:$0x550];
	v61 =	vmul.f32 v52, v7  }
0x153: {  	[tilespmem:s19+$0x1040] =	vst v57;
	v62 =	vld [tilespmem:$0x550];
	v63 =	vadd.f32 v58, v8  }
0x154: {  	[tilespmem:s19+$0x10C0] =	vst v60;
	v24 =	vld [tilespmem:$0x550];
	v25 =	vadd.f32 v61, v12  }
0x155: {  	v19 =	vmul.f32 v54, v1;
	v26 =	vld [tilespmem:$0x550];
	[tilespmem:s19+$0x1140] =	vst v63  }
0x156: {  	v28 =	vld [tilespmem:$0x550];
	[tilespmem:s19+$0x11C0] =	vst v25;
	v27 =	vmul.f32 v56, v15  }
0x157: {  	v29 =	vadd.f32 v19, v0;
	v30 =	vmul.f32 v59, v14;
	v31 =	vld [tilespmem:$0x550]  }
0x158: {  	v22 =	vmul.f32 v62, v13;
	v16 =	vadd.f32 v27, v6  }
0x159: {  	[tilespmem:s19+$0xE50] =	vst v29;
	v18 =	vmul.f32 v24, v10;
	v32 =	vadd.f32 v30, v5  }
0x15a: {  	v33 =	vld [tilespmem:$0x560];
	v20 =	vmul.f32 v26, v11;
	v34 =	vadd.f32 v22, v4;
	[tilespmem:s19+$0xED0] =	vst v16  }
0x15b: {  	v36 =	vadd.f32 v18, v2;
	v37 =	vmul.f32 v28, v9;
	[tilespmem:s19+$0xF50] =	vst v32;
	v35 =	vld [tilespmem:$0x560]  }
0x15c: {  	v39 =	vadd.f32 v20, v3;
	[tilespmem:s19+$0xFD0] =	vst v34;
	v38 =	vld [tilespmem:$0x560];
	v40 =	vmul.f32 v31, v7  }
0x15d: {  	[tilespmem:s19+$0x1050] =	vst v36;
	v41 =	vld [tilespmem:$0x560];
	v42 =	vadd.f32 v37, v8  }
0x15e: {  	[tilespmem:s19+$0x10D0] =	vst v39;
	v43 =	vld [tilespmem:$0x560];
	v44 =	vadd.f32 v40, v12  }
0x15f: {  	v19 =	vmul.f32 v33, v1;
	v45 =	vld [tilespmem:$0x560];
	[tilespmem:s19+$0x1150] =	vst v42  }
0x160: {  	v47 =	vld [tilespmem:$0x560];
	[tilespmem:s19+$0x11D0] =	vst v44;
	v46 =	vmul.f32 v35, v15  }
0x161: {  	v48 =	vadd.f32 v19, v0;
	v49 =	vmul.f32 v38, v14;
	v50 =	vld [tilespmem:$0x560]  }
0x162: {  	v21 =	vmul.f32 v41, v13;
	v17 =	vadd.f32 v46, v6  }
0x163: {  	[tilespmem:s19+$0xE60] =	vst v48;
	v18 =	vmul.f32 v43, v10;
	v51 =	vadd.f32 v49, v5  }
0x164: {  	v52 =	vld [tilespmem:$0x570];
	v20 =	vmul.f32 v45, v11;
	v53 =	vadd.f32 v21, v4;
	[tilespmem:s19+$0xEE0] =	vst v17  }
0x165: {  	v55 =	vadd.f32 v18, v2;
	v56 =	vmul.f32 v47, v9;
	[tilespmem:s19+$0xF60] =	vst v51;
	v54 =	vld [tilespmem:$0x570]  }
0x166: {  	v58 =	vadd.f32 v20, v3;
	[tilespmem:s19+$0xFE0] =	vst v53;
	v57 =	vld [tilespmem:$0x570];
	v59 =	vmul.f32 v50, v7  }
0x167: {  	[tilespmem:s19+$0x1060] =	vst v55;
	v60 =	vld [tilespmem:$0x570];
	v61 =	vadd.f32 v56, v8  }
0x168: {  	[tilespmem:s19+$0x10E0] =	vst v58;
	v62 =	vld [tilespmem:$0x570];
	v63 =	vadd.f32 v59, v12  }
0x169: {  	v19 =	vmul.f32 v52, v1;
	v24 =	vld [tilespmem:$0x570];
	[tilespmem:s19+$0x1160] =	vst v61  }
0x16a: {  	v26 =	vld [tilespmem:$0x570];
	[tilespmem:s19+$0x11E0] =	vst v63;
	v25 =	vmul.f32 v54, v15  }
0x16b: {  	v27 =	vadd.f32 v19, v0;
	v28 =	vmul.f32 v57, v14;
	v29 =	vld [tilespmem:$0x570]  }
0x16c: {  	v23 =	vmul.f32 v60, v13;
	v16 =	vadd.f32 v25, v6  }
0x16d: {  	[tilespmem:s19+$0xE70] =	vst v27;
	v18 =	vmul.f32 v62, v10;
	v30 =	vadd.f32 v28, v5  }
0x16e: {  	v31 =	vld [tilespmem:$0x580];
	v20 =	vmul.f32 v24, v11;
	v32 =	vadd.f32 v23, v4;
	[tilespmem:s19+$0xEF0] =	vst v16  }
0x16f: {  	v34 =	vadd.f32 v18, v2;
	v35 =	vmul.f32 v26, v9;
	[tilespmem:s19+$0xF70] =	vst v30;
	v33 =	vld [tilespmem:$0x580]  }
0x170: {  	v37 =	vadd.f32 v20, v3;
	[tilespmem:s19+$0xFF0] =	vst v32;
	v36 =	vld [tilespmem:$0x580];
	v38 =	vmul.f32 v29, v7  }
0x171: {  	[tilespmem:s19+$0x1070] =	vst v34;
	v39 =	vld [tilespmem:$0x580];
	v40 =	vadd.f32 v35, v8  }
0x172: {  	[tilespmem:s19+$0x10F0] =	vst v37;
	v41 =	vld [tilespmem:$0x580];
	v42 =	vadd.f32 v38, v12  }
0x173: {  	v19 =	vmul.f32 v31, v1;
	v43 =	vld [tilespmem:$0x580];
	[tilespmem:s19+$0x1170] =	vst v40  }
0x174: {  	v45 =	vld [tilespmem:$0x580];
	[tilespmem:s19+$0x11F0] =	vst v42;
	v44 =	vmul.f32 v33, v15  }
0x175: {  	v46 =	vadd.f32 v19, v0;
	v47 =	vmul.f32 v36, v14;
	v48 =	vld [tilespmem:$0x580]  }
0x176: {  	v22 =	vmul.f32 v39, v13;
	v17 =	vadd.f32 v44, v6  }
0x177: {  	[tilespmem:s19+$0x1200] =	vst v46;
	v18 =	vmul.f32 v41, v10;
	v49 =	vadd.f32 v47, v5  }
0x178: {  	v50 =	vld [tilespmem:$0x590];
	v20 =	vmul.f32 v43, v11;
	v51 =	vadd.f32 v22, v4;
	[tilespmem:s19+$0x1280] =	vst v17  }
0x179: {  	v53 =	vadd.f32 v18, v2;
	v54 =	vmul.f32 v45, v9;
	[tilespmem:s19+$0x1300] =	vst v49;
	v52 =	vld [tilespmem:$0x590]  }
0x17a: {  	v56 =	vadd.f32 v20, v3;
	[tilespmem:s19+$0x1380] =	vst v51;
	v55 =	vld [tilespmem:$0x590];
	v57 =	vmul.f32 v48, v7  }
0x17b: {  	[tilespmem:s19+$0x1400] =	vst v53;
	v58 =	vld [tilespmem:$0x590];
	v59 =	vadd.f32 v54, v8  }
0x17c: {  	[tilespmem:s19+$0x1480] =	vst v56;
	v60 =	vld [tilespmem:$0x590];
	v61 =	vadd.f32 v57, v12  }
0x17d: {  	v19 =	vmul.f32 v50, v1;
	v62 =	vld [tilespmem:$0x590];
	[tilespmem:s19+$0x1500] =	vst v59  }
0x17e: {  	v24 =	vld [tilespmem:$0x590];
	[tilespmem:s19+$0x1580] =	vst v61;
	v63 =	vmul.f32 v52, v15  }
0x17f: {  	v25 =	vadd.f32 v19, v0;
	v26 =	vmul.f32 v55, v14;
	v27 =	vld [tilespmem:$0x590]  }
0x180: {  	v21 =	vmul.f32 v58, v13;
	v16 =	vadd.f32 v63, v6  }
0x181: {  	[tilespmem:s19+$0x1210] =	vst v25;
	v18 =	vmul.f32 v60, v10;
	v28 =	vadd.f32 v26, v5  }
0x182: {  	v29 =	vld [tilespmem:$0x5A0];
	v20 =	vmul.f32 v62, v11;
	v30 =	vadd.f32 v21, v4;
	[tilespmem:s19+$0x1290] =	vst v16  }
0x183: {  	v32 =	vadd.f32 v18, v2;
	v33 =	vmul.f32 v24, v9;
	[tilespmem:s19+$0x1310] =	vst v28;
	v31 =	vld [tilespmem:$0x5A0]  }
0x184: {  	v35 =	vadd.f32 v20, v3;
	[tilespmem:s19+$0x1390] =	vst v30;
	v34 =	vld [tilespmem:$0x5A0];
	v36 =	vmul.f32 v27, v7  }
0x185: {  	[tilespmem:s19+$0x1410] =	vst v32;
	v37 =	vld [tilespmem:$0x5A0];
	v38 =	vadd.f32 v33, v8  }
0x186: {  	[tilespmem:s19+$0x1490] =	vst v35;
	v39 =	vld [tilespmem:$0x5A0];
	v40 =	vadd.f32 v36, v12  }
0x187: {  	v19 =	vmul.f32 v29, v1;
	v41 =	vld [tilespmem:$0x5A0];
	[tilespmem:s19+$0x1510] =	vst v38  }
0x188: {  	v43 =	vld [tilespmem:$0x5A0];
	[tilespmem:s19+$0x1590] =	vst v40;
	v42 =	vmul.f32 v31, v15  }
0x189: {  	v44 =	vadd.f32 v19, v0;
	v45 =	vmul.f32 v34, v14;
	v46 =	vld [tilespmem:$0x5A0]  }
0x18a: {  	v23 =	vmul.f32 v37, v13;
	v17 =	vadd.f32 v42, v6  }
0x18b: {  	[tilespmem:s19+$0x1220] =	vst v44;
	v18 =	vmul.f32 v39, v10;
	v47 =	vadd.f32 v45, v5  }
0x18c: {  	v48 =	vld [tilespmem:$0x5B0];
	v20 =	vmul.f32 v41, v11;
	v49 =	vadd.f32 v23, v4;
	[tilespmem:s19+$0x12A0] =	vst v17  }
0x18d: {  	v51 =	vadd.f32 v18, v2;
	v52 =	vmul.f32 v43, v9;
	[tilespmem:s19+$0x1320] =	vst v47;
	v50 =	vld [tilespmem:$0x5B0]  }
0x18e: {  	v54 =	vadd.f32 v20, v3;
	[tilespmem:s19+$0x13A0] =	vst v49;
	v53 =	vld [tilespmem:$0x5B0];
	v55 =	vmul.f32 v46, v7  }
0x18f: {  	[tilespmem:s19+$0x1420] =	vst v51;
	v56 =	vld [tilespmem:$0x5B0];
	v57 =	vadd.f32 v52, v8  }
0x190: {  	[tilespmem:s19+$0x14A0] =	vst v54;
	v58 =	vld [tilespmem:$0x5B0];
	v59 =	vadd.f32 v55, v12  }
0x191: {  	v19 =	vmul.f32 v48, v1;
	v60 =	vld [tilespmem:$0x5B0];
	[tilespmem:s19+$0x1520] =	vst v57  }
0x192: {  	v62 =	vld [tilespmem:$0x5B0];
	[tilespmem:s19+$0x15A0] =	vst v59;
	v61 =	vmul.f32 v50, v15  }
0x193: {  	v63 =	vadd.f32 v19, v0;
	v24 =	vmul.f32 v53, v14;
	v25 =	vld [tilespmem:$0x5B0]  }
0x194: {  	v22 =	vmul.f32 v56, v13;
	v16 =	vadd.f32 v61, v6  }
0x195: {  	[tilespmem:s19+$0x1230] =	vst v63;
	v18 =	vmul.f32 v58, v10;
	v26 =	vadd.f32 v24, v5  }
0x196: {  	v27 =	vld [tilespmem:$0x5C0];
	v20 =	vmul.f32 v60, v11;
	v28 =	vadd.f32 v22, v4;
	[tilespmem:s19+$0x12B0] =	vst v16  }
0x197: {  	v30 =	vadd.f32 v18, v2;
	v31 =	vmul.f32 v62, v9;
	[tilespmem:s19+$0x1330] =	vst v26;
	v29 =	vld [tilespmem:$0x5C0]  }
0x198: {  	v33 =	vadd.f32 v20, v3;
	[tilespmem:s19+$0x13B0] =	vst v28;
	v32 =	vld [tilespmem:$0x5C0];
	v34 =	vmul.f32 v25, v7  }
0x199: {  	[tilespmem:s19+$0x1430] =	vst v30;
	v35 =	vld [tilespmem:$0x5C0];
	v36 =	vadd.f32 v31, v8  }
0x19a: {  	[tilespmem:s19+$0x14B0] =	vst v33;
	v37 =	vld [tilespmem:$0x5C0];
	v38 =	vadd.f32 v34, v12  }
0x19b: {  	v19 =	vmul.f32 v27, v1;
	v39 =	vld [tilespmem:$0x5C0];
	[tilespmem:s19+$0x1530] =	vst v36  }
0x19c: {  	v41 =	vld [tilespmem:$0x5C0];
	[tilespmem:s19+$0x15B0] =	vst v38;
	v40 =	vmul.f32 v29, v15  }
0x19d: {  	v42 =	vadd.f32 v19, v0;
	v43 =	vmul.f32 v32, v14;
	v44 =	vld [tilespmem:$0x5C0]  }
0x19e: {  	v21 =	vmul.f32 v35, v13;
	v17 =	vadd.f32 v40, v6  }
0x19f: {  	[tilespmem:s19+$0x1240] =	vst v42;
	v18 =	vmul.f32 v37, v10;
	v45 =	vadd.f32 v43, v5  }
0x1a0: {  	v46 =	vld [tilespmem:$0x5D0];
	v20 =	vmul.f32 v39, v11;
	v47 =	vadd.f32 v21, v4;
	[tilespmem:s19+$0x12C0] =	vst v17  }
0x1a1: {  	v49 =	vadd.f32 v18, v2;
	v50 =	vmul.f32 v41, v9;
	[tilespmem:s19+$0x1340] =	vst v45;
	v48 =	vld [tilespmem:$0x5D0]  }
0x1a2: {  	v52 =	vadd.f32 v20, v3;
	[tilespmem:s19+$0x13C0] =	vst v47;
	v51 =	vld [tilespmem:$0x5D0];
	v53 =	vmul.f32 v44, v7  }
0x1a3: {  	[tilespmem:s19+$0x1440] =	vst v49;
	v54 =	vld [tilespmem:$0x5D0];
	v55 =	vadd.f32 v50, v8  }
0x1a4: {  	[tilespmem:s19+$0x14C0] =	vst v52;
	v56 =	vld [tilespmem:$0x5D0];
	v57 =	vadd.f32 v53, v12  }
0x1a5: {  	v19 =	vmul.f32 v46, v1;
	v58 =	vld [tilespmem:$0x5D0];
	[tilespmem:s19+$0x1540] =	vst v55  }
0x1a6: {  	v60 =	vld [tilespmem:$0x5D0];
	[tilespmem:s19+$0x15C0] =	vst v57;
	v59 =	vmul.f32 v48, v15  }
0x1a7: {  	v61 =	vadd.f32 v19, v0;
	v62 =	vmul.f32 v51, v14;
	v63 =	vld [tilespmem:$0x5D0]  }
0x1a8: {  	v23 =	vmul.f32 v54, v13;
	v16 =	vadd.f32 v59, v6  }
0x1a9: {  	[tilespmem:s19+$0x1250] =	vst v61;
	v18 =	vmul.f32 v56, v10;
	v24 =	vadd.f32 v62, v5  }
0x1aa: {  	v25 =	vld [tilespmem:$0x5E0];
	v20 =	vmul.f32 v58, v11;
	v26 =	vadd.f32 v23, v4;
	[tilespmem:s19+$0x12D0] =	vst v16  }
0x1ab: {  	v28 =	vadd.f32 v18, v2;
	v29 =	vmul.f32 v60, v9;
	[tilespmem:s19+$0x1350] =	vst v24;
	v27 =	vld [tilespmem:$0x5E0]  }
0x1ac: {  	v31 =	vadd.f32 v20, v3;
	[tilespmem:s19+$0x13D0] =	vst v26;
	v30 =	vld [tilespmem:$0x5E0];
	v32 =	vmul.f32 v63, v7  }
0x1ad: {  	[tilespmem:s19+$0x1450] =	vst v28;
	v33 =	vld [tilespmem:$0x5E0];
	v34 =	vadd.f32 v29, v8  }
0x1ae: {  	[tilespmem:s19+$0x14D0] =	vst v31;
	v35 =	vld [tilespmem:$0x5E0];
	v36 =	vadd.f32 v32, v12  }
0x1af: {  	v19 =	vmul.f32 v25, v1;
	v37 =	vld [tilespmem:$0x5E0];
	[tilespmem:s19+$0x1550] =	vst v34  }
0x1b0: {  	v39 =	vld [tilespmem:$0x5E0];
	[tilespmem:s19+$0x15D0] =	vst v36;
	v38 =	vmul.f32 v27, v15  }
0x1b1: {  	v40 =	vadd.f32 v19, v0;
	v41 =	vmul.f32 v30, v14;
	v42 =	vld [tilespmem:$0x5E0]  }
0x1b2: {  	v22 =	vmul.f32 v33, v13;
	v17 =	vadd.f32 v38, v6  }
0x1b3: {  	[tilespmem:s19+$0x1260] =	vst v40;
	v18 =	vmul.f32 v35, v10;
	v43 =	vadd.f32 v41, v5  }
0x1b4: {  	v44 =	vld [tilespmem:$0x5F0];
	v20 =	vmul.f32 v37, v11;
	v45 =	vadd.f32 v22, v4;
	[tilespmem:s19+$0x12E0] =	vst v17  }
0x1b5: {  	v18 =	vadd.f32 v18, v2;
	v47 =	vmul.f32 v39, v9;
	[tilespmem:s19+$0x1360] =	vst v43;
	v46 =	vld [tilespmem:$0x5F0]  }
0x1b6: {  	v20 =	vadd.f32 v20, v3;
	[tilespmem:s19+$0x13E0] =	vst v45;
	v48 =	vld [tilespmem:$0x5F0];
	v21 =	vmul.f32 v42, v7  }
0x1b7: {  	[tilespmem:s19+$0x1460] =	vst v18;
	v49 =	vld [tilespmem:$0x5F0];
	v22 =	vadd.f32 v47, v8  }
0x1b8: {  	[tilespmem:s19+$0x14E0] =	vst v20;
	v50 =	vld [tilespmem:$0x5F0];
	v21 =	vadd.f32 v21, v12  }
0x1b9: {  	v1 =	vmul.f32 v44, v1;
	v51 =	vld [tilespmem:$0x5F0];
	[tilespmem:s19+$0x1560] =	vst v22  }
0x1ba: {  	v52 =	vld [tilespmem:$0x5F0];
	[tilespmem:s19+$0x15E0] =	vst v21;
	v15 =	vmul.f32 v46, v15  }
0x1bb: {  	v0 =	vadd.f32 v1, v0;
	v53 =	vmul.f32 v48, v14;
	v54 =	vld [tilespmem:$0x5F0]  }
0x1bc: {  	v13 =	vmul.f32 v49, v13;
	v6 =	vadd.f32 v15, v6  }
0x1bd: {  	[tilespmem:s19+$0x1270] =	vst v0;
	v56 =	vmul.f32 v50, v10;
	v55 =	vadd.f32 v53, v5  }
0x1be: {  	v57 =	vmul.f32 v51, v11;
	v4 =	vadd.f32 v13, v4;
	[tilespmem:s19+$0x12F0] =	vst v6  }
0x1bf: {  	p0 =	slt.u32 s17, $0x38;
	v58 =	vadd.f32 v56, v2;
	v59 =	vmul.f32 v52, v9;
	[tilespmem:s19+$0x1370] =	vst v55  }
.Ltmp1:
0x1c0: {  	v60 =	vadd.f32 v57, v3;
	[tilespmem:s19+$0x13F0] =	vst v4;
	v61 =	vmul.f32 v54, v7;
	(pc) =	sbr.rel @p0 .LBB2_5-.Ltmp1, $4  }
0x1c1: {  	[tilespmem:s19+$0x1470] =	vst v58;
	v62 =	vadd.f32 v59, v8  }
0x1c2: {  	[tilespmem:s19+$0x14F0] =	vst v60;
	v63 =	vadd.f32 v61, v12  }
0x1c3: {  	s7 =	sadd.s32 $0x8, s17;
	[tilespmem:s19+$0x1570] =	vst v62  }
0x1c4: {  	s17 =	smov.u32 s7;
	[tilespmem:s19+$0x15F0] =	vst v63  }
0x1c5: {  	s6 =	sshll.u32 s15, $0x9  }
0x1c6: {  	s7 =	sshll.u32 s15, $0xC;
	s6 =	sand.u32 $0xC00, s6  }
0x1c7: {  	s7 =	sand.u32 $0xFFF8000, s7;
	s6 =	sadd.s32 s3, s6  }
0x1c8: {  	p0 =	seq.s32 s0, $0x18;
	s6 =	sadd.s32 s7, s6  }
0x1c9: {  	[hbm4b:s6+s25] =	stream.strided.scatter [tilespmem:s28], [sflag:$0x2], $0x8000, s26, s25, $0x38;
	[tilespmem:$0x14600] =	vst v63  }
0x1ca: {  	s6 =	sadd.s32 @!p0 s13, s9;
	_ =	swait.ge [sflag:s20], $0x200  }
0x1cb: {  	s7 =	sshll.u32 @!p0 s6, $0x6;
	s13 =	sshll.u32 @!p0 s6, $0x9;
	s6 =	sshll.u32 @!p0 s6, $0x1  }
0x1cc: {  	s7 =	sand.u32 @!p0 $0xFFFF000, s7;
	s13 =	sand.u32 @!p0 $0xC00, s13;
	s6 =	sand.u32 @!p0 $0x70, s6  }
0x1cd: {  	[sflag:s20] =	ssyncset.done $0x0;
	s7 =	sor.u32 @!p0 s7, s13;
	s6 =	sadd.s32 @!p0 s1, s6  }
0x1ce: {  	[sflag:s20] =	ssyncadd.s32 $0xFFFFFE00;
	s6 =	sadd.s32 @!p0 s7, s6;
	s7 =	simm.s32 @!p0 $0x0  }
0x1cf: {  	[tilespmem:s7], [sflag:$0x1] =	stream.linear.gather @!p0 [hbm4b:s6+s7], $0x80, $0x38;
	[tilespmem:$0x14600] =	vst v63  }
0x1d0: {  	s15 =	simm.s32 @!p0 $0x100;
	s13 =	sadd.s32 @!p0 $0x80, s6  }
0x1d1: {  	[tilespmem:s15], [sflag:$0x1] =	stream.linear.gather @!p0 [hbm4b:s13+s7], $0x80, $0x38;
	[tilespmem:$0x14600] =	vst v63  }
0x1d2: {  	s13 =	sadd.s32 @!p0 $0x100, s6;
	s15 =	simm.s32 @!p0 $0x200  }
0x1d3: {  	[tilespmem:s15], [sflag:$0x1] =	stream.linear.gather @!p0 [hbm4b:s13+s7], $0x80, $0x38;
	[tilespmem:$0x14600] =	vst v63  }
0x1d4: {  	p1 =	seq.s32 @!p0 s0, $0x0;
	s6 =	sadd.s32 @!p0 $0x180, s6;
	s13 =	simm.s32 @!p0 $0x300  }
0x1d5: {  	[tilespmem:s13], [sflag:$0x1] =	stream.linear.gather @!p0 [hbm4b:s6+s7], $0x80, $0x38;
	[tilespmem:$0x14600] =	vst v63  }
0x1d6: {  	p0 =	por p0, !p1  }
0x1d7: {  	_ =	swait.ge @p0 [sflag:s30], $0x8000  }
0x1d8: {  	[sflag:s30] =	ssyncset.done @p0 $0x0  }
0x1d9: {  	s19 =	simm.s32 $0xF0;
	[sflag:s30] =	ssyncadd.s32 @p0 $0xFFFF8000  }
0x1da: {  	v2 =	vld [tilespmem:s19+$0x0]  }
0x1db: {  	v4 =	vld [tilespmem:s19+$0xFFFFFFA0]  }
0x1dc: {  	v6 =	vld [tilespmem:s19+$0xFFFFFFB0]  }
0x1dd: {  	v3 =	vld [tilespmem:s19+$0xFFFFFFC0]  }
0x1de: {  	v1 =	vld [tilespmem:s19+$0xFFFFFFD0]  }
0x1df: {  	v0 =	vld [tilespmem:s19+$0xFFFFFFE0];
	v7 =	vcvt.s32.f32 v2  }
0x1e0: {  	s6 =	simm.s32 $0x440;
	v2 =	vld [tilespmem:s19+$0xFFFFFFF0];
	v5 =	vcvt.s32.f32 v4  }
0x1e1: {  	s15 =	simm.s32 $0x0;
	s7 =	simm.s32 $0x1F0;
	v4 =	vld [tilespmem:s19+$0xFFFFFF90];
	v6 =	vcvt.s32.f32 v6;
	[tilespmem:s6+$0x30] =	vst v7  }
.LBB2_7:
0x1e2: {  	v7 =	vld [tilespmem:s7+$0x0];
	s15 =	sadd.s32 $0x8, s15;
	[tilespmem:s6+$0xFFFFFFD0] =	vst v5;
	v3 =	vcvt.s32.f32 v3  }
0x1e3: {  	v5 =	vld [tilespmem:s7+$0xFFFFFFA0];
	p0 =	slt.u32 s15, $0x18;
	[tilespmem:s6+$0xFFFFFFE0] =	vst v6;
	v1 =	vcvt.s32.f32 v1  }
0x1e4: {  	v6 =	vld [tilespmem:s7+$0xFFFFFFB0];
	[tilespmem:s6+$0xFFFFFFF0] =	vst v3;
	v0 =	vcvt.s32.f32 v0  }
.Ltmp2:
0x1e5: {  	v3 =	vld [tilespmem:s7+$0xFFFFFFC0];
	[tilespmem:s6+$0x0] =	vst v1;
	v2 =	vcvt.s32.f32 v2;
	(pc) =	sbr.rel @p0 .LBB2_7-.Ltmp2, $4  }
0x1e6: {  	v1 =	vld [tilespmem:s7+$0xFFFFFFD0];
	v4 =	vcvt.s32.f32 v4;
	[tilespmem:s6+$0x10] =	vst v0  }
0x1e7: {  	v0 =	vld [tilespmem:s7+$0xFFFFFFE0];
	v7 =	vcvt.s32.f32 v7;
	[tilespmem:s6+$0x20] =	vst v2  }
0x1e8: {  	v5 =	vcvt.s32.f32 v5;
	v2 =	vld [tilespmem:s7+$0xFFFFFFF0];
	[tilespmem:s6+$0xFFFFFFC0] =	vst v4;
	s6 =	sadd.s32 $0x80, s6  }
0x1e9: {  	s13 =	simm.s32 $0x0;
	v4 =	vld [tilespmem:s7+$0xFFFFFF90];
	v6 =	vcvt.s32.f32 v6;
	[tilespmem:s6+$0x30] =	vst v7;
	s7 =	sadd.s32 $0x100, s7  }
0x1ea: {  	[tilespmem:s6+$0xFFFFFFD0] =	vst v5;
	v3 =	vcvt.s32.f32 v3  }
0x1eb: {  	[tilespmem:s6+$0xFFFFFFE0] =	vst v6;
	v1 =	vcvt.s32.f32 v1  }
0x1ec: {  	[tilespmem:s6+$0xFFFFFFF0] =	vst v3;
	v0 =	vcvt.s32.f32 v0  }
0x1ed: {  	[tilespmem:s6+$0x0] =	vst v1;
	v62 =	vcvt.s32.f32 v2  }
0x1ee: {  	v63 =	vcvt.s32.f32 v4;
	[tilespmem:s6+$0x10] =	vst v0  }
0x1ef: {  	[tilespmem:s6+$0x20] =	vst v62  }
0x1f0: {  	[tilespmem:s6+$0xFFFFFFC0] =	vst v63  }
.LBB2_9:
0x1f1: {  	s6 =	sshll.u32 s13, $0x7;
	v8 =	vld [tilespmem:$0x400]  }
0x1f2: {  	v1 =	vld [tilespmem:s6+$0x12600];
	_ =	sdelay $0x1  }
0x1f3: {  	v0 =	vld [tilespmem:s6+$0x10600];
	_ =	sdelay $0x2  }
0x1f4: {  	v2 =	vmul.f32 v8, v1;
	_ =	sdelay $0x1  }
0x1f5: {  	s7 =	sshll.u32 s13, $0x9;
	v2 =	vadd.f32 v2, v0  }
0x1f6: {  	s15 =	sand.u32 $0x3FFFFE00, s7  }
0x1f7: {  	[tilespmem:s15+$0x8600] =	vst v2  }
0x1f8: {  	v2 =	vld [tilespmem:$0x410];
	_ =	sdelay $0x4  }
0x1f9: {  	v2 =	vmul.f32 v2, v1;
	_ =	sdelay $0x1  }
0x1fa: {  	v2 =	vadd.f32 v2, v0;
	_ =	sdelay $0x1  }
0x1fb: {  	[tilespmem:s15+$0x8610] =	vst v2  }
0x1fc: {  	v2 =	vld [tilespmem:$0x420];
	_ =	sdelay $0x4  }
0x1fd: {  	v2 =	vmul.f32 v2, v1;
	_ =	sdelay $0x1  }
0x1fe: {  	v2 =	vadd.f32 v2, v0;
	_ =	sdelay $0x1  }
0x1ff: {  	[tilespmem:s15+$0x8620] =	vst v2  }
0x200: {  	v2 =	vld [tilespmem:$0x430];
	_ =	sdelay $0x4  }
0x201: {  	v2 =	vmul.f32 v2, v1;
	_ =	sdelay $0x1  }
0x202: {  	v2 =	vadd.f32 v2, v0;
	_ =	sdelay $0x1  }
0x203: {  	[tilespmem:s15+$0x8630] =	vst v2  }
0x204: {  	v2 =	vld [tilespmem:$0x440];
	_ =	sdelay $0x4  }
0x205: {  	v2 =	vmul.f32 v2, v1;
	_ =	sdelay $0x1  }
0x206: {  	v2 =	vadd.f32 v2, v0;
	_ =	sdelay $0x1  }
0x207: {  	[tilespmem:s15+$0x8640] =	vst v2  }
0x208: {  	v2 =	vld [tilespmem:$0x450];
	_ =	sdelay $0x4  }
0x209: {  	v2 =	vmul.f32 v2, v1;
	_ =	sdelay $0x1  }
0x20a: {  	v2 =	vadd.f32 v2, v0;
	_ =	sdelay $0x1  }
0x20b: {  	[tilespmem:s15+$0x8650] =	vst v2  }
0x20c: {  	v2 =	vld [tilespmem:$0x460];
	_ =	sdelay $0x4  }
0x20d: {  	v2 =	vmul.f32 v2, v1;
	_ =	sdelay $0x1  }
0x20e: {  	v2 =	vadd.f32 v2, v0;
	_ =	sdelay $0x1  }
0x20f: {  	[tilespmem:s15+$0x8660] =	vst v2  }
0x210: {  	v2 =	vld [tilespmem:$0x470];
	_ =	sdelay $0x4  }
0x211: {  	v2 =	vmul.f32 v2, v1;
	_ =	sdelay $0x1  }
0x212: {  	v2 =	vadd.f32 v2, v0;
	_ =	sdelay $0x1  }
0x213: {  	[tilespmem:s15+$0x8670] =	vst v2  }
0x214: {  	v2 =	vld [tilespmem:$0x480];
	_ =	sdelay $0x4  }
0x215: {  	v2 =	vmul.f32 v2, v1;
	_ =	sdelay $0x1  }
0x216: {  	v2 =	vadd.f32 v2, v0;
	_ =	sdelay $0x1  }
0x217: {  	[tilespmem:s15+$0x8A00] =	vst v2  }
0x218: {  	v2 =	vld [tilespmem:$0x490];
	_ =	sdelay $0x4  }
0x219: {  	v2 =	vmul.f32 v2, v1;
	_ =	sdelay $0x1  }
0x21a: {  	v2 =	vadd.f32 v2, v0;
	_ =	sdelay $0x1  }
0x21b: {  	[tilespmem:s15+$0x8A10] =	vst v2  }
0x21c: {  	v16 =	vld [tilespmem:$0x4A0]  }
0x21d: {  	v6 =	vld [tilespmem:s6+$0x10680]  }
0x21e: {  	v15 =	vld [tilespmem:s6+$0x12680]  }
0x21f: {  	v5 =	vld [tilespmem:s6+$0x10700]  }
0x220: {  	v14 =	vld [tilespmem:s6+$0x12700]  }
0x221: {  	v4 =	vld [tilespmem:s6+$0x10780]  }
0x222: {  	v13 =	vld [tilespmem:s6+$0x12780]  }
0x223: {  	v2 =	vld [tilespmem:s6+$0x10800]  }
0x224: {  	v10 =	vld [tilespmem:s6+$0x12800]  }
0x225: {  	v17 =	vld [tilespmem:$0x400]  }
0x226: {  	v3 =	vld [tilespmem:s6+$0x10880]  }
0x227: {  	v11 =	vld [tilespmem:s6+$0x12880]  }
0x228: {  	v9 =	vld [tilespmem:s6+$0x12900];
	v12 =	vmul.f32 v15, v8  }
0x229: {  	v7 =	vld [tilespmem:s6+$0x12980];
	v18 =	vmul.f32 v14, v8  }
0x22a: {  	v20 =	vmul.f32 v13, v8;
	v8 =	vld [tilespmem:s6+$0x10900];
	v19 =	vadd.f32 v12, v6  }
0x22b: {  	v21 =	vmul.f32 v17, v10;
	v18 =	vadd.f32 v18, v5;
	v12 =	vld [tilespmem:s6+$0x10980]  }
0x22c: {  	v27 =	vmul.f32 v11, v17;
	v26 =	vadd.f32 v20, v4;
	[tilespmem:s15+$0x8680] =	vst v19  }
0x22d: {  	v29 =	vmul.f32 v9, v17;
	v28 =	vadd.f32 v21, v2;
	[tilespmem:s15+$0x8700] =	vst v18;
	v22 =	vld [tilespmem:$0x410]  }
0x22e: {  	v17 =	vmul.f32 v7, v17;
	v30 =	vadd.f32 v27, v3;
	[tilespmem:s15+$0x8780] =	vst v26;
	v23 =	vld [tilespmem:$0x410]  }
0x22f: {  	[tilespmem:s15+$0x8800] =	vst v28;
	v31 =	vld [tilespmem:$0x410];
	v32 =	vadd.f32 v29, v8  }
0x230: {  	[tilespmem:s15+$0x8880] =	vst v30;
	v33 =	vld [tilespmem:$0x410];
	v17 =	vadd.f32 v17, v12  }
0x231: {  	v19 =	vld [tilespmem:$0x410];
	[tilespmem:s15+$0x8900] =	vst v32  }
0x232: {  	v35 =	vld [tilespmem:$0x410];
	[tilespmem:s15+$0x8980] =	vst v17;
	v34 =	vmul.f32 v22, v15  }
0x233: {  	v36 =	vmul.f32 v23, v14;
	v37 =	vld [tilespmem:$0x410]  }
0x234: {  	v20 =	vmul.f32 v31, v13;
	v18 =	vadd.f32 v34, v6  }
0x235: {  	v21 =	vmul.f32 v33, v10;
	v17 =	vadd.f32 v36, v5  }
0x236: {  	v19 =	vmul.f32 v19, v11;
	v38 =	vadd.f32 v20, v4;
	[tilespmem:s15+$0x8690] =	vst v18  }
0x237: {  	v40 =	vadd.f32 v21, v2;
	v41 =	vmul.f32 v35, v9;
	[tilespmem:s15+$0x8710] =	vst v17;
	v39 =	vld [tilespmem:$0x420]  }
0x238: {  	v43 =	vadd.f32 v19, v3;
	[tilespmem:s15+$0x8790] =	vst v38;
	v42 =	vld [tilespmem:$0x420];
	v44 =	vmul.f32 v37, v7  }
0x239: {  	[tilespmem:s15+$0x8810] =	vst v40;
	v45 =	vld [tilespmem:$0x420];
	v46 =	vadd.f32 v41, v8  }
0x23a: {  	[tilespmem:s15+$0x8890] =	vst v43;
	v47 =	vld [tilespmem:$0x420];
	v48 =	vadd.f32 v44, v12  }
0x23b: {  	v49 =	vld [tilespmem:$0x420];
	[tilespmem:s15+$0x8910] =	vst v46  }
0x23c: {  	v51 =	vld [tilespmem:$0x420];
	[tilespmem:s15+$0x8990] =	vst v48;
	v50 =	vmul.f32 v39, v15  }
0x23d: {  	v52 =	vmul.f32 v42, v14;
	v53 =	vld [tilespmem:$0x420]  }
0x23e: {  	v23 =	vmul.f32 v45, v13;
	v17 =	vadd.f32 v50, v6  }
0x23f: {  	v21 =	vmul.f32 v47, v10;
	v18 =	vadd.f32 v52, v5  }
0x240: {  	v19 =	vmul.f32 v49, v11;
	v54 =	vadd.f32 v23, v4;
	[tilespmem:s15+$0x86A0] =	vst v17  }
0x241: {  	v56 =	vadd.f32 v21, v2;
	v20 =	vmul.f32 v51, v9;
	[tilespmem:s15+$0x8720] =	vst v18;
	v55 =	vld [tilespmem:$0x430]  }
0x242: {  	v58 =	vadd.f32 v19, v3;
	[tilespmem:s15+$0x87A0] =	vst v54;
	v57 =	vld [tilespmem:$0x430];
	v59 =	vmul.f32 v53, v7  }
0x243: {  	[tilespmem:s15+$0x8820] =	vst v56;
	v60 =	vld [tilespmem:$0x430];
	v61 =	vadd.f32 v20, v8  }
0x244: {  	[tilespmem:s15+$0x88A0] =	vst v58;
	v62 =	vld [tilespmem:$0x430];
	v63 =	vadd.f32 v59, v12  }
0x245: {  	v24 =	vld [tilespmem:$0x430];
	[tilespmem:s15+$0x8920] =	vst v61  }
0x246: {  	v26 =	vld [tilespmem:$0x430];
	[tilespmem:s15+$0x89A0] =	vst v63;
	v25 =	vmul.f32 v55, v15  }
0x247: {  	v27 =	vmul.f32 v57, v14;
	v28 =	vld [tilespmem:$0x430]  }
0x248: {  	v22 =	vmul.f32 v60, v13;
	v18 =	vadd.f32 v25, v6  }
0x249: {  	v20 =	vmul.f32 v62, v10;
	v17 =	vadd.f32 v27, v5  }
0x24a: {  	v19 =	vmul.f32 v24, v11;
	v29 =	vadd.f32 v22, v4;
	[tilespmem:s15+$0x86B0] =	vst v18  }
0x24b: {  	v31 =	vadd.f32 v20, v2;
	v32 =	vmul.f32 v26, v9;
	[tilespmem:s15+$0x8730] =	vst v17;
	v30 =	vld [tilespmem:$0x440]  }
0x24c: {  	v34 =	vadd.f32 v19, v3;
	[tilespmem:s15+$0x87B0] =	vst v29;
	v33 =	vld [tilespmem:$0x440];
	v35 =	vmul.f32 v28, v7  }
0x24d: {  	[tilespmem:s15+$0x8830] =	vst v31;
	v36 =	vld [tilespmem:$0x440];
	v37 =	vadd.f32 v32, v8  }
0x24e: {  	[tilespmem:s15+$0x88B0] =	vst v34;
	v38 =	vld [tilespmem:$0x440];
	v39 =	vadd.f32 v35, v12  }
0x24f: {  	v40 =	vld [tilespmem:$0x440];
	[tilespmem:s15+$0x8930] =	vst v37  }
0x250: {  	v42 =	vld [tilespmem:$0x440];
	[tilespmem:s15+$0x89B0] =	vst v39;
	v41 =	vmul.f32 v30, v15  }
0x251: {  	v43 =	vmul.f32 v33, v14;
	v44 =	vld [tilespmem:$0x440]  }
0x252: {  	v21 =	vmul.f32 v36, v13;
	v17 =	vadd.f32 v41, v6  }
0x253: {  	v20 =	vmul.f32 v38, v10;
	v18 =	vadd.f32 v43, v5  }
0x254: {  	v19 =	vmul.f32 v40, v11;
	v45 =	vadd.f32 v21, v4;
	[tilespmem:s15+$0x86C0] =	vst v17  }
0x255: {  	v47 =	vadd.f32 v20, v2;
	v48 =	vmul.f32 v42, v9;
	[tilespmem:s15+$0x8740] =	vst v18;
	v46 =	vld [tilespmem:$0x450]  }
0x256: {  	v50 =	vadd.f32 v19, v3;
	[tilespmem:s15+$0x87C0] =	vst v45;
	v49 =	vld [tilespmem:$0x450];
	v51 =	vmul.f32 v44, v7  }
0x257: {  	[tilespmem:s15+$0x8840] =	vst v47;
	v52 =	vld [tilespmem:$0x450];
	v53 =	vadd.f32 v48, v8  }
0x258: {  	[tilespmem:s15+$0x88C0] =	vst v50;
	v54 =	vld [tilespmem:$0x450];
	v55 =	vadd.f32 v51, v12  }
0x259: {  	v56 =	vld [tilespmem:$0x450];
	[tilespmem:s15+$0x8940] =	vst v53  }
0x25a: {  	v58 =	vld [tilespmem:$0x450];
	[tilespmem:s15+$0x89C0] =	vst v55;
	v57 =	vmul.f32 v46, v15  }
0x25b: {  	v59 =	vmul.f32 v49, v14;
	v60 =	vld [tilespmem:$0x450]  }
0x25c: {  	v23 =	vmul.f32 v52, v13;
	v18 =	vadd.f32 v57, v6  }
0x25d: {  	v20 =	vmul.f32 v54, v10;
	v17 =	vadd.f32 v59, v5  }
0x25e: {  	v19 =	vmul.f32 v56, v11;
	v61 =	vadd.f32 v23, v4;
	[tilespmem:s15+$0x86D0] =	vst v18  }
0x25f: {  	v63 =	vadd.f32 v20, v2;
	v24 =	vmul.f32 v58, v9;
	[tilespmem:s15+$0x8750] =	vst v17;
	v62 =	vld [tilespmem:$0x460]  }
0x260: {  	v26 =	vadd.f32 v19, v3;
	[tilespmem:s15+$0x87D0] =	vst v61;
	v25 =	vld [tilespmem:$0x460];
	v27 =	vmul.f32 v60, v7  }
0x261: {  	[tilespmem:s15+$0x8850] =	vst v63;
	v28 =	vld [tilespmem:$0x460];
	v29 =	vadd.f32 v24, v8  }
0x262: {  	[tilespmem:s15+$0x88D0] =	vst v26;
	v30 =	vld [tilespmem:$0x460];
	v31 =	vadd.f32 v27, v12  }
0x263: {  	v32 =	vld [tilespmem:$0x460];
	[tilespmem:s15+$0x8950] =	vst v29  }
0x264: {  	v34 =	vld [tilespmem:$0x460];
	[tilespmem:s15+$0x89D0] =	vst v31;
	v33 =	vmul.f32 v62, v15  }
0x265: {  	v35 =	vmul.f32 v25, v14;
	v36 =	vld [tilespmem:$0x460]  }
0x266: {  	v22 =	vmul.f32 v28, v13;
	v17 =	vadd.f32 v33, v6  }
0x267: {  	v20 =	vmul.f32 v30, v10;
	v18 =	vadd.f32 v35, v5  }
0x268: {  	v19 =	vmul.f32 v32, v11;
	v37 =	vadd.f32 v22, v4;
	[tilespmem:s15+$0x86E0] =	vst v17  }
0x269: {  	v39 =	vadd.f32 v20, v2;
	v40 =	vmul.f32 v34, v9;
	[tilespmem:s15+$0x8760] =	vst v18;
	v38 =	vld [tilespmem:$0x470]  }
0x26a: {  	v42 =	vadd.f32 v19, v3;
	[tilespmem:s15+$0x87E0] =	vst v37;
	v41 =	vld [tilespmem:$0x470];
	v43 =	vmul.f32 v36, v7  }
0x26b: {  	[tilespmem:s15+$0x8860] =	vst v39;
	v44 =	vld [tilespmem:$0x470];
	v45 =	vadd.f32 v40, v8  }
0x26c: {  	[tilespmem:s15+$0x88E0] =	vst v42;
	v46 =	vld [tilespmem:$0x470];
	v47 =	vadd.f32 v43, v12  }
0x26d: {  	v48 =	vld [tilespmem:$0x470];
	[tilespmem:s15+$0x8960] =	vst v45  }
0x26e: {  	v50 =	vld [tilespmem:$0x470];
	[tilespmem:s15+$0x89E0] =	vst v47;
	v49 =	vmul.f32 v38, v15  }
0x26f: {  	v51 =	vmul.f32 v41, v14;
	v52 =	vld [tilespmem:$0x470]  }
0x270: {  	v21 =	vmul.f32 v44, v13;
	v18 =	vadd.f32 v49, v6  }
0x271: {  	v20 =	vmul.f32 v46, v10;
	v17 =	vadd.f32 v51, v5  }
0x272: {  	v19 =	vmul.f32 v48, v11;
	v53 =	vadd.f32 v21, v4;
	[tilespmem:s15+$0x86F0] =	vst v18  }
0x273: {  	v55 =	vadd.f32 v20, v2;
	v56 =	vmul.f32 v50, v9;
	[tilespmem:s15+$0x8770] =	vst v17;
	v54 =	vld [tilespmem:$0x480]  }
0x274: {  	v58 =	vadd.f32 v19, v3;
	[tilespmem:s15+$0x87F0] =	vst v53;
	v57 =	vld [tilespmem:$0x480];
	v59 =	vmul.f32 v52, v7  }
0x275: {  	[tilespmem:s15+$0x8870] =	vst v55;
	v60 =	vld [tilespmem:$0x480];
	v61 =	vadd.f32 v56, v8  }
0x276: {  	[tilespmem:s15+$0x88F0] =	vst v58;
	v62 =	vld [tilespmem:$0x480];
	v63 =	vadd.f32 v59, v12  }
0x277: {  	v24 =	vld [tilespmem:$0x480];
	[tilespmem:s15+$0x8970] =	vst v61  }
0x278: {  	v26 =	vld [tilespmem:$0x480];
	[tilespmem:s15+$0x89F0] =	vst v63;
	v25 =	vmul.f32 v54, v15  }
0x279: {  	v27 =	vmul.f32 v57, v14;
	v28 =	vld [tilespmem:$0x480]  }
0x27a: {  	v23 =	vmul.f32 v60, v13;
	v17 =	vadd.f32 v25, v6  }
0x27b: {  	v20 =	vmul.f32 v62, v10;
	v18 =	vadd.f32 v27, v5  }
0x27c: {  	v19 =	vmul.f32 v24, v11;
	v29 =	vadd.f32 v23, v4;
	[tilespmem:s15+$0x8A80] =	vst v17  }
0x27d: {  	v31 =	vadd.f32 v20, v2;
	v32 =	vmul.f32 v26, v9;
	[tilespmem:s15+$0x8B00] =	vst v18;
	v30 =	vld [tilespmem:$0x490]  }
0x27e: {  	v34 =	vadd.f32 v19, v3;
	[tilespmem:s15+$0x8B80] =	vst v29;
	v33 =	vld [tilespmem:$0x490];
	v35 =	vmul.f32 v28, v7  }
0x27f: {  	[tilespmem:s15+$0x8C00] =	vst v31;
	v36 =	vld [tilespmem:$0x490];
	v37 =	vadd.f32 v32, v8  }
0x280: {  	[tilespmem:s15+$0x8C80] =	vst v34;
	v38 =	vld [tilespmem:$0x490];
	v39 =	vadd.f32 v35, v12  }
0x281: {  	v40 =	vld [tilespmem:$0x490];
	[tilespmem:s15+$0x8D00] =	vst v37  }
0x282: {  	v42 =	vld [tilespmem:$0x490];
	[tilespmem:s15+$0x8D80] =	vst v39;
	v41 =	vmul.f32 v30, v15  }
0x283: {  	v43 =	vmul.f32 v33, v14;
	v44 =	vld [tilespmem:$0x490]  }
0x284: {  	v22 =	vmul.f32 v36, v13;
	v18 =	vadd.f32 v41, v6  }
0x285: {  	v20 =	vmul.f32 v38, v10;
	v17 =	vadd.f32 v43, v5  }
0x286: {  	v19 =	vmul.f32 v40, v11;
	v45 =	vadd.f32 v22, v4;
	[tilespmem:s15+$0x8A90] =	vst v18  }
0x287: {  	v47 =	vadd.f32 v20, v2;
	v48 =	vmul.f32 v42, v9;
	[tilespmem:s15+$0x8B10] =	vst v17;
	v46 =	vld [tilespmem:$0x4A0]  }
0x288: {  	v50 =	vadd.f32 v19, v3;
	[tilespmem:s15+$0x8B90] =	vst v45;
	v49 =	vld [tilespmem:$0x4A0];
	v51 =	vmul.f32 v44, v7  }
0x289: {  	[tilespmem:s15+$0x8C10] =	vst v47;
	v52 =	vld [tilespmem:$0x4A0];
	v53 =	vadd.f32 v48, v8  }
0x28a: {  	[tilespmem:s15+$0x8C90] =	vst v50;
	v54 =	vld [tilespmem:$0x4A0];
	v55 =	vadd.f32 v51, v12  }
0x28b: {  	v16 =	vmul.f32 v16, v1;
	v56 =	vld [tilespmem:$0x4A0];
	[tilespmem:s15+$0x8D10] =	vst v53  }
0x28c: {  	v58 =	vld [tilespmem:$0x4A0];
	[tilespmem:s15+$0x8D90] =	vst v55;
	v57 =	vmul.f32 v46, v15  }
0x28d: {  	v16 =	vadd.f32 v16, v0;
	v59 =	vmul.f32 v49, v14;
	v60 =	vld [tilespmem:$0x4A0]  }
0x28e: {  	v21 =	vmul.f32 v52, v13;
	v17 =	vadd.f32 v57, v6  }
0x28f: {  	[tilespmem:s15+$0x8A20] =	vst v16;
	v62 =	vmul.f32 v54, v10;
	v61 =	vadd.f32 v59, v5  }
0x290: {  	v63 =	vld [tilespmem:$0x4B0];
	v19 =	vmul.f32 v56, v11;
	v24 =	vadd.f32 v21, v4;
	[tilespmem:s15+$0x8AA0] =	vst v17  }
0x291: {  	v26 =	vadd.f32 v62, v2;
	v27 =	vmul.f32 v58, v9;
	[tilespmem:s15+$0x8B20] =	vst v61;
	v25 =	vld [tilespmem:$0x4B0]  }
0x292: {  	v29 =	vadd.f32 v19, v3;
	[tilespmem:s15+$0x8BA0] =	vst v24;
	v28 =	vld [tilespmem:$0x4B0];
	v30 =	vmul.f32 v60, v7  }
0x293: {  	[tilespmem:s15+$0x8C20] =	vst v26;
	v31 =	vld [tilespmem:$0x4B0];
	v32 =	vadd.f32 v27, v8  }
0x294: {  	[tilespmem:s15+$0x8CA0] =	vst v29;
	v33 =	vld [tilespmem:$0x4B0];
	v34 =	vadd.f32 v30, v12  }
0x295: {  	v35 =	vmul.f32 v63, v1;
	v36 =	vld [tilespmem:$0x4B0];
	[tilespmem:s15+$0x8D20] =	vst v32  }
0x296: {  	v38 =	vld [tilespmem:$0x4B0];
	[tilespmem:s15+$0x8DA0] =	vst v34;
	v37 =	vmul.f32 v25, v15  }
0x297: {  	v39 =	vadd.f32 v35, v0;
	v40 =	vmul.f32 v28, v14;
	v41 =	vld [tilespmem:$0x4B0]  }
0x298: {  	v23 =	vmul.f32 v31, v13;
	v16 =	vadd.f32 v37, v6  }
0x299: {  	[tilespmem:s15+$0x8A30] =	vst v39;
	v18 =	vmul.f32 v33, v10;
	v42 =	vadd.f32 v40, v5  }
0x29a: {  	v43 =	vld [tilespmem:$0x4C0];
	v20 =	vmul.f32 v36, v11;
	v44 =	vadd.f32 v23, v4;
	[tilespmem:s15+$0x8AB0] =	vst v16  }
0x29b: {  	v46 =	vadd.f32 v18, v2;
	v47 =	vmul.f32 v38, v9;
	[tilespmem:s15+$0x8B30] =	vst v42;
	v45 =	vld [tilespmem:$0x4C0]  }
0x29c: {  	v49 =	vadd.f32 v20, v3;
	[tilespmem:s15+$0x8BB0] =	vst v44;
	v48 =	vld [tilespmem:$0x4C0];
	v50 =	vmul.f32 v41, v7  }
0x29d: {  	[tilespmem:s15+$0x8C30] =	vst v46;
	v51 =	vld [tilespmem:$0x4C0];
	v52 =	vadd.f32 v47, v8  }
0x29e: {  	[tilespmem:s15+$0x8CB0] =	vst v49;
	v53 =	vld [tilespmem:$0x4C0];
	v54 =	vadd.f32 v50, v12  }
0x29f: {  	v19 =	vmul.f32 v43, v1;
	v55 =	vld [tilespmem:$0x4C0];
	[tilespmem:s15+$0x8D30] =	vst v52  }
0x2a0: {  	v57 =	vld [tilespmem:$0x4C0];
	[tilespmem:s15+$0x8DB0] =	vst v54;
	v56 =	vmul.f32 v45, v15  }
0x2a1: {  	v58 =	vadd.f32 v19, v0;
	v59 =	vmul.f32 v48, v14;
	v60 =	vld [tilespmem:$0x4C0]  }
0x2a2: {  	v22 =	vmul.f32 v51, v13;
	v17 =	vadd.f32 v56, v6  }
0x2a3: {  	[tilespmem:s15+$0x8A40] =	vst v58;
	v18 =	vmul.f32 v53, v10;
	v61 =	vadd.f32 v59, v5  }
0x2a4: {  	v62 =	vld [tilespmem:$0x4D0];
	v20 =	vmul.f32 v55, v11;
	v63 =	vadd.f32 v22, v4;
	[tilespmem:s15+$0x8AC0] =	vst v17  }
0x2a5: {  	v25 =	vadd.f32 v18, v2;
	v26 =	vmul.f32 v57, v9;
	[tilespmem:s15+$0x8B40] =	vst v61;
	v24 =	vld [tilespmem:$0x4D0]  }
0x2a6: {  	v28 =	vadd.f32 v20, v3;
	[tilespmem:s15+$0x8BC0] =	vst v63;
	v27 =	vld [tilespmem:$0x4D0];
	v29 =	vmul.f32 v60, v7  }
0x2a7: {  	[tilespmem:s15+$0x8C40] =	vst v25;
	v30 =	vld [tilespmem:$0x4D0];
	v31 =	vadd.f32 v26, v8  }
0x2a8: {  	[tilespmem:s15+$0x8CC0] =	vst v28;
	v32 =	vld [tilespmem:$0x4D0];
	v33 =	vadd.f32 v29, v12  }
0x2a9: {  	v19 =	vmul.f32 v62, v1;
	v34 =	vld [tilespmem:$0x4D0];
	[tilespmem:s15+$0x8D40] =	vst v31  }
0x2aa: {  	v36 =	vld [tilespmem:$0x4D0];
	[tilespmem:s15+$0x8DC0] =	vst v33;
	v35 =	vmul.f32 v24, v15  }
0x2ab: {  	v37 =	vadd.f32 v19, v0;
	v38 =	vmul.f32 v27, v14;
	v39 =	vld [tilespmem:$0x4D0]  }
0x2ac: {  	v21 =	vmul.f32 v30, v13;
	v16 =	vadd.f32 v35, v6  }
0x2ad: {  	[tilespmem:s15+$0x8A50] =	vst v37;
	v18 =	vmul.f32 v32, v10;
	v40 =	vadd.f32 v38, v5  }
0x2ae: {  	v41 =	vld [tilespmem:$0x4E0];
	v20 =	vmul.f32 v34, v11;
	v42 =	vadd.f32 v21, v4;
	[tilespmem:s15+$0x8AD0] =	vst v16  }
0x2af: {  	v44 =	vadd.f32 v18, v2;
	v45 =	vmul.f32 v36, v9;
	[tilespmem:s15+$0x8B50] =	vst v40;
	v43 =	vld [tilespmem:$0x4E0]  }
0x2b0: {  	v47 =	vadd.f32 v20, v3;
	[tilespmem:s15+$0x8BD0] =	vst v42;
	v46 =	vld [tilespmem:$0x4E0];
	v48 =	vmul.f32 v39, v7  }
0x2b1: {  	[tilespmem:s15+$0x8C50] =	vst v44;
	v49 =	vld [tilespmem:$0x4E0];
	v50 =	vadd.f32 v45, v8  }
0x2b2: {  	[tilespmem:s15+$0x8CD0] =	vst v47;
	v51 =	vld [tilespmem:$0x4E0];
	v52 =	vadd.f32 v48, v12  }
0x2b3: {  	v19 =	vmul.f32 v41, v1;
	v53 =	vld [tilespmem:$0x4E0];
	[tilespmem:s15+$0x8D50] =	vst v50  }
0x2b4: {  	v55 =	vld [tilespmem:$0x4E0];
	[tilespmem:s15+$0x8DD0] =	vst v52;
	v54 =	vmul.f32 v43, v15  }
0x2b5: {  	v56 =	vadd.f32 v19, v0;
	v57 =	vmul.f32 v46, v14;
	v58 =	vld [tilespmem:$0x4E0]  }
0x2b6: {  	v23 =	vmul.f32 v49, v13;
	v17 =	vadd.f32 v54, v6  }
0x2b7: {  	[tilespmem:s15+$0x8A60] =	vst v56;
	v18 =	vmul.f32 v51, v10;
	v59 =	vadd.f32 v57, v5  }
0x2b8: {  	v60 =	vld [tilespmem:$0x4F0];
	v20 =	vmul.f32 v53, v11;
	v61 =	vadd.f32 v23, v4;
	[tilespmem:s15+$0x8AE0] =	vst v17  }
0x2b9: {  	v63 =	vadd.f32 v18, v2;
	v24 =	vmul.f32 v55, v9;
	[tilespmem:s15+$0x8B60] =	vst v59;
	v62 =	vld [tilespmem:$0x4F0]  }
0x2ba: {  	v26 =	vadd.f32 v20, v3;
	[tilespmem:s15+$0x8BE0] =	vst v61;
	v25 =	vld [tilespmem:$0x4F0];
	v27 =	vmul.f32 v58, v7  }
0x2bb: {  	[tilespmem:s15+$0x8C60] =	vst v63;
	v28 =	vld [tilespmem:$0x4F0];
	v29 =	vadd.f32 v24, v8  }
0x2bc: {  	[tilespmem:s15+$0x8CE0] =	vst v26;
	v30 =	vld [tilespmem:$0x4F0];
	v31 =	vadd.f32 v27, v12  }
0x2bd: {  	v19 =	vmul.f32 v60, v1;
	v32 =	vld [tilespmem:$0x4F0];
	[tilespmem:s15+$0x8D60] =	vst v29  }
0x2be: {  	v34 =	vld [tilespmem:$0x4F0];
	[tilespmem:s15+$0x8DE0] =	vst v31;
	v33 =	vmul.f32 v62, v15  }
0x2bf: {  	v35 =	vadd.f32 v19, v0;
	v36 =	vmul.f32 v25, v14;
	v37 =	vld [tilespmem:$0x4F0]  }
0x2c0: {  	v22 =	vmul.f32 v28, v13;
	v16 =	vadd.f32 v33, v6  }
0x2c1: {  	[tilespmem:s15+$0x8A70] =	vst v35;
	v18 =	vmul.f32 v30, v10;
	v38 =	vadd.f32 v36, v5  }
0x2c2: {  	v39 =	vld [tilespmem:$0x500];
	v20 =	vmul.f32 v32, v11;
	v40 =	vadd.f32 v22, v4;
	[tilespmem:s15+$0x8AF0] =	vst v16  }
0x2c3: {  	v42 =	vadd.f32 v18, v2;
	v43 =	vmul.f32 v34, v9;
	[tilespmem:s15+$0x8B70] =	vst v38;
	v41 =	vld [tilespmem:$0x500]  }
0x2c4: {  	v45 =	vadd.f32 v20, v3;
	[tilespmem:s15+$0x8BF0] =	vst v40;
	v44 =	vld [tilespmem:$0x500];
	v46 =	vmul.f32 v37, v7  }
0x2c5: {  	[tilespmem:s15+$0x8C70] =	vst v42;
	v47 =	vld [tilespmem:$0x500];
	v48 =	vadd.f32 v43, v8  }
0x2c6: {  	[tilespmem:s15+$0x8CF0] =	vst v45;
	v49 =	vld [tilespmem:$0x500];
	v50 =	vadd.f32 v46, v12  }
0x2c7: {  	v19 =	vmul.f32 v39, v1;
	v51 =	vld [tilespmem:$0x500];
	[tilespmem:s15+$0x8D70] =	vst v48  }
0x2c8: {  	v53 =	vld [tilespmem:$0x500];
	[tilespmem:s15+$0x8DF0] =	vst v50;
	v52 =	vmul.f32 v41, v15  }
0x2c9: {  	v54 =	vadd.f32 v19, v0;
	v55 =	vmul.f32 v44, v14;
	v56 =	vld [tilespmem:$0x500]  }
0x2ca: {  	v21 =	vmul.f32 v47, v13;
	v17 =	vadd.f32 v52, v6  }
0x2cb: {  	[tilespmem:s15+$0x8E00] =	vst v54;
	v18 =	vmul.f32 v49, v10;
	v57 =	vadd.f32 v55, v5  }
0x2cc: {  	v58 =	vld [tilespmem:$0x510];
	v20 =	vmul.f32 v51, v11;
	v59 =	vadd.f32 v21, v4;
	[tilespmem:s15+$0x8E80] =	vst v17  }
0x2cd: {  	v61 =	vadd.f32 v18, v2;
	v62 =	vmul.f32 v53, v9;
	[tilespmem:s15+$0x8F00] =	vst v57;
	v60 =	vld [tilespmem:$0x510]  }
0x2ce: {  	v24 =	vadd.f32 v20, v3;
	[tilespmem:s15+$0x8F80] =	vst v59;
	v63 =	vld [tilespmem:$0x510];
	v25 =	vmul.f32 v56, v7  }
0x2cf: {  	[tilespmem:s15+$0x9000] =	vst v61;
	v26 =	vld [tilespmem:$0x510];
	v27 =	vadd.f32 v62, v8  }
0x2d0: {  	[tilespmem:s15+$0x9080] =	vst v24;
	v28 =	vld [tilespmem:$0x510];
	v29 =	vadd.f32 v25, v12  }
0x2d1: {  	v19 =	vmul.f32 v58, v1;
	v30 =	vld [tilespmem:$0x510];
	[tilespmem:s15+$0x9100] =	vst v27  }
0x2d2: {  	v32 =	vld [tilespmem:$0x510];
	[tilespmem:s15+$0x9180] =	vst v29;
	v31 =	vmul.f32 v60, v15  }
0x2d3: {  	v33 =	vadd.f32 v19, v0;
	v34 =	vmul.f32 v63, v14;
	v35 =	vld [tilespmem:$0x510]  }
0x2d4: {  	v23 =	vmul.f32 v26, v13;
	v16 =	vadd.f32 v31, v6  }
0x2d5: {  	[tilespmem:s15+$0x8E10] =	vst v33;
	v18 =	vmul.f32 v28, v10;
	v36 =	vadd.f32 v34, v5  }
0x2d6: {  	v37 =	vld [tilespmem:$0x520];
	v20 =	vmul.f32 v30, v11;
	v38 =	vadd.f32 v23, v4;
	[tilespmem:s15+$0x8E90] =	vst v16  }
0x2d7: {  	v40 =	vadd.f32 v18, v2;
	v41 =	vmul.f32 v32, v9;
	[tilespmem:s15+$0x8F10] =	vst v36;
	v39 =	vld [tilespmem:$0x520]  }
0x2d8: {  	v43 =	vadd.f32 v20, v3;
	[tilespmem:s15+$0x8F90] =	vst v38;
	v42 =	vld [tilespmem:$0x520];
	v44 =	vmul.f32 v35, v7  }
0x2d9: {  	[tilespmem:s15+$0x9010] =	vst v40;
	v45 =	vld [tilespmem:$0x520];
	v46 =	vadd.f32 v41, v8  }
0x2da: {  	[tilespmem:s15+$0x9090] =	vst v43;
	v47 =	vld [tilespmem:$0x520];
	v48 =	vadd.f32 v44, v12  }
0x2db: {  	v19 =	vmul.f32 v37, v1;
	v49 =	vld [tilespmem:$0x520];
	[tilespmem:s15+$0x9110] =	vst v46  }
0x2dc: {  	v51 =	vld [tilespmem:$0x520];
	[tilespmem:s15+$0x9190] =	vst v48;
	v50 =	vmul.f32 v39, v15  }
0x2dd: {  	v52 =	vadd.f32 v19, v0;
	v53 =	vmul.f32 v42, v14;
	v54 =	vld [tilespmem:$0x520]  }
0x2de: {  	v22 =	vmul.f32 v45, v13;
	v17 =	vadd.f32 v50, v6  }
0x2df: {  	[tilespmem:s15+$0x8E20] =	vst v52;
	v18 =	vmul.f32 v47, v10;
	v55 =	vadd.f32 v53, v5  }
0x2e0: {  	v56 =	vld [tilespmem:$0x530];
	v20 =	vmul.f32 v49, v11;
	v57 =	vadd.f32 v22, v4;
	[tilespmem:s15+$0x8EA0] =	vst v17  }
0x2e1: {  	v59 =	vadd.f32 v18, v2;
	v60 =	vmul.f32 v51, v9;
	[tilespmem:s15+$0x8F20] =	vst v55;
	v58 =	vld [tilespmem:$0x530]  }
0x2e2: {  	v62 =	vadd.f32 v20, v3;
	[tilespmem:s15+$0x8FA0] =	vst v57;
	v61 =	vld [tilespmem:$0x530];
	v63 =	vmul.f32 v54, v7  }
0x2e3: {  	[tilespmem:s15+$0x9020] =	vst v59;
	v24 =	vld [tilespmem:$0x530];
	v25 =	vadd.f32 v60, v8  }
0x2e4: {  	[tilespmem:s15+$0x90A0] =	vst v62;
	v26 =	vld [tilespmem:$0x530];
	v27 =	vadd.f32 v63, v12  }
0x2e5: {  	v19 =	vmul.f32 v56, v1;
	v28 =	vld [tilespmem:$0x530];
	[tilespmem:s15+$0x9120] =	vst v25  }
0x2e6: {  	v30 =	vld [tilespmem:$0x530];
	[tilespmem:s15+$0x91A0] =	vst v27;
	v29 =	vmul.f32 v58, v15  }
0x2e7: {  	v31 =	vadd.f32 v19, v0;
	v32 =	vmul.f32 v61, v14;
	v33 =	vld [tilespmem:$0x530]  }
0x2e8: {  	v21 =	vmul.f32 v24, v13;
	v16 =	vadd.f32 v29, v6  }
0x2e9: {  	[tilespmem:s15+$0x8E30] =	vst v31;
	v18 =	vmul.f32 v26, v10;
	v34 =	vadd.f32 v32, v5  }
0x2ea: {  	v35 =	vld [tilespmem:$0x540];
	v20 =	vmul.f32 v28, v11;
	v36 =	vadd.f32 v21, v4;
	[tilespmem:s15+$0x8EB0] =	vst v16  }
0x2eb: {  	v38 =	vadd.f32 v18, v2;
	v39 =	vmul.f32 v30, v9;
	[tilespmem:s15+$0x8F30] =	vst v34;
	v37 =	vld [tilespmem:$0x540]  }
0x2ec: {  	v41 =	vadd.f32 v20, v3;
	[tilespmem:s15+$0x8FB0] =	vst v36;
	v40 =	vld [tilespmem:$0x540];
	v42 =	vmul.f32 v33, v7  }
0x2ed: {  	[tilespmem:s15+$0x9030] =	vst v38;
	v43 =	vld [tilespmem:$0x540];
	v44 =	vadd.f32 v39, v8  }
0x2ee: {  	[tilespmem:s15+$0x90B0] =	vst v41;
	v45 =	vld [tilespmem:$0x540];
	v46 =	vadd.f32 v42, v12  }
0x2ef: {  	v19 =	vmul.f32 v35, v1;
	v47 =	vld [tilespmem:$0x540];
	[tilespmem:s15+$0x9130] =	vst v44  }
0x2f0: {  	v49 =	vld [tilespmem:$0x540];
	[tilespmem:s15+$0x91B0] =	vst v46;
	v48 =	vmul.f32 v37, v15  }
0x2f1: {  	v50 =	vadd.f32 v19, v0;
	v51 =	vmul.f32 v40, v14;
	v52 =	vld [tilespmem:$0x540]  }
0x2f2: {  	v23 =	vmul.f32 v43, v13;
	v17 =	vadd.f32 v48, v6  }
0x2f3: {  	[tilespmem:s15+$0x8E40] =	vst v50;
	v18 =	vmul.f32 v45, v10;
	v53 =	vadd.f32 v51, v5  }
0x2f4: {  	v54 =	vld [tilespmem:$0x550];
	v20 =	vmul.f32 v47, v11;
	v55 =	vadd.f32 v23, v4;
	[tilespmem:s15+$0x8EC0] =	vst v17  }
0x2f5: {  	v57 =	vadd.f32 v18, v2;
	v58 =	vmul.f32 v49, v9;
	[tilespmem:s15+$0x8F40] =	vst v53;
	v56 =	vld [tilespmem:$0x550]  }
0x2f6: {  	v60 =	vadd.f32 v20, v3;
	[tilespmem:s15+$0x8FC0] =	vst v55;
	v59 =	vld [tilespmem:$0x550];
	v61 =	vmul.f32 v52, v7  }
0x2f7: {  	[tilespmem:s15+$0x9040] =	vst v57;
	v62 =	vld [tilespmem:$0x550];
	v63 =	vadd.f32 v58, v8  }
0x2f8: {  	[tilespmem:s15+$0x90C0] =	vst v60;
	v24 =	vld [tilespmem:$0x550];
	v25 =	vadd.f32 v61, v12  }
0x2f9: {  	v19 =	vmul.f32 v54, v1;
	v26 =	vld [tilespmem:$0x550];
	[tilespmem:s15+$0x9140] =	vst v63  }
0x2fa: {  	v28 =	vld [tilespmem:$0x550];
	[tilespmem:s15+$0x91C0] =	vst v25;
	v27 =	vmul.f32 v56, v15  }
0x2fb: {  	v29 =	vadd.f32 v19, v0;
	v30 =	vmul.f32 v59, v14;
	v31 =	vld [tilespmem:$0x550]  }
0x2fc: {  	v22 =	vmul.f32 v62, v13;
	v16 =	vadd.f32 v27, v6  }
0x2fd: {  	[tilespmem:s15+$0x8E50] =	vst v29;
	v18 =	vmul.f32 v24, v10;
	v32 =	vadd.f32 v30, v5  }
0x2fe: {  	v33 =	vld [tilespmem:$0x560];
	v20 =	vmul.f32 v26, v11;
	v34 =	vadd.f32 v22, v4;
	[tilespmem:s15+$0x8ED0] =	vst v16  }
0x2ff: {  	v36 =	vadd.f32 v18, v2;
	v37 =	vmul.f32 v28, v9;
	[tilespmem:s15+$0x8F50] =	vst v32;
	v35 =	vld [tilespmem:$0x560]  }
0x300: {  	v39 =	vadd.f32 v20, v3;
	[tilespmem:s15+$0x8FD0] =	vst v34;
	v38 =	vld [tilespmem:$0x560];
	v40 =	vmul.f32 v31, v7  }
0x301: {  	[tilespmem:s15+$0x9050] =	vst v36;
	v41 =	vld [tilespmem:$0x560];
	v42 =	vadd.f32 v37, v8  }
0x302: {  	[tilespmem:s15+$0x90D0] =	vst v39;
	v43 =	vld [tilespmem:$0x560];
	v44 =	vadd.f32 v40, v12  }
0x303: {  	v19 =	vmul.f32 v33, v1;
	v45 =	vld [tilespmem:$0x560];
	[tilespmem:s15+$0x9150] =	vst v42  }
0x304: {  	v47 =	vld [tilespmem:$0x560];
	[tilespmem:s15+$0x91D0] =	vst v44;
	v46 =	vmul.f32 v35, v15  }
0x305: {  	v48 =	vadd.f32 v19, v0;
	v49 =	vmul.f32 v38, v14;
	v50 =	vld [tilespmem:$0x560]  }
0x306: {  	v21 =	vmul.f32 v41, v13;
	v17 =	vadd.f32 v46, v6  }
0x307: {  	[tilespmem:s15+$0x8E60] =	vst v48;
	v18 =	vmul.f32 v43, v10;
	v51 =	vadd.f32 v49, v5  }
0x308: {  	v52 =	vld [tilespmem:$0x570];
	v20 =	vmul.f32 v45, v11;
	v53 =	vadd.f32 v21, v4;
	[tilespmem:s15+$0x8EE0] =	vst v17  }
0x309: {  	v55 =	vadd.f32 v18, v2;
	v56 =	vmul.f32 v47, v9;
	[tilespmem:s15+$0x8F60] =	vst v51;
	v54 =	vld [tilespmem:$0x570]  }
0x30a: {  	v58 =	vadd.f32 v20, v3;
	[tilespmem:s15+$0x8FE0] =	vst v53;
	v57 =	vld [tilespmem:$0x570];
	v59 =	vmul.f32 v50, v7  }
0x30b: {  	[tilespmem:s15+$0x9060] =	vst v55;
	v60 =	vld [tilespmem:$0x570];
	v61 =	vadd.f32 v56, v8  }
0x30c: {  	[tilespmem:s15+$0x90E0] =	vst v58;
	v62 =	vld [tilespmem:$0x570];
	v63 =	vadd.f32 v59, v12  }
0x30d: {  	v19 =	vmul.f32 v52, v1;
	v24 =	vld [tilespmem:$0x570];
	[tilespmem:s15+$0x9160] =	vst v61  }
0x30e: {  	v26 =	vld [tilespmem:$0x570];
	[tilespmem:s15+$0x91E0] =	vst v63;
	v25 =	vmul.f32 v54, v15  }
0x30f: {  	v27 =	vadd.f32 v19, v0;
	v28 =	vmul.f32 v57, v14;
	v29 =	vld [tilespmem:$0x570]  }
0x310: {  	v23 =	vmul.f32 v60, v13;
	v16 =	vadd.f32 v25, v6  }
0x311: {  	[tilespmem:s15+$0x8E70] =	vst v27;
	v18 =	vmul.f32 v62, v10;
	v30 =	vadd.f32 v28, v5  }
0x312: {  	v31 =	vld [tilespmem:$0x580];
	v20 =	vmul.f32 v24, v11;
	v32 =	vadd.f32 v23, v4;
	[tilespmem:s15+$0x8EF0] =	vst v16  }
0x313: {  	v34 =	vadd.f32 v18, v2;
	v35 =	vmul.f32 v26, v9;
	[tilespmem:s15+$0x8F70] =	vst v30;
	v33 =	vld [tilespmem:$0x580]  }
0x314: {  	v37 =	vadd.f32 v20, v3;
	[tilespmem:s15+$0x8FF0] =	vst v32;
	v36 =	vld [tilespmem:$0x580];
	v38 =	vmul.f32 v29, v7  }
0x315: {  	[tilespmem:s15+$0x9070] =	vst v34;
	v39 =	vld [tilespmem:$0x580];
	v40 =	vadd.f32 v35, v8  }
0x316: {  	[tilespmem:s15+$0x90F0] =	vst v37;
	v41 =	vld [tilespmem:$0x580];
	v42 =	vadd.f32 v38, v12  }
0x317: {  	v19 =	vmul.f32 v31, v1;
	v43 =	vld [tilespmem:$0x580];
	[tilespmem:s15+$0x9170] =	vst v40  }
0x318: {  	v45 =	vld [tilespmem:$0x580];
	[tilespmem:s15+$0x91F0] =	vst v42;
	v44 =	vmul.f32 v33, v15  }
0x319: {  	v46 =	vadd.f32 v19, v0;
	v47 =	vmul.f32 v36, v14;
	v48 =	vld [tilespmem:$0x580]  }
0x31a: {  	v22 =	vmul.f32 v39, v13;
	v17 =	vadd.f32 v44, v6  }
0x31b: {  	[tilespmem:s15+$0x9200] =	vst v46;
	v18 =	vmul.f32 v41, v10;
	v49 =	vadd.f32 v47, v5  }
0x31c: {  	v50 =	vld [tilespmem:$0x590];
	v20 =	vmul.f32 v43, v11;
	v51 =	vadd.f32 v22, v4;
	[tilespmem:s15+$0x9280] =	vst v17  }
0x31d: {  	v53 =	vadd.f32 v18, v2;
	v54 =	vmul.f32 v45, v9;
	[tilespmem:s15+$0x9300] =	vst v49;
	v52 =	vld [tilespmem:$0x590]  }
0x31e: {  	v56 =	vadd.f32 v20, v3;
	[tilespmem:s15+$0x9380] =	vst v51;
	v55 =	vld [tilespmem:$0x590];
	v57 =	vmul.f32 v48, v7  }
0x31f: {  	[tilespmem:s15+$0x9400] =	vst v53;
	v58 =	vld [tilespmem:$0x590];
	v59 =	vadd.f32 v54, v8  }
0x320: {  	[tilespmem:s15+$0x9480] =	vst v56;
	v60 =	vld [tilespmem:$0x590];
	v61 =	vadd.f32 v57, v12  }
0x321: {  	v19 =	vmul.f32 v50, v1;
	v62 =	vld [tilespmem:$0x590];
	[tilespmem:s15+$0x9500] =	vst v59  }
0x322: {  	v24 =	vld [tilespmem:$0x590];
	[tilespmem:s15+$0x9580] =	vst v61;
	v63 =	vmul.f32 v52, v15  }
0x323: {  	v25 =	vadd.f32 v19, v0;
	v26 =	vmul.f32 v55, v14;
	v27 =	vld [tilespmem:$0x590]  }
0x324: {  	v21 =	vmul.f32 v58, v13;
	v16 =	vadd.f32 v63, v6  }
0x325: {  	[tilespmem:s15+$0x9210] =	vst v25;
	v18 =	vmul.f32 v60, v10;
	v28 =	vadd.f32 v26, v5  }
0x326: {  	v29 =	vld [tilespmem:$0x5A0];
	v20 =	vmul.f32 v62, v11;
	v30 =	vadd.f32 v21, v4;
	[tilespmem:s15+$0x9290] =	vst v16  }
0x327: {  	v32 =	vadd.f32 v18, v2;
	v33 =	vmul.f32 v24, v9;
	[tilespmem:s15+$0x9310] =	vst v28;
	v31 =	vld [tilespmem:$0x5A0]  }
0x328: {  	v35 =	vadd.f32 v20, v3;
	[tilespmem:s15+$0x9390] =	vst v30;
	v34 =	vld [tilespmem:$0x5A0];
	v36 =	vmul.f32 v27, v7  }
0x329: {  	[tilespmem:s15+$0x9410] =	vst v32;
	v37 =	vld [tilespmem:$0x5A0];
	v38 =	vadd.f32 v33, v8  }
0x32a: {  	[tilespmem:s15+$0x9490] =	vst v35;
	v39 =	vld [tilespmem:$0x5A0];
	v40 =	vadd.f32 v36, v12  }
0x32b: {  	v19 =	vmul.f32 v29, v1;
	v41 =	vld [tilespmem:$0x5A0];
	[tilespmem:s15+$0x9510] =	vst v38  }
0x32c: {  	v43 =	vld [tilespmem:$0x5A0];
	[tilespmem:s15+$0x9590] =	vst v40;
	v42 =	vmul.f32 v31, v15  }
0x32d: {  	v44 =	vadd.f32 v19, v0;
	v45 =	vmul.f32 v34, v14;
	v46 =	vld [tilespmem:$0x5A0]  }
0x32e: {  	v23 =	vmul.f32 v37, v13;
	v17 =	vadd.f32 v42, v6  }
0x32f: {  	[tilespmem:s15+$0x9220] =	vst v44;
	v18 =	vmul.f32 v39, v10;
	v47 =	vadd.f32 v45, v5  }
0x330: {  	v48 =	vld [tilespmem:$0x5B0];
	v20 =	vmul.f32 v41, v11;
	v49 =	vadd.f32 v23, v4;
	[tilespmem:s15+$0x92A0] =	vst v17  }
0x331: {  	v51 =	vadd.f32 v18, v2;
	v52 =	vmul.f32 v43, v9;
	[tilespmem:s15+$0x9320] =	vst v47;
	v50 =	vld [tilespmem:$0x5B0]  }
0x332: {  	v54 =	vadd.f32 v20, v3;
	[tilespmem:s15+$0x93A0] =	vst v49;
	v53 =	vld [tilespmem:$0x5B0];
	v55 =	vmul.f32 v46, v7  }
0x333: {  	[tilespmem:s15+$0x9420] =	vst v51;
	v56 =	vld [tilespmem:$0x5B0];
	v57 =	vadd.f32 v52, v8  }
0x334: {  	[tilespmem:s15+$0x94A0] =	vst v54;
	v58 =	vld [tilespmem:$0x5B0];
	v59 =	vadd.f32 v55, v12  }
0x335: {  	v19 =	vmul.f32 v48, v1;
	v60 =	vld [tilespmem:$0x5B0];
	[tilespmem:s15+$0x9520] =	vst v57  }
0x336: {  	v62 =	vld [tilespmem:$0x5B0];
	[tilespmem:s15+$0x95A0] =	vst v59;
	v61 =	vmul.f32 v50, v15  }
0x337: {  	v63 =	vadd.f32 v19, v0;
	v24 =	vmul.f32 v53, v14;
	v25 =	vld [tilespmem:$0x5B0]  }
0x338: {  	v22 =	vmul.f32 v56, v13;
	v16 =	vadd.f32 v61, v6  }
0x339: {  	[tilespmem:s15+$0x9230] =	vst v63;
	v18 =	vmul.f32 v58, v10;
	v26 =	vadd.f32 v24, v5  }
0x33a: {  	v27 =	vld [tilespmem:$0x5C0];
	v20 =	vmul.f32 v60, v11;
	v28 =	vadd.f32 v22, v4;
	[tilespmem:s15+$0x92B0] =	vst v16  }
0x33b: {  	v30 =	vadd.f32 v18, v2;
	v31 =	vmul.f32 v62, v9;
	[tilespmem:s15+$0x9330] =	vst v26;
	v29 =	vld [tilespmem:$0x5C0]  }
0x33c: {  	v33 =	vadd.f32 v20, v3;
	[tilespmem:s15+$0x93B0] =	vst v28;
	v32 =	vld [tilespmem:$0x5C0];
	v34 =	vmul.f32 v25, v7  }
0x33d: {  	[tilespmem:s15+$0x9430] =	vst v30;
	v35 =	vld [tilespmem:$0x5C0];
	v36 =	vadd.f32 v31, v8  }
0x33e: {  	[tilespmem:s15+$0x94B0] =	vst v33;
	v37 =	vld [tilespmem:$0x5C0];
	v38 =	vadd.f32 v34, v12  }
0x33f: {  	v19 =	vmul.f32 v27, v1;
	v39 =	vld [tilespmem:$0x5C0];
	[tilespmem:s15+$0x9530] =	vst v36  }
0x340: {  	v41 =	vld [tilespmem:$0x5C0];
	[tilespmem:s15+$0x95B0] =	vst v38;
	v40 =	vmul.f32 v29, v15  }
0x341: {  	v42 =	vadd.f32 v19, v0;
	v43 =	vmul.f32 v32, v14;
	v44 =	vld [tilespmem:$0x5C0]  }
0x342: {  	v21 =	vmul.f32 v35, v13;
	v17 =	vadd.f32 v40, v6  }
0x343: {  	[tilespmem:s15+$0x9240] =	vst v42;
	v18 =	vmul.f32 v37, v10;
	v45 =	vadd.f32 v43, v5  }
0x344: {  	v46 =	vld [tilespmem:$0x5D0];
	v20 =	vmul.f32 v39, v11;
	v47 =	vadd.f32 v21, v4;
	[tilespmem:s15+$0x92C0] =	vst v17  }
0x345: {  	v49 =	vadd.f32 v18, v2;
	v50 =	vmul.f32 v41, v9;
	[tilespmem:s15+$0x9340] =	vst v45;
	v48 =	vld [tilespmem:$0x5D0]  }
0x346: {  	v52 =	vadd.f32 v20, v3;
	[tilespmem:s15+$0x93C0] =	vst v47;
	v51 =	vld [tilespmem:$0x5D0];
	v53 =	vmul.f32 v44, v7  }
0x347: {  	[tilespmem:s15+$0x9440] =	vst v49;
	v54 =	vld [tilespmem:$0x5D0];
	v55 =	vadd.f32 v50, v8  }
0x348: {  	[tilespmem:s15+$0x94C0] =	vst v52;
	v56 =	vld [tilespmem:$0x5D0];
	v57 =	vadd.f32 v53, v12  }
0x349: {  	v19 =	vmul.f32 v46, v1;
	v58 =	vld [tilespmem:$0x5D0];
	[tilespmem:s15+$0x9540] =	vst v55  }
0x34a: {  	v60 =	vld [tilespmem:$0x5D0];
	[tilespmem:s15+$0x95C0] =	vst v57;
	v59 =	vmul.f32 v48, v15  }
0x34b: {  	v61 =	vadd.f32 v19, v0;
	v62 =	vmul.f32 v51, v14;
	v63 =	vld [tilespmem:$0x5D0]  }
0x34c: {  	v23 =	vmul.f32 v54, v13;
	v16 =	vadd.f32 v59, v6  }
0x34d: {  	[tilespmem:s15+$0x9250] =	vst v61;
	v18 =	vmul.f32 v56, v10;
	v24 =	vadd.f32 v62, v5  }
0x34e: {  	v25 =	vld [tilespmem:$0x5E0];
	v20 =	vmul.f32 v58, v11;
	v26 =	vadd.f32 v23, v4;
	[tilespmem:s15+$0x92D0] =	vst v16  }
0x34f: {  	v28 =	vadd.f32 v18, v2;
	v29 =	vmul.f32 v60, v9;
	[tilespmem:s15+$0x9350] =	vst v24;
	v27 =	vld [tilespmem:$0x5E0]  }
0x350: {  	v31 =	vadd.f32 v20, v3;
	[tilespmem:s15+$0x93D0] =	vst v26;
	v30 =	vld [tilespmem:$0x5E0];
	v32 =	vmul.f32 v63, v7  }
0x351: {  	[tilespmem:s15+$0x9450] =	vst v28;
	v33 =	vld [tilespmem:$0x5E0];
	v34 =	vadd.f32 v29, v8  }
0x352: {  	[tilespmem:s15+$0x94D0] =	vst v31;
	v35 =	vld [tilespmem:$0x5E0];
	v36 =	vadd.f32 v32, v12  }
0x353: {  	v19 =	vmul.f32 v25, v1;
	v37 =	vld [tilespmem:$0x5E0];
	[tilespmem:s15+$0x9550] =	vst v34  }
0x354: {  	v39 =	vld [tilespmem:$0x5E0];
	[tilespmem:s15+$0x95D0] =	vst v36;
	v38 =	vmul.f32 v27, v15  }
0x355: {  	v40 =	vadd.f32 v19, v0;
	v41 =	vmul.f32 v30, v14;
	v42 =	vld [tilespmem:$0x5E0]  }
0x356: {  	v22 =	vmul.f32 v33, v13;
	v17 =	vadd.f32 v38, v6  }
0x357: {  	[tilespmem:s15+$0x9260] =	vst v40;
	v18 =	vmul.f32 v35, v10;
	v43 =	vadd.f32 v41, v5  }
0x358: {  	v44 =	vld [tilespmem:$0x5F0];
	v20 =	vmul.f32 v37, v11;
	v45 =	vadd.f32 v22, v4;
	[tilespmem:s15+$0x92E0] =	vst v17  }
0x359: {  	v18 =	vadd.f32 v18, v2;
	v47 =	vmul.f32 v39, v9;
	[tilespmem:s15+$0x9360] =	vst v43;
	v46 =	vld [tilespmem:$0x5F0]  }
0x35a: {  	v20 =	vadd.f32 v20, v3;
	[tilespmem:s15+$0x93E0] =	vst v45;
	v48 =	vld [tilespmem:$0x5F0];
	v21 =	vmul.f32 v42, v7  }
0x35b: {  	[tilespmem:s15+$0x9460] =	vst v18;
	v49 =	vld [tilespmem:$0x5F0];
	v22 =	vadd.f32 v47, v8  }
0x35c: {  	[tilespmem:s15+$0x94E0] =	vst v20;
	v50 =	vld [tilespmem:$0x5F0];
	v21 =	vadd.f32 v21, v12  }
0x35d: {  	v1 =	vmul.f32 v44, v1;
	v51 =	vld [tilespmem:$0x5F0];
	[tilespmem:s15+$0x9560] =	vst v22  }
0x35e: {  	v52 =	vld [tilespmem:$0x5F0];
	[tilespmem:s15+$0x95E0] =	vst v21;
	v15 =	vmul.f32 v46, v15  }
0x35f: {  	v0 =	vadd.f32 v1, v0;
	v53 =	vmul.f32 v48, v14;
	v54 =	vld [tilespmem:$0x5F0]  }
0x360: {  	v13 =	vmul.f32 v49, v13;
	v6 =	vadd.f32 v15, v6  }
0x361: {  	[tilespmem:s15+$0x9270] =	vst v0;
	v56 =	vmul.f32 v50, v10;
	v55 =	vadd.f32 v53, v5  }
0x362: {  	v57 =	vmul.f32 v51, v11;
	v4 =	vadd.f32 v13, v4;
	[tilespmem:s15+$0x92F0] =	vst v6  }
0x363: {  	p0 =	slt.u32 s13, $0x38;
	v58 =	vadd.f32 v56, v2;
	v59 =	vmul.f32 v52, v9;
	[tilespmem:s15+$0x9370] =	vst v55  }
.Ltmp3:
0x364: {  	v60 =	vadd.f32 v57, v3;
	[tilespmem:s15+$0x93F0] =	vst v4;
	v61 =	vmul.f32 v54, v7;
	(pc) =	sbr.rel @p0 .LBB2_9-.Ltmp3, $4  }
0x365: {  	[tilespmem:s15+$0x9470] =	vst v58;
	v62 =	vadd.f32 v59, v8  }
0x366: {  	[tilespmem:s15+$0x94F0] =	vst v60;
	v63 =	vadd.f32 v61, v12  }
0x367: {  	s19 =	sadd.s32 $0x8, s13;
	[tilespmem:s15+$0x9570] =	vst v62  }
0x368: {  	s13 =	smov.u32 s19;
	[tilespmem:s15+$0x95F0] =	vst v63  }
0x369: {  	s0 =	sadd.s32 $0x1, s0  }
0x36a: {  	p0 =	sne.s32 s0, $0x19  }
.Ltmp4:
0x36b: {  	s6 =	sshll.u32 s11, $0x12;
	(pc) =	sbr.rel @p0 .LBB2_2-.Ltmp4, $4  }
0x36c: {  	s2 =	sor.u32 s2, s6  }
0x36d: {  	s2 =	sshrl.u32 s2, $0x3  }
0x36e: {  	s2 =	sadd.s32 s3, s2  }
0x36f: {  	[hbm4b:s2+s25] =	stream.strided.scatter [tilespmem:s29], [sflag:$0x2], $0x8000, s26, s25, $0x38;
	[tilespmem:$0x14600] =	vst v63  }
0x370: {  	s31 =	sadd.s32 $0x1, s31  }
0x371: {  	_ =	swait.ge [sflag:s30], $0x8000;
	p0 =	sne.s32 s31, s10  }
.Ltmp5:
0x372: {  	[sflag:s30] =	ssyncset.done $0x0;
	(pc) =	sbr.rel @p0 .LBB2_1-.Ltmp5, $4  }
0x373: {  	[sflag:s30] =	ssyncadd.s32 $0xFFFF8000  }
0x374: {  	_ =	swait.ge [sflag:s30], $0x8000  }
0x375: {  	[sflag:s30] =	ssyncset.done $0x0  }
0x376: {  	[sflag:s30] =	ssyncadd.s32 $0xFFFF8000  }
0x377: {  	_ =	sfence.sel $0x180000  }
0x378: {  	[bflag:$0x0] =	sbarrier.arrive $0xFFFF  }
0x379: {  	_ =	strace $0x90000047  }
0x37a: {  	s0 =	stileid.u32;
	[bflag:$0x2] =	sbarrier.arrive $0xFFFF  }
0x37b: {  	p0 =	sne.s32 s0, $0x0;
	s0 =	rddreg [dreg:$0x3]  }
0x37c: {  	s0 =	sadd.s32 @!p0 $0x100000, s0  }
0x37d: {  	[sflag:s0] =	ssyncadd.tile.s32 @!p0 $0x1;
	_ =	shalt  }
.Lfunc_end2:
_tile_overlayer_lowered:
.L_overlay_start_2:
0x37e: {  	(tag) =	ssettag $0x2  }
0x37f: {  	s0 =	rddreg [dreg:$0x0];
	s2 =	stileid.u32  }
0x380: {  	s1 =	rddreg [dreg:$0x1];
	p0 =	sne.s32 s2, $0x0  }
0x381: {  	s3 =	rddreg [dreg:$0x2];
	[bflag:$0x3] =	sbarrier.arrive $0xFFFF;
	s2 =	simm.s32 @!p0 $0x1C03  }
0x382: {  	[timem:s3], [sflag:s2] =	dma.local @!p0 [hbm:s0], s1  }
0x383: {  	s0 =	simm.s32 @!p0 $0x3  }
0x384: {  	_ =	swait.ge @!p0 [sflag:s0], s1  }
0x385: {  	s1 =	ssub.s32 @!p0 $0x0, s1;
	[sflag:s0] =	ssyncset.done @!p0 $0x0  }
0x386: {  	[sflag:s0] =	ssyncadd.s32 @!p0 s1  }
0x387: {  	[bflag:$0x3] =	sbarrier.arrive $0xFFFF  }
0x388: {  	_ =	shalt  }

</sc_bundles>
